<compile_context>
chip_gen: v7x
topology: tpu7x:2x2x1
jax: 0.10.2.dev20260603
libtpu: 0.0.44.dev20260713+nightly
codegen_flags: <defaults>
</compile_context>

<pallas_src>
import functools

import jax
import jax.numpy as jnp
from jax import lax
from jax.experimental import pallas as pl
from jax.experimental.pallas import tpu as pltpu
from jax.experimental.pallas import tpu_sc as plsc

V = 7
D = 512
B = 16384
A0 = 4096
NC = 2
NS = 16
NW = NC * NS
B_PER_W = A0 // NW
CHUNK = 64
N_CHUNKS = B_PER_W // CHUNK
NBUF = 3
COLB = D // 16

TC_BLK = 1024
TC_G = (B - A0) // TC_BLK


def _sc_lookup(idx2d, table_flat):
    mesh = plsc.VectorSubcoreMesh(core_axis_name="c", subcore_axis_name="s")

    @functools.partial(
        pl.kernel,
        mesh=mesh,
        out_type=jax.ShapeDtypeStruct((A0 * D,), jnp.float32),
        scratch_types=[
            pltpu.VMEM((B_PER_W,), jnp.int32),
            pltpu.VMEM((V * D,), jnp.float32),
            pltpu.VMEM((CHUNK * D,), jnp.float32),
            pltpu.VMEM((CHUNK * D,), jnp.float32),
            pltpu.VMEM((CHUNK * D,), jnp.float32),
            pltpu.SMEM((B_PER_W,), jnp.int32),
            pltpu.SemaphoreType.DMA,
            pltpu.SemaphoreType.DMA,
            pltpu.SemaphoreType.DMA,
        ],
    )
    def k(idx_hbm, tab_hbm, out_hbm, idx_v, tab_v,
          buf0, buf1, buf2, base_s, s0, s1, s2):
        wid = lax.axis_index("s") * NC + lax.axis_index("c")
        pltpu.sync_copy(tab_hbm, tab_v)
        pltpu.sync_copy(idx_hbm.at[wid], idx_v)

        for g in range(B_PER_W // 16):
            iv = idx_v[pl.ds(g * 16, 16)] * D
            for l in range(16):
                base_s[g * 16 + l] = iv[l]

        bufs = (buf0, buf1, buf2)
        ssem = (s0, s1, s2)
        sh = [None] * min(NBUF, N_CHUNKS)
        for c in range(N_CHUNKS):
            p = c % NBUF
            buf = bufs[p]
            if c >= NBUF and sh[p] is not None:
                sh[p].wait()

            @plsc.parallel_loop(0, CHUNK, unroll=4)
            def row_body(l, buf=buf, c=c):
                base = base_s[c * CHUNK + l]
                for j in range(COLB):
                    buf[pl.ds(l * D + j * 16, 16)] = tab_v[pl.ds(base + j * 16, 16)]

            sh[p] = pltpu.async_copy(
                buf,
                out_hbm.at[pl.ds((wid * B_PER_W + c * CHUNK) * D, CHUNK * D)],
                ssem[p])
        for h in sh:
            if h is not None:
                h.wait()

    return k(idx2d, table_flat)


def _tc_body(idx_ref, tab_ref, out_ref):
    iv = idx_ref[...]
    acc = jnp.broadcast_to(tab_ref[0][None, :], (TC_BLK, D))
    for v in range(1, V):
        acc = jnp.where(iv == v, tab_ref[v][None, :], acc)
    out_ref[...] = acc


def _tc_lookup(idx2, table8):
    return pl.pallas_call(
        _tc_body,
        grid=(TC_G,),
        in_specs=[
            pl.BlockSpec((TC_BLK, 1), lambda i: (A0 // TC_BLK + i, 0)),
            pl.BlockSpec((8, D), lambda i: (0, 0)),
        ],
        out_specs=pl.BlockSpec((TC_BLK, D), lambda i: (A0 // TC_BLK + i, 0)),
        out_shape=jax.ShapeDtypeStruct((B, D), jnp.float32),
    )(idx2, table8)


def kernel(emotion_index, table):
    idx = emotion_index.astype(jnp.int32)
    sc_out = _sc_lookup(idx[:A0].reshape(NW, B_PER_W), table.reshape(V * D))
    table8 = jnp.concatenate(
        [table, jnp.zeros((8 - V, D), jnp.float32)], axis=0)
    tc_out = _tc_lookup(idx.reshape(B, 1), table8)
    return lax.dynamic_update_slice(tc_out, sc_out.reshape(A0, D), (0, 0))

# --- scband reference (transcript-rebuilt; emitter-appended) ---
"""Pipeline reference for scband-emotion-model-75514114998635 (READ-ONLY COPY).

The authoritative reference and input builder live on the scoring server;
editing this copy changes nothing except your own understanding.
"""

import jax, jax.numpy as jnp
import numpy as np

NUM_EMBEDDINGS = 7
EMBED_DIM = 512
BATCH = 16384


def setup_inputs(seed: int = 0) -> dict:
    key = jax.random.key(seed)
    k_idx, k_tab = jax.random.split(key)
    emotion_index = jax.random.randint(k_idx, (BATCH,), 0, NUM_EMBEDDINGS, dtype=jnp.int64 if jax.config.jax_enable_x64 else jnp.int32)
    table = jax.random.normal(k_tab, (NUM_EMBEDDINGS, EMBED_DIM), dtype=jnp.float32)
    return {"emotion_index": emotion_index, "table": table}


def reference(emotion_index, table):
    # nn.Embedding lookup: gather rows of the table
    return jnp.take(table, emotion_index, axis=0)

if __name__ == "__main__":
    import jax
    _d = setup_inputs()
    print(jax.jit(kernel)(*tuple(_d.values())))

</pallas_src>

<mosaic_0001>
#map = affine_map<(d0, d1) -> (0, 0)>
#map1 = affine_map<(d0, d1) -> (0)>
module attributes {stable_mosaic.version = 14 : i64} {
  func.func @k(%arg0: i32, %arg1: i32, %arg2: memref<32x128xi32, #tpu.memory_space<hbm>>, %arg3: memref<3584xf32, #tpu.memory_space<hbm>>, %arg4: memref<2097152xf32, #tpu.memory_space<hbm>>, %arg5: memref<128xi32, #tpu.memory_space<vmem>>, %arg6: memref<3584xf32, #tpu.memory_space<vmem>>, %arg7: memref<32768xf32, #tpu.memory_space<vmem>>, %arg8: memref<32768xf32, #tpu.memory_space<vmem>>, %arg9: memref<32768xf32, #tpu.memory_space<vmem>>, %arg10: memref<128xi32, #tpu.memory_space<smem>>, %arg11: memref<!tpu.dma_semaphore, #tpu.memory_space<semaphore_mem>>, %arg12: memref<!tpu.dma_semaphore, #tpu.memory_space<semaphore_mem>>, %arg13: memref<!tpu.dma_semaphore, #tpu.memory_space<semaphore_mem>>) attributes {dimension_semantics = [#tpu.dimension_semantics<core_parallel>, #tpu.dimension_semantics<subcore_parallel>], iteration_bounds = array<i64: 2, 16>, scalar_prefetch = 0 : i64, scratch_operands = 9 : i64, tpu.core_type = #tpu.core_type<sc_vector_subcore>, window_params = [{transform_indices = #map}, {transform_indices = #map1}, {transform_indices = #map1}]} {
    %mul3A = arith.constant 2 : i32
    %mul3A_0 = arith.muli %arg1, %mul3A : i32
    %add3A = arith.addi %mul3A_0, %arg0 : i32
    "tpu.region"() ({
      %run_scoped3A = tpu.sem_alloc : memref<!tpu.dma_semaphore, #tpu.memory_space<semaphore_mem>>
      tpu.enqueue_dma source(%arg3 : memref<3584xf32, #tpu.memory_space<hbm>>) target(%arg6 : memref<3584xf32, #tpu.memory_space<vmem>>) target_semaphore(%run_scoped3A : memref<!tpu.dma_semaphore, #tpu.memory_space<semaphore_mem>>)
      tpu.wait_dma2 semaphore(%run_scoped3A : memref<!tpu.dma_semaphore, #tpu.memory_space<semaphore_mem>>) src(%arg3 : memref<3584xf32, #tpu.memory_space<hbm>>) dst(%arg6 : memref<3584xf32, #tpu.memory_space<vmem>>)
      tpu.yield
    }) : () -> ()
    "tpu.region"() ({
      %run_scoped3A = tpu.sem_alloc : memref<!tpu.dma_semaphore, #tpu.memory_space<semaphore_mem>>
      %dma_start3A_708 = arith.constant 0 : i32
      %dma_start3A_709 = tpu.memref_slice %arg2[%add3A, %dma_start3A_708] : memref<32x128xi32, #tpu.memory_space<hbm>> -> memref<1x128xi32, #tpu.memory_space<hbm>>
      %dma_start3A_710 = tpu.memref_squeeze %dma_start3A_709 : memref<1x128xi32, #tpu.memory_space<hbm>> -> memref<128xi32, #tpu.memory_space<hbm>>
      %dma_start3A_711 = arith.constant 0 : i32
      %dma_start3A_712 = tpu.memref_slice %arg2[%add3A, %dma_start3A_711] : memref<32x128xi32, #tpu.memory_space<hbm>> -> memref<1x128xi32, #tpu.memory_space<hbm>>
      %dma_start3A_713 = tpu.memref_squeeze %dma_start3A_712 : memref<1x128xi32, #tpu.memory_space<hbm>> -> memref<128xi32, #tpu.memory_space<hbm>>
      tpu.enqueue_dma source(%dma_start3A_713 : memref<128xi32, #tpu.memory_space<hbm>>) target(%arg5 : memref<128xi32, #tpu.memory_space<vmem>>) target_semaphore(%run_scoped3A : memref<!tpu.dma_semaphore, #tpu.memory_space<semaphore_mem>>)
      %dma_wait3A_714 = arith.constant 0 : i32
      %dma_wait3A_715 = tpu.memref_slice %arg2[%add3A, %dma_wait3A_714] : memref<32x128xi32, #tpu.memory_space<hbm>> -> memref<1x128xi32, #tpu.memory_space<hbm>>
      %dma_wait3A_716 = tpu.memref_squeeze %dma_wait3A_715 : memref<1x128xi32, #tpu.memory_space<hbm>> -> memref<128xi32, #tpu.memory_space<hbm>>
      %dma_wait3A_717 = arith.constant 0 : i32
      %dma_wait3A_718 = tpu.memref_slice %arg2[%add3A, %dma_wait3A_717] : memref<32x128xi32, #tpu.memory_space<hbm>> -> memref<1x128xi32, #tpu.memory_space<hbm>>
      %dma_wait3A_719 = tpu.memref_squeeze %dma_wait3A_718 : memref<1x128xi32, #tpu.memory_space<hbm>> -> memref<128xi32, #tpu.memory_space<hbm>>
      tpu.wait_dma2 semaphore(%run_scoped3A : memref<!tpu.dma_semaphore, #tpu.memory_space<semaphore_mem>>) src(%dma_wait3A_719 : memref<128xi32, #tpu.memory_space<hbm>>) dst(%arg5 : memref<128xi32, #tpu.memory_space<vmem>>)
      tpu.yield
    }) : () -> ()
    %get3A = arith.constant 0 : index
    %get3A_1 = tpu.vector_load %arg5[%get3A] {strides = array<i32>} : memref<128xi32, #tpu.memory_space<vmem>>, vector<16xi32>,
    %get3A_2 = vector.shape_cast %get3A_1 : vector<16xi32> to vector<16xi32>
    %mul3A_3 = arith.constant 512 : i32
    %mul3A_4 = vector.broadcast %mul3A_3 : i32 to vector<16xi32>
    %mul3A_5 = arith.muli %get3A_2, %mul3A_4 : vector<16xi32>
    %slice3A = vector.extract_strided_slice %mul3A_5 {offsets = [0], sizes = [1], strides = [1]} : vector<16xi32> to vector<1xi32>
    %squeeze3A = vector.extract %slice3A[0] : i32 from vector<1xi32>
    %swap3A = arith.constant 0 : i32
    %swap3A_6 = arith.index_cast %swap3A : i32 to index
    %swap3A_7 = memref.load %arg10[%swap3A_6] : memref<128xi32, #tpu.memory_space<smem>>
    memref.store %squeeze3A, %arg10[%swap3A_6] : memref<128xi32, #tpu.memory_space<smem>>
    %slice3A_8 = vector.extract_strided_slice %mul3A_5 {offsets = [1], sizes = [1], strides = [1]} : vector<16xi32> to vector<1xi32>
    %squeeze3A_9 = vector.extract %slice3A_8[0] : i32 from vector<1xi32>
    %swap3A_10 = arith.constant 1 : i32
    %swap3A_11 = arith.index_cast %swap3A_10 : i32 to index
    %swap3A_12 = memref.load %arg10[%swap3A_11] : memref<128xi32, #tpu.memory_space<smem>>
    memref.store %squeeze3A_9, %arg10[%swap3A_11] : memref<128xi32, #tpu.memory_space<smem>>
    %slice3A_13 = vector.extract_strided_slice %mul3A_5 {offsets = [2], sizes = [1], strides = [1]} : vector<16xi32> to vector<1xi32>
    %squeeze3A_14 = vector.extract %slice3A_13[0] : i32 from vector<1xi32>
    %swap3A_15 = arith.constant 2 : i32
    %swap3A_16 = arith.index_cast %swap3A_15 : i32 to index
    %swap3A_17 = memref.load %arg10[%swap3A_16] : memref<128xi32, #tpu.memory_space<smem>>
    memref.store %squeeze3A_14, %arg10[%swap3A_16] : memref<128xi32, #tpu.memory_space<smem>>
    %slice3A_18 = vector.extract_strided_slice %mul3A_5 {offsets = [3], sizes = [1], strides = [1]} : vector<16xi32> to vector<1xi32>
    %squeeze3A_19 = vector.extract %slice3A_18[0] : i32 from vector<1xi32>
    %swap3A_20 = arith.constant 3 : i32
    %swap3A_21 = arith.index_cast %swap3A_20 : i32 to index
    %swap3A_22 = memref.load %arg10[%swap3A_21] : memref<128xi32, #tpu.memory_space<smem>>
    memref.store %squeeze3A_19, %arg10[%swap3A_21] : memref<128xi32, #tpu.memory_space<smem>>
    %slice3A_23 = vector.extract_strided_slice %mul3A_5 {offsets = [4], sizes = [1], strides = [1]} : vector<16xi32> to vector<1xi32>
    %squeeze3A_24 = vector.extract %slice3A_23[0] : i32 from vector<1xi32>
    %swap3A_25 = arith.constant 4 : i32
    %swap3A_26 = arith.index_cast %swap3A_25 : i32 to index
    %swap3A_27 = memref.load %arg10[%swap3A_26] : memref<128xi32, #tpu.memory_space<smem>>
    memref.store %squeeze3A_24, %arg10[%swap3A_26] : memref<128xi32, #tpu.memory_space<smem>>
    %slice3A_28 = vector.extract_strided_slice %mul3A_5 {offsets = [5], sizes = [1], strides = [1]} : vector<16xi32> to vector<1xi32>
    %squeeze3A_29 = vector.extract %slice3A_28[0] : i32 from vector<1xi32>
    %swap3A_30 = arith.constant 5 : i32
    %swap3A_31 = arith.index_cast %swap3A_30 : i32 to index
    %swap3A_32 = memref.load %arg10[%swap3A_31] : memref<128xi32, #tpu.memory_space<smem>>
    memref.store %squeeze3A_29, %arg10[%swap3A_31] : memref<128xi32, #tpu.memory_space<smem>>
    %slice3A_33 = vector.extract_strided_slice %mul3A_5 {offsets = [6], sizes = [1], strides = [1]} : vector<16xi32> to vector<1xi32>
    %squeeze3A_34 = vector.extract %slice3A_33[0] : i32 from vector<1xi32>
    %swap3A_35 = arith.constant 6 : i32
    %swap3A_36 = arith.index_cast %swap3A_35 : i32 to index
    %swap3A_37 = memref.load %arg10[%swap3A_36] : memref<128xi32, #tpu.memory_space<smem>>
    memref.store %squeeze3A_34, %arg10[%swap3A_36] : memref<128xi32, #tpu.memory_space<smem>>
    %slice3A_38 = vector.extract_strided_slice %mul3A_5 {offsets = [7], sizes = [1], strides = [1]} : vector<16xi32> to vector<1xi32>
    %squeeze3A_39 = vector.extract %slice3A_38[0] : i32 from vector<1xi32>
    %swap3A_40 = arith.constant 7 : i32
    %swap3A_41 = arith.index_cast %swap3A_40 : i32 to index
    %swap3A_42 = memref.load %arg10[%swap3A_41] : memref<128xi32, #tpu.memory_space<smem>>
    memref.store %squeeze3A_39, %arg10[%swap3A_41] : memref<128xi32, #tpu.memory_space<smem>>
    %slice3A_43 = vector.extract_strided_slice %mul3A_5 {offsets = [8], sizes = [1], strides = [1]} : vector<16xi32> to vector<1xi32>
    %squeeze3A_44 = vector.extract %slice3A_43[0] : i32 from vector<1xi32>
    %swap3A_45 = arith.constant 8 : i32
    %swap3A_46 = arith.index_cast %swap3A_45 : i32 to index
    %swap3A_47 = memref.load %arg10[%swap3A_46] : memref<128xi32, #tpu.memory_space<smem>>
    memref.store %squeeze3A_44, %arg10[%swap3A_46] : memref<128xi32, #tpu.memory_space<smem>>
    %slice3A_48 = vector.extract_strided_slice %mul3A_5 {offsets = [9], sizes = [1], strides = [1]} : vector<16xi32> to vector<1xi32>
    %squeeze3A_49 = vector.extract %slice3A_48[0] : i32 from vector<1xi32>
    %swap3A_50 = arith.constant 9 : i32
    %swap3A_51 = arith.index_cast %swap3A_50 : i32 to index
    %swap3A_52 = memref.load %arg10[%swap3A_51] : memref<128xi32, #tpu.memory_space<smem>>
    memref.store %squeeze3A_49, %arg10[%swap3A_51] : memref<128xi32, #tpu.memory_space<smem>>
    %slice3A_53 = vector.extract_strided_slice %mul3A_5 {offsets = [10], sizes = [1], strides = [1]} : vector<16xi32> to vector<1xi32>
    %squeeze3A_54 = vector.extract %slice3A_53[0] : i32 from vector<1xi32>
    %swap3A_55 = arith.constant 10 : i32
    %swap3A_56 = arith.index_cast %swap3A_55 : i32 to index
    %swap3A_57 = memref.load %arg10[%swap3A_56] : memref<128xi32, #tpu.memory_space<smem>>
    memref.store %squeeze3A_54, %arg10[%swap3A_56] : memref<128xi32, #tpu.memory_space<smem>>
    %slice3A_58 = vector.extract_strided_slice %mul3A_5 {offsets = [11], sizes = [1], strides = [1]} : vector<16xi32> to vector<1xi32>
    %squeeze3A_59 = vector.extract %slice3A_58[0] : i32 from vector<1xi32>
    %swap3A_60 = arith.constant 11 : i32
    %swap3A_61 = arith.index_cast %swap3A_60 : i32 to index
    %swap3A_62 = memref.load %arg10[%swap3A_61] : memref<128xi32, #tpu.memory_space<smem>>
    memref.store %squeeze3A_59, %arg10[%swap3A_61] : memref<128xi32, #tpu.memory_space<smem>>
    %slice3A_63 = vector.extract_strided_slice %mul3A_5 {offsets = [12], sizes = [1], strides = [1]} : vector<16xi32> to vector<1xi32>
    %squeeze3A_64 = vector.extract %slice3A_63[0] : i32 from vector<1xi32>
    %swap3A_65 = arith.constant 12 : i32
    %swap3A_66 = arith.index_cast %swap3A_65 : i32 to index
    %swap3A_67 = memref.load %arg10[%swap3A_66] : memref<128xi32, #tpu.memory_space<smem>>
    memref.store %squeeze3A_64, %arg10[%swap3A_66] : memref<128xi32, #tpu.memory_space<smem>>
    %slice3A_68 = vector.extract_strided_slice %mul3A_5 {offsets = [13], sizes = [1], strides = [1]} : vector<16xi32> to vector<1xi32>
    %squeeze3A_69 = vector.extract %slice3A_68[0] : i32 from vector<1xi32>
    %swap3A_70 = arith.constant 13 : i32
    %swap3A_71 = arith.index_cast %swap3A_70 : i32 to index
    %swap3A_72 = memref.load %arg10[%swap3A_71] : memref<128xi32, #tpu.memory_space<smem>>
    memref.store %squeeze3A_69, %arg10[%swap3A_71] : memref<128xi32, #tpu.memory_space<smem>>
    %slice3A_73 = vector.extract_strided_slice %mul3A_5 {offsets = [14], sizes = [1], strides = [1]} : vector<16xi32> to vector<1xi32>
    %squeeze3A_74 = vector.extract %slice3A_73[0] : i32 from vector<1xi32>
    %swap3A_75 = arith.constant 14 : i32
    %swap3A_76 = arith.index_cast %swap3A_75 : i32 to index
    %swap3A_77 = memref.load %arg10[%swap3A_76] : memref<128xi32, #tpu.memory_space<smem>>
    memref.store %squeeze3A_74, %arg10[%swap3A_76] : memref<128xi32, #tpu.memory_space<smem>>
    %slice3A_78 = vector.extract_strided_slice %mul3A_5 {offsets = [15], sizes = [1], strides = [1]} : vector<16xi32> to vector<1xi32>
    %squeeze3A_79 = vector.extract %slice3A_78[0] : i32 from vector<1xi32>
    %swap3A_80 = arith.constant 15 : i32
    %swap3A_81 = arith.index_cast %swap3A_80 : i32 to index
    %swap3A_82 = memref.load %arg10[%swap3A_81] : memref<128xi32, #tpu.memory_space<smem>>
    memref.store %squeeze3A_79, %arg10[%swap3A_81] : memref<128xi32, #tpu.memory_space<smem>>
    %get3A_83 = arith.constant 16 : index
    %get3A_84 = tpu.vector_load %arg5[%get3A_83] {strides = array<i32>} : memref<128xi32, #tpu.memory_space<vmem>>, vector<16xi32>,
    %get3A_85 = vector.shape_cast %get3A_84 : vector<16xi32> to vector<16xi32>
    %mul3A_86 = arith.constant 512 : i32
    %mul3A_87 = vector.broadcast %mul3A_86 : i32 to vector<16xi32>
    %mul3A_88 = arith.muli %get3A_85, %mul3A_87 : vector<16xi32>
    %slice3A_89 = vector.extract_strided_slice %mul3A_88 {offsets = [0], sizes = [1], strides = [1]} : vector<16xi32> to vector<1xi32>
    %squeeze3A_90 = vector.extract %slice3A_89[0] : i32 from vector<1xi32>
    %swap3A_91 = arith.constant 16 : i32
    %swap3A_92 = arith.index_cast %swap3A_91 : i32 to index
    %swap3A_93 = memref.load %arg10[%swap3A_92] : memref<128xi32, #tpu.memory_space<smem>>
    memref.store %squeeze3A_90, %arg10[%swap3A_92] : memref<128xi32, #tpu.memory_space<smem>>
    %slice3A_94 = vector.extract_strided_slice %mul3A_88 {offsets = [1], sizes = [1], strides = [1]} : vector<16xi32> to vector<1xi32>
    %squeeze3A_95 = vector.extract %slice3A_94[0] : i32 from vector<1xi32>
    %swap3A_96 = arith.constant 17 : i32
    %swap3A_97 = arith.index_cast %swap3A_96 : i32 to index
    %swap3A_98 = memref.load %arg10[%swap3A_97] : memref<128xi32, #tpu.memory_space<smem>>
    memref.store %squeeze3A_95, %arg10[%swap3A_97] : memref<128xi32, #tpu.memory_space<smem>>
    %slice3A_99 = vector.extract_strided_slice %mul3A_88 {offsets = [2], sizes = [1], strides = [1]} : vector<16xi32> to vector<1xi32>
    %squeeze3A_100 = vector.extract %slice3A_99[0] : i32 from vector<1xi32>
    %swap3A_101 = arith.constant 18 : i32
    %swap3A_102 = arith.index_cast %swap3A_101 : i32 to index
    %swap3A_103 = memref.load %arg10[%swap3A_102] : memref<128xi32, #tpu.memory_space<smem>>
    memref.store %squeeze3A_100, %arg10[%swap3A_102] : memref<128xi32, #tpu.memory_space<smem>>
    %slice3A_104 = vector.extract_strided_slice %mul3A_88 {offsets = [3], sizes = [1], strides = [1]} : vector<16xi32> to vector<1xi32>
    %squeeze3A_105 = vector.extract %slice3A_104[0] : i32 from vector<1xi32>
    %swap3A_106 = arith.constant 19 : i32
    %swap3A_107 = arith.index_cast %swap3A_106 : i32 to index
    %swap3A_108 = memref.load %arg10[%swap3A_107] : memref<128xi32, #tpu.memory_space<smem>>
    memref.store %squeeze3A_105, %arg10[%swap3A_107] : memref<128xi32, #tpu.memory_space<smem>>
    %slice3A_109 = vector.extract_strided_slice %mul3A_88 {offsets = [4], sizes = [1], strides = [1]} : vector<16xi32> to vector<1xi32>
    %squeeze3A_110 = vector.extract %slice3A_109[0] : i32 from vector<1xi32>
    %swap3A_111 = arith.constant 20 : i32
    %swap3A_112 = arith.index_cast %swap3A_111 : i32 to index
    %swap3A_113 = memref.load %arg10[%swap3A_112] : memref<128xi32, #tpu.memory_space<smem>>
    memref.store %squeeze3A_110, %arg10[%swap3A_112] : memref<128xi32, #tpu.memory_space<smem>>
    %slice3A_114 = vector.extract_strided_slice %mul3A_88 {offsets = [5], sizes = [1], strides = [1]} : vector<16xi32> to vector<1xi32>
    %squeeze3A_115 = vector.extract %slice3A_114[0] : i32 from vector<1xi32>
    %swap3A_116 = arith.constant 21 : i32
    %swap3A_117 = arith.index_cast %swap3A_116 : i32 to index
    %swap3A_118 = memref.load %arg10[%swap3A_117] : memref<128xi32, #tpu.memory_space<smem>>
    memref.store %squeeze3A_115, %arg10[%swap3A_117] : memref<128xi32, #tpu.memory_space<smem>>
    %slice3A_119 = vector.extract_strided_slice %mul3A_88 {offsets = [6], sizes = [1], strides = [1]} : vector<16xi32> to vector<1xi32>
    %squeeze3A_120 = vector.extract %slice3A_119[0] : i32 from vector<1xi32>
    %swap3A_121 = arith.constant 22 : i32
    %swap3A_122 = arith.index_cast %swap3A_121 : i32 to index
    %swap3A_123 = memref.load %arg10[%swap3A_122] : memref<128xi32, #tpu.memory_space<smem>>
    memref.store %squeeze3A_120, %arg10[%swap3A_122] : memref<128xi32, #tpu.memory_space<smem>>
    %slice3A_124 = vector.extract_strided_slice %mul3A_88 {offsets = [7], sizes = [1], strides = [1]} : vector<16xi32> to vector<1xi32>
    %squeeze3A_125 = vector.extract %slice3A_124[0] : i32 from vector<1xi32>
    %swap3A_126 = arith.constant 23 : i32
    %swap3A_127 = arith.index_cast %swap3A_126 : i32 to index
    %swap3A_128 = memref.load %arg10[%swap3A_127] : memref<128xi32, #tpu.memory_space<smem>>
    memref.store %squeeze3A_125, %arg10[%swap3A_127] : memref<128xi32, #tpu.memory_space<smem>>
    %slice3A_129 = vector.extract_strided_slice %mul3A_88 {offsets = [8], sizes = [1], strides = [1]} : vector<16xi32> to vector<1xi32>
    %squeeze3A_130 = vector.extract %slice3A_129[0] : i32 from vector<1xi32>
    %swap3A_131 = arith.constant 24 : i32
    %swap3A_132 = arith.index_cast %swap3A_131 : i32 to index
    %swap3A_133 = memref.load %arg10[%swap3A_132] : memref<128xi32, #tpu.memory_space<smem>>
    memref.store %squeeze3A_130, %arg10[%swap3A_132] : memref<128xi32, #tpu.memory_space<smem>>
    %slice3A_134 = vector.extract_strided_slice %mul3A_88 {offsets = [9], sizes = [1], strides = [1]} : vector<16xi32> to vector<1xi32>
    %squeeze3A_135 = vector.extract %slice3A_134[0] : i32 from vector<1xi32>
    %swap3A_136 = arith.constant 25 : i32
    %swap3A_137 = arith.index_cast %swap3A_136 : i32 to index
    %swap3A_138 = memref.load %arg10[%swap3A_137] : memref<128xi32, #tpu.memory_space<smem>>
    memref.store %squeeze3A_135, %arg10[%swap3A_137] : memref<128xi32, #tpu.memory_space<smem>>
    %slice3A_139 = vector.extract_strided_slice %mul3A_88 {offsets = [10], sizes = [1], strides = [1]} : vector<16xi32> to vector<1xi32>
    %squeeze3A_140 = vector.extract %slice3A_139[0] : i32 from vector<1xi32>
    %swap3A_141 = arith.constant 26 : i32
    %swap3A_142 = arith.index_cast %swap3A_141 : i32 to index
    %swap3A_143 = memref.load %arg10[%swap3A_142] : memref<128xi32, #tpu.memory_space<smem>>
    memref.store %squeeze3A_140, %arg10[%swap3A_142] : memref<128xi32, #tpu.memory_space<smem>>
    %slice3A_144 = vector.extract_strided_slice %mul3A_88 {offsets = [11], sizes = [1], strides = [1]} : vector<16xi32> to vector<1xi32>
    %squeeze3A_145 = vector.extract %slice3A_144[0] : i32 from vector<1xi32>
    %swap3A_146 = arith.constant 27 : i32
    %swap3A_147 = arith.index_cast %swap3A_146 : i32 to index
    %swap3A_148 = memref.load %arg10[%swap3A_147] : memref<128xi32, #tpu.memory_space<smem>>
    memref.store %squeeze3A_145, %arg10[%swap3A_147] : memref<128xi32, #tpu.memory_space<smem>>
    %slice3A_149 = vector.extract_strided_slice %mul3A_88 {offsets = [12], sizes = [1], strides = [1]} : vector<16xi32> to vector<1xi32>
    %squeeze3A_150 = vector.extract %slice3A_149[0] : i32 from vector<1xi32>
    %swap3A_151 = arith.constant 28 : i32
    %swap3A_152 = arith.index_cast %swap3A_151 : i32 to index
    %swap3A_153 = memref.load %arg10[%swap3A_152] : memref<128xi32, #tpu.memory_space<smem>>
    memref.store %squeeze3A_150, %arg10[%swap3A_152] : memref<128xi32, #tpu.memory_space<smem>>
    %slice3A_154 = vector.extract_strided_slice %mul3A_88 {offsets = [13], sizes = [1], strides = [1]} : vector<16xi32> to vector<1xi32>
    %squeeze3A_155 = vector.extract %slice3A_154[0] : i32 from vector<1xi32>
    %swap3A_156 = arith.constant 29 : i32
    %swap3A_157 = arith.index_cast %swap3A_156 : i32 to index
    %swap3A_158 = memref.load %arg10[%swap3A_157] : memref<128xi32, #tpu.memory_space<smem>>
    memref.store %squeeze3A_155, %arg10[%swap3A_157] : memref<128xi32, #tpu.memory_space<smem>>
    %slice3A_159 = vector.extract_strided_slice %mul3A_88 {offsets = [14], sizes = [1], strides = [1]} : vector<16xi32> to vector<1xi32>
    %squeeze3A_160 = vector.extract %slice3A_159[0] : i32 from vector<1xi32>
    %swap3A_161 = arith.constant 30 : i32
    %swap3A_162 = arith.index_cast %swap3A_161 : i32 to index
    %swap3A_163 = memref.load %arg10[%swap3A_162] : memref<128xi32, #tpu.memory_space<smem>>
    memref.store %squeeze3A_160, %arg10[%swap3A_162] : memref<128xi32, #tpu.memory_space<smem>>
    %slice3A_164 = vector.extract_strided_slice %mul3A_88 {offsets = [15], sizes = [1], strides = [1]} : vector<16xi32> to vector<1xi32>
    %squeeze3A_165 = vector.extract %slice3A_164[0] : i32 from vector<1xi32>
    %swap3A_166 = arith.constant 31 : i32
    %swap3A_167 = arith.index_cast %swap3A_166 : i32 to index
    %swap3A_168 = memref.load %arg10[%swap3A_167] : memref<128xi32, #tpu.memory_space<smem>>
    memref.store %squeeze3A_165, %arg10[%swap3A_167] : memref<128xi32, #tpu.memory_space<smem>>
    %get3A_169 = arith.constant 32 : index
    %get3A_170 = tpu.vector_load %arg5[%get3A_169] {strides = array<i32>} : memref<128xi32, #tpu.memory_space<vmem>>, vector<16xi32>,
    %get3A_171 = vector.shape_cast %get3A_170 : vector<16xi32> to vector<16xi32>
    %mul3A_172 = arith.constant 512 : i32
    %mul3A_173 = vector.broadcast %mul3A_172 : i32 to vector<16xi32>
    %mul3A_174 = arith.muli %get3A_171, %mul3A_173 : vector<16xi32>
    %slice3A_175 = vector.extract_strided_slice %mul3A_174 {offsets = [0], sizes = [1], strides = [1]} : vector<16xi32> to vector<1xi32>
    %squeeze3A_176 = vector.extract %slice3A_175[0] : i32 from vector<1xi32>
    %swap3A_177 = arith.constant 32 : i32
    %swap3A_178 = arith.index_cast %swap3A_177 : i32 to index
    %swap3A_179 = memref.load %arg10[%swap3A_178] : memref<128xi32, #tpu.memory_space<smem>>
    memref.store %squeeze3A_176, %arg10[%swap3A_178] : memref<128xi32, #tpu.memory_space<smem>>
    %slice3A_180 = vector.extract_strided_slice %mul3A_174 {offsets = [1], sizes = [1], strides = [1]} : vector<16xi32> to vector<1xi32>
    %squeeze3A_181 = vector.extract %slice3A_180[0] : i32 from vector<1xi32>
    %swap3A_182 = arith.constant 33 : i32
    %swap3A_183 = arith.index_cast %swap3A_182 : i32 to index
    %swap3A_184 = memref.load %arg10[%swap3A_183] : memref<128xi32, #tpu.memory_space<smem>>
    memref.store %squeeze3A_181, %arg10[%swap3A_183] : memref<128xi32, #tpu.memory_space<smem>>
    %slice3A_185 = vector.extract_strided_slice %mul3A_174 {offsets = [2], sizes = [1], strides = [1]} : vector<16xi32> to vector<1xi32>
    %squeeze3A_186 = vector.extract %slice3A_185[0] : i32 from vector<1xi32>
    %swap3A_187 = arith.constant 34 : i32
    %swap3A_188 = arith.index_cast %swap3A_187 : i32 to index
    %swap3A_189 = memref.load %arg10[%swap3A_188] : memref<128xi32, #tpu.memory_space<smem>>
    memref.store %squeeze3A_186, %arg10[%swap3A_188] : memref<128xi32, #tpu.memory_space<smem>>
    %slice3A_190 = vector.extract_strided_slice %mul3A_174 {offsets = [3], sizes = [1], strides = [1]} : vector<16xi32> to vector<1xi32>
    %squeeze3A_191 = vector.extract %slice3A_190[0] : i32 from vector<1xi32>
    %swap3A_192 = arith.constant 35 : i32
    %swap3A_193 = arith.index_cast %swap3A_192 : i32 to index
    %swap3A_194 = memref.load %arg10[%swap3A_193] : memref<128xi32, #tpu.memory_space<smem>>
    memref.store %squeeze3A_191, %arg10[%swap3A_193] : memref<128xi32, #tpu.memory_space<smem>>
    %slice3A_195 = vector.extract_strided_slice %mul3A_174 {offsets = [4], sizes = [1], strides = [1]} : vector<16xi32> to vector<1xi32>
    %squeeze3A_196 = vector.extract %slice3A_195[0] : i32 from vector<1xi32>
    %swap3A_197 = arith.constant 36 : i32
    %swap3A_198 = arith.index_cast %swap3A_197 : i32 to index
    %swap3A_199 = memref.load %arg10[%swap3A_198] : memref<128xi32, #tpu.memory_space<smem>>
    memref.store %squeeze3A_196, %arg10[%swap3A_198] : memref<128xi32, #tpu.memory_space<smem>>
    %slice3A_200 = vector.extract_strided_slice %mul3A_174 {offsets = [5], sizes = [1], strides = [1]} : vector<16xi32> to vector<1xi32>
    %squeeze3A_201 = vector.extract %slice3A_200[0] : i32 from vector<1xi32>
    %swap3A_202 = arith.constant 37 : i32
    %swap3A_203 = arith.index_cast %swap3A_202 : i32 to index
    %swap3A_204 = memref.load %arg10[%swap3A_203] : memref<128xi32, #tpu.memory_space<smem>>
    memref.store %squeeze3A_201, %arg10[%swap3A_203] : memref<128xi32, #tpu.memory_space<smem>>
    %slice3A_205 = vector.extract_strided_slice %mul3A_174 {offsets = [6], sizes = [1], strides = [1]} : vector<16xi32> to vector<1xi32>
    %squeeze3A_206 = vector.extract %slice3A_205[0] : i32 from vector<1xi32>
    %swap3A_207 = arith.constant 38 : i32
    %swap3A_208 = arith.index_cast %swap3A_207 : i32 to index
    %swap3A_209 = memref.load %arg10[%swap3A_208] : memref<128xi32, #tpu.memory_space<smem>>
    memref.store %squeeze3A_206, %arg10[%swap3A_208] : memref<128xi32, #tpu.memory_space<smem>>
    %slice3A_210 = vector.extract_strided_slice %mul3A_174 {offsets = [7], sizes = [1], strides = [1]} : vector<16xi32> to vector<1xi32>
    %squeeze3A_211 = vector.extract %slice3A_210[0] : i32 from vector<1xi32>
    %swap3A_212 = arith.constant 39 : i32
    %swap3A_213 = arith.index_cast %swap3A_212 : i32 to index
    %swap3A_214 = memref.load %arg10[%swap3A_213] : memref<128xi32, #tpu.memory_space<smem>>
    memref.store %squeeze3A_211, %arg10[%swap3A_213] : memref<128xi32, #tpu.memory_space<smem>>
    %slice3A_215 = vector.extract_strided_slice %mul3A_174 {offsets = [8], sizes = [1], strides = [1]} : vector<16xi32> to vector<1xi32>
    %squeeze3A_216 = vector.extract %slice3A_215[0] : i32 from vector<1xi32>
    %swap3A_217 = arith.constant 40 : i32
    %swap3A_218 = arith.index_cast %swap3A_217 : i32 to index
    %swap3A_219 = memref.load %arg10[%swap3A_218] : memref<128xi32, #tpu.memory_space<smem>>
    memref.store %squeeze3A_216, %arg10[%swap3A_218] : memref<128xi32, #tpu.memory_space<smem>>
    %slice3A_220 = vector.extract_strided_slice %mul3A_174 {offsets = [9], sizes = [1], strides = [1]} : vector<16xi32> to vector<1xi32>
    %squeeze3A_221 = vector.extract %slice3A_220[0] : i32 from vector<1xi32>
    %swap3A_222 = arith.constant 41 : i32
    %swap3A_223 = arith.index_cast %swap3A_222 : i32 to index
    %swap3A_224 = memref.load %arg10[%swap3A_223] : memref<128xi32, #tpu.memory_space<smem>>
    memref.store %squeeze3A_221, %arg10[%swap3A_223] : memref<128xi32, #tpu.memory_space<smem>>
    %slice3A_225 = vector.extract_strided_slice %mul3A_174 {offsets = [10], sizes = [1], strides = [1]} : vector<16xi32> to vector<1xi32>
    %squeeze3A_226 = vector.extract %slice3A_225[0] : i32 from vector<1xi32>
    %swap3A_227 = arith.constant 42 : i32
    %swap3A_228 = arith.index_cast %swap3A_227 : i32 to index
    %swap3A_229 = memref.load %arg10[%swap3A_228] : memref<128xi32, #tpu.memory_space<smem>>
    memref.store %squeeze3A_226, %arg10[%swap3A_228] : memref<128xi32, #tpu.memory_space<smem>>
    %slice3A_230 = vector.extract_strided_slice %mul3A_174 {offsets = [11], sizes = [1], strides = [1]} : vector<16xi32> to vector<1xi32>
    %squeeze3A_231 = vector.extract %slice3A_230[0] : i32 from vector<1xi32>
    %swap3A_232 = arith.constant 43 : i32
    %swap3A_233 = arith.index_cast %swap3A_232 : i32 to index
    %swap3A_234 = memref.load %arg10[%swap3A_233] : memref<128xi32, #tpu.memory_space<smem>>
    memref.store %squeeze3A_231, %arg10[%swap3A_233] : memref<128xi32, #tpu.memory_space<smem>>
    %slice3A_235 = vector.extract_strided_slice %mul3A_174 {offsets = [12], sizes = [1], strides = [1]} : vector<16xi32> to vector<1xi32>
    %squeeze3A_236 = vector.extract %slice3A_235[0] : i32 from vector<1xi32>
    %swap3A_237 = arith.constant 44 : i32
    %swap3A_238 = arith.index_cast %swap3A_237 : i32 to index
    %swap3A_239 = memref.load %arg10[%swap3A_238] : memref<128xi32, #tpu.memory_space<smem>>
    memref.store %squeeze3A_236, %arg10[%swap3A_238] : memref<128xi32, #tpu.memory_space<smem>>
    %slice3A_240 = vector.extract_strided_slice %mul3A_174 {offsets = [13], sizes = [1], strides = [1]} : vector<16xi32> to vector<1xi32>
    %squeeze3A_241 = vector.extract %slice3A_240[0] : i32 from vector<1xi32>
    %swap3A_242 = arith.constant 45 : i32
    %swap3A_243 = arith.index_cast %swap3A_242 : i32 to index
    %swap3A_244 = memref.load %arg10[%swap3A_243] : memref<128xi32, #tpu.memory_space<smem>>
    memref.store %squeeze3A_241, %arg10[%swap3A_243] : memref<128xi32, #tpu.memory_space<smem>>
    %slice3A_245 = vector.extract_strided_slice %mul3A_174 {offsets = [14], sizes = [1], strides = [1]} : vector<16xi32> to vector<1xi32>
    %squeeze3A_246 = vector.extract %slice3A_245[0] : i32 from vector<1xi32>
    %swap3A_247 = arith.constant 46 : i32
    %swap3A_248 = arith.index_cast %swap3A_247 : i32 to index
    %swap3A_249 = memref.load %arg10[%swap3A_248] : memref<128xi32, #tpu.memory_space<smem>>
    memref.store %squeeze3A_246, %arg10[%swap3A_248] : memref<128xi32, #tpu.memory_space<smem>>
    %slice3A_250 = vector.extract_strided_slice %mul3A_174 {offsets = [15], sizes = [1], strides = [1]} : vector<16xi32> to vector<1xi32>
    %squeeze3A_251 = vector.extract %slice3A_250[0] : i32 from vector<1xi32>
    %swap3A_252 = arith.constant 47 : i32
    %swap3A_253 = arith.index_cast %swap3A_252 : i32 to index
    %swap3A_254 = memref.load %arg10[%swap3A_253] : memref<128xi32, #tpu.memory_space<smem>>
    memref.store %squeeze3A_251, %arg10[%swap3A_253] : memref<128xi32, #tpu.memory_space<smem>>
    %get3A_255 = arith.constant 48 : index
    %get3A_256 = tpu.vector_load %arg5[%get3A_255] {strides = array<i32>} : memref<128xi32, #tpu.memory_space<vmem>>, vector<16xi32>,
    %get3A_257 = vector.shape_cast %get3A_256 : vector<16xi32> to vector<16xi32>
    %mul3A_258 = arith.constant 512 : i32
    %mul3A_259 = vector.broadcast %mul3A_258 : i32 to vector<16xi32>
    %mul3A_260 = arith.muli %get3A_257, %mul3A_259 : vector<16xi32>
    %slice3A_261 = vector.extract_strided_slice %mul3A_260 {offsets = [0], sizes = [1], strides = [1]} : vector<16xi32> to vector<1xi32>
    %squeeze3A_262 = vector.extract %slice3A_261[0] : i32 from vector<1xi32>
    %swap3A_263 = arith.constant 48 : i32
    %swap3A_264 = arith.index_cast %swap3A_263 : i32 to index
    %swap3A_265 = memref.load %arg10[%swap3A_264] : memref<128xi32, #tpu.memory_space<smem>>
    memref.store %squeeze3A_262, %arg10[%swap3A_264] : memref<128xi32, #tpu.memory_space<smem>>
    %slice3A_266 = vector.extract_strided_slice %mul3A_260 {offsets = [1], sizes = [1], strides = [1]} : vector<16xi32> to vector<1xi32>
    %squeeze3A_267 = vector.extract %slice3A_266[0] : i32 from vector<1xi32>
    %swap3A_268 = arith.constant 49 : i32
    %swap3A_269 = arith.index_cast %swap3A_268 : i32 to index
    %swap3A_270 = memref.load %arg10[%swap3A_269] : memref<128xi32, #tpu.memory_space<smem>>
    memref.store %squeeze3A_267, %arg10[%swap3A_269] : memref<128xi32, #tpu.memory_space<smem>>
    %slice3A_271 = vector.extract_strided_slice %mul3A_260 {offsets = [2], sizes = [1], strides = [1]} : vector<16xi32> to vector<1xi32>
    %squeeze3A_272 = vector.extract %slice3A_271[0] : i32 from vector<1xi32>
    %swap3A_273 = arith.constant 50 : i32
    %swap3A_274 = arith.index_cast %swap3A_273 : i32 to index
    %swap3A_275 = memref.load %arg10[%swap3A_274] : memref<128xi32, #tpu.memory_space<smem>>
    memref.store %squeeze3A_272, %arg10[%swap3A_274] : memref<128xi32, #tpu.memory_space<smem>>
    %slice3A_276 = vector.extract_strided_slice %mul3A_260 {offsets = [3], sizes = [1], strides = [1]} : vector<16xi32> to vector<1xi32>
    %squeeze3A_277 = vector.extract %slice3A_276[0] : i32 from vector<1xi32>
    %swap3A_278 = arith.constant 51 : i32
    %swap3A_279 = arith.index_cast %swap3A_278 : i32 to index
    %swap3A_280 = memref.load %arg10[%swap3A_279] : memref<128xi32, #tpu.memory_space<smem>>
    memref.store %squeeze3A_277, %arg10[%swap3A_279] : memref<128xi32, #tpu.memory_space<smem>>
    %slice3A_281 = vector.extract_strided_slice %mul3A_260 {offsets = [4], sizes = [1], strides = [1]} : vector<16xi32> to vector<1xi32>
    %squeeze3A_282 = vector.extract %slice3A_281[0] : i32 from vector<1xi32>
    %swap3A_283 = arith.constant 52 : i32
    %swap3A_284 = arith.index_cast %swap3A_283 : i32 to index
    %swap3A_285 = memref.load %arg10[%swap3A_284] : memref<128xi32, #tpu.memory_space<smem>>
    memref.store %squeeze3A_282, %arg10[%swap3A_284] : memref<128xi32, #tpu.memory_space<smem>>
    %slice3A_286 = vector.extract_strided_slice %mul3A_260 {offsets = [5], sizes = [1], strides = [1]} : vector<16xi32> to vector<1xi32>
    %squeeze3A_287 = vector.extract %slice3A_286[0] : i32 from vector<1xi32>
    %swap3A_288 = arith.constant 53 : i32
    %swap3A_289 = arith.index_cast %swap3A_288 : i32 to index
    %swap3A_290 = memref.load %arg10[%swap3A_289] : memref<128xi32, #tpu.memory_space<smem>>
    memref.store %squeeze3A_287, %arg10[%swap3A_289] : memref<128xi32, #tpu.memory_space<smem>>
    %slice3A_291 = vector.extract_strided_slice %mul3A_260 {offsets = [6], sizes = [1], strides = [1]} : vector<16xi32> to vector<1xi32>
    %squeeze3A_292 = vector.extract %slice3A_291[0] : i32 from vector<1xi32>
    %swap3A_293 = arith.constant 54 : i32
    %swap3A_294 = arith.index_cast %swap3A_293 : i32 to index
    %swap3A_295 = memref.load %arg10[%swap3A_294] : memref<128xi32, #tpu.memory_space<smem>>
    memref.store %squeeze3A_292, %arg10[%swap3A_294] : memref<128xi32, #tpu.memory_space<smem>>
    %slice3A_296 = vector.extract_strided_slice %mul3A_260 {offsets = [7], sizes = [1], strides = [1]} : vector<16xi32> to vector<1xi32>
    %squeeze3A_297 = vector.extract %slice3A_296[0] : i32 from vector<1xi32>
    %swap3A_298 = arith.constant 55 : i32
    %swap3A_299 = arith.index_cast %swap3A_298 : i32 to index
    %swap3A_300 = memref.load %arg10[%swap3A_299] : memref<128xi32, #tpu.memory_space<smem>>
    memref.store %squeeze3A_297, %arg10[%swap3A_299] : memref<128xi32, #tpu.memory_space<smem>>
    %slice3A_301 = vector.extract_strided_slice %mul3A_260 {offsets = [8], sizes = [1], strides = [1]} : vector<16xi32> to vector<1xi32>
    %squeeze3A_302 = vector.extract %slice3A_301[0] : i32 from vector<1xi32>
    %swap3A_303 = arith.constant 56 : i32
    %swap3A_304 = arith.index_cast %swap3A_303 : i32 to index
    %swap3A_305 = memref.load %arg10[%swap3A_304] : memref<128xi32, #tpu.memory_space<smem>>
    memref.store %squeeze3A_302, %arg10[%swap3A_304] : memref<128xi32, #tpu.memory_space<smem>>
    %slice3A_306 = vector.extract_strided_slice %mul3A_260 {offsets = [9], sizes = [1], strides = [1]} : vector<16xi32> to vector<1xi32>
    %squeeze3A_307 = vector.extract %slice3A_306[0] : i32 from vector<1xi32>
    %swap3A_308 = arith.constant 57 : i32
    %swap3A_309 = arith.index_cast %swap3A_308 : i32 to index
    %swap3A_310 = memref.load %arg10[%swap3A_309] : memref<128xi32, #tpu.memory_space<smem>>
    memref.store %squeeze3A_307, %arg10[%swap3A_309] : memref<128xi32, #tpu.memory_space<smem>>
    %slice3A_311 = vector.extract_strided_slice %mul3A_260 {offsets = [10], sizes = [1], strides = [1]} : vector<16xi32> to vector<1xi32>
    %squeeze3A_312 = vector.extract %slice3A_311[0] : i32 from vector<1xi32>
    %swap3A_313 = arith.constant 58 : i32
    %swap3A_314 = arith.index_cast %swap3A_313 : i32 to index
    %swap3A_315 = memref.load %arg10[%swap3A_314] : memref<128xi32, #tpu.memory_space<smem>>
    memref.store %squeeze3A_312, %arg10[%swap3A_314] : memref<128xi32, #tpu.memory_space<smem>>
    %slice3A_316 = vector.extract_strided_slice %mul3A_260 {offsets = [11], sizes = [1], strides = [1]} : vector<16xi32> to vector<1xi32>
    %squeeze3A_317 = vector.extract %slice3A_316[0] : i32 from vector<1xi32>
    %swap3A_318 = arith.constant 59 : i32
    %swap3A_319 = arith.index_cast %swap3A_318 : i32 to index
    %swap3A_320 = memref.load %arg10[%swap3A_319] : memref<128xi32, #tpu.memory_space<smem>>
    memref.store %squeeze3A_317, %arg10[%swap3A_319] : memref<128xi32, #tpu.memory_space<smem>>
    %slice3A_321 = vector.extract_strided_slice %mul3A_260 {offsets = [12], sizes = [1], strides = [1]} : vector<16xi32> to vector<1xi32>
    %squeeze3A_322 = vector.extract %slice3A_321[0] : i32 from vector<1xi32>
    %swap3A_323 = arith.constant 60 : i32
    %swap3A_324 = arith.index_cast %swap3A_323 : i32 to index
    %swap3A_325 = memref.load %arg10[%swap3A_324] : memref<128xi32, #tpu.memory_space<smem>>
    memref.store %squeeze3A_322, %arg10[%swap3A_324] : memref<128xi32, #tpu.memory_space<smem>>
    %slice3A_326 = vector.extract_strided_slice %mul3A_260 {offsets = [13], sizes = [1], strides = [1]} : vector<16xi32> to vector<1xi32>
    %squeeze3A_327 = vector.extract %slice3A_326[0] : i32 from vector<1xi32>
    %swap3A_328 = arith.constant 61 : i32
    %swap3A_329 = arith.index_cast %swap3A_328 : i32 to index
    %swap3A_330 = memref.load %arg10[%swap3A_329] : memref<128xi32, #tpu.memory_space<smem>>
    memref.store %squeeze3A_327, %arg10[%swap3A_329] : memref<128xi32, #tpu.memory_space<smem>>
    %slice3A_331 = vector.extract_strided_slice %mul3A_260 {offsets = [14], sizes = [1], strides = [1]} : vector<16xi32> to vector<1xi32>
    %squeeze3A_332 = vector.extract %slice3A_331[0] : i32 from vector<1xi32>
    %swap3A_333 = arith.constant 62 : i32
    %swap3A_334 = arith.index_cast %swap3A_333 : i32 to index
    %swap3A_335 = memref.load %arg10[%swap3A_334] : memref<128xi32, #tpu.memory_space<smem>>
    memref.store %squeeze3A_332, %arg10[%swap3A_334] : memref<128xi32, #tpu.memory_space<smem>>
    %slice3A_336 = vector.extract_strided_slice %mul3A_260 {offsets = [15], sizes = [1], strides = [1]} : vector<16xi32> to vector<1xi32>
    %squeeze3A_337 = vector.extract %slice3A_336[0] : i32 from vector<1xi32>
    %swap3A_338 = arith.constant 63 : i32
    %swap3A_339 = arith.index_cast %swap3A_338 : i32 to index
    %swap3A_340 = memref.load %arg10[%swap3A_339] : memref<128xi32, #tpu.memory_space<smem>>
    memref.store %squeeze3A_337, %arg10[%swap3A_339] : memref<128xi32, #tpu.memory_space<smem>>
    %get3A_341 = arith.constant 64 : index
    %get3A_342 = tpu.vector_load %arg5[%get3A_341] {strides = array<i32>} : memref<128xi32, #tpu.memory_space<vmem>>, vector<16xi32>,
    %get3A_343 = vector.shape_cast %get3A_342 : vector<16xi32> to vector<16xi32>
    %mul3A_344 = arith.constant 512 : i32
    %mul3A_345 = vector.broadcast %mul3A_344 : i32 to vector<16xi32>
    %mul3A_346 = arith.muli %get3A_343, %mul3A_345 : vector<16xi32>
    %slice3A_347 = vector.extract_strided_slice %mul3A_346 {offsets = [0], sizes = [1], strides = [1]} : vector<16xi32> to vector<1xi32>
    %squeeze3A_348 = vector.extract %slice3A_347[0] : i32 from vector<1xi32>
    %swap3A_349 = arith.constant 64 : i32
    %swap3A_350 = arith.index_cast %swap3A_349 : i32 to index
    %swap3A_351 = memref.load %arg10[%swap3A_350] : memref<128xi32, #tpu.memory_space<smem>>
    memref.store %squeeze3A_348, %arg10[%swap3A_350] : memref<128xi32, #tpu.memory_space<smem>>
    %slice3A_352 = vector.extract_strided_slice %mul3A_346 {offsets = [1], sizes = [1], strides = [1]} : vector<16xi32> to vector<1xi32>
    %squeeze3A_353 = vector.extract %slice3A_352[0] : i32 from vector<1xi32>
    %swap3A_354 = arith.constant 65 : i32
    %swap3A_355 = arith.index_cast %swap3A_354 : i32 to index
    %swap3A_356 = memref.load %arg10[%swap3A_355] : memref<128xi32, #tpu.memory_space<smem>>
    memref.store %squeeze3A_353, %arg10[%swap3A_355] : memref<128xi32, #tpu.memory_space<smem>>
    %slice3A_357 = vector.extract_strided_slice %mul3A_346 {offsets = [2], sizes = [1], strides = [1]} : vector<16xi32> to vector<1xi32>
    %squeeze3A_358 = vector.extract %slice3A_357[0] : i32 from vector<1xi32>
    %swap3A_359 = arith.constant 66 : i32
    %swap3A_360 = arith.index_cast %swap3A_359 : i32 to index
    %swap3A_361 = memref.load %arg10[%swap3A_360] : memref<128xi32, #tpu.memory_space<smem>>
    memref.store %squeeze3A_358, %arg10[%swap3A_360] : memref<128xi32, #tpu.memory_space<smem>>
    %slice3A_362 = vector.extract_strided_slice %mul3A_346 {offsets = [3], sizes = [1], strides = [1]} : vector<16xi32> to vector<1xi32>
    %squeeze3A_363 = vector.extract %slice3A_362[0] : i32 from vector<1xi32>
    %swap3A_364 = arith.constant 67 : i32
    %swap3A_365 = arith.index_cast %swap3A_364 : i32 to index
    %swap3A_366 = memref.load %arg10[%swap3A_365] : memref<128xi32, #tpu.memory_space<smem>>
    memref.store %squeeze3A_363, %arg10[%swap3A_365] : memref<128xi32, #tpu.memory_space<smem>>
    %slice3A_367 = vector.extract_strided_slice %mul3A_346 {offsets = [4], sizes = [1], strides = [1]} : vector<16xi32> to vector<1xi32>
    %squeeze3A_368 = vector.extract %slice3A_367[0] : i32 from vector<1xi32>
    %swap3A_369 = arith.constant 68 : i32
    %swap3A_370 = arith.index_cast %swap3A_369 : i32 to index
    %swap3A_371 = memref.load %arg10[%swap3A_370] : memref<128xi32, #tpu.memory_space<smem>>
    memref.store %squeeze3A_368, %arg10[%swap3A_370] : memref<128xi32, #tpu.memory_space<smem>>
    %slice3A_372 = vector.extract_strided_slice %mul3A_346 {offsets = [5], sizes = [1], strides = [1]} : vector<16xi32> to vector<1xi32>
    %squeeze3A_373 = vector.extract %slice3A_372[0] : i32 from vector<1xi32>
    %swap3A_374 = arith.constant 69 : i32
    %swap3A_375 = arith.index_cast %swap3A_374 : i32 to index
    %swap3A_376 = memref.load %arg10[%swap3A_375] : memref<128xi32, #tpu.memory_space<smem>>
    memref.store %squeeze3A_373, %arg10[%swap3A_375] : memref<128xi32, #tpu.memory_space<smem>>
    %slice3A_377 = vector.extract_strided_slice %mul3A_346 {offsets = [6], sizes = [1], strides = [1]} : vector<16xi32> to vector<1xi32>
    %squeeze3A_378 = vector.extract %slice3A_377[0] : i32 from vector<1xi32>
    %swap3A_379 = arith.constant 70 : i32
    %swap3A_380 = arith.index_cast %swap3A_379 : i32 to index
    %swap3A_381 = memref.load %arg10[%swap3A_380] : memref<128xi32, #tpu.memory_space<smem>>
    memref.store %squeeze3A_378, %arg10[%swap3A_380] : memref<128xi32, #tpu.memory_space<smem>>
    %slice3A_382 = vector.extract_strided_slice %mul3A_346 {offsets = [7], sizes = [1], strides = [1]} : vector<16xi32> to vector<1xi32>
    %squeeze3A_383 = vector.extract %slice3A_382[0] : i32 from vector<1xi32>
    %swap3A_384 = arith.constant 71 : i32
    %swap3A_385 = arith.index_cast %swap3A_384 : i32 to index
    %swap3A_386 = memref.load %arg10[%swap3A_385] : memref<128xi32, #tpu.memory_space<smem>>
    memref.store %squeeze3A_383, %arg10[%swap3A_385] : memref<128xi32, #tpu.memory_space<smem>>
    %slice3A_387 = vector.extract_strided_slice %mul3A_346 {offsets = [8], sizes = [1], strides = [1]} : vector<16xi32> to vector<1xi32>
    %squeeze3A_388 = vector.extract %slice3A_387[0] : i32 from vector<1xi32>
    %swap3A_389 = arith.constant 72 : i32
    %swap3A_390 = arith.index_cast %swap3A_389 : i32 to index
    %swap3A_391 = memref.load %arg10[%swap3A_390] : memref<128xi32, #tpu.memory_space<smem>>
    memref.store %squeeze3A_388, %arg10[%swap3A_390] : memref<128xi32, #tpu.memory_space<smem>>
    %slice3A_392 = vector.extract_strided_slice %mul3A_346 {offsets = [9], sizes = [1], strides = [1]} : vector<16xi32> to vector<1xi32>
    %squeeze3A_393 = vector.extract %slice3A_392[0] : i32 from vector<1xi32>
    %swap3A_394 = arith.constant 73 : i32
    %swap3A_395 = arith.index_cast %swap3A_394 : i32 to index
    %swap3A_396 = memref.load %arg10[%swap3A_395] : memref<128xi32, #tpu.memory_space<smem>>
    memref.store %squeeze3A_393, %arg10[%swap3A_395] : memref<128xi32, #tpu.memory_space<smem>>
    %slice3A_397 = vector.extract_strided_slice %mul3A_346 {offsets = [10], sizes = [1], strides = [1]} : vector<16xi32> to vector<1xi32>
    %squeeze3A_398 = vector.extract %slice3A_397[0] : i32 from vector<1xi32>
    %swap3A_399 = arith.constant 74 : i32
    %swap3A_400 = arith.index_cast %swap3A_399 : i32 to index
    %swap3A_401 = memref.load %arg10[%swap3A_400] : memref<128xi32, #tpu.memory_space<smem>>
    memref.store %squeeze3A_398, %arg10[%swap3A_400] : memref<128xi32, #tpu.memory_space<smem>>
    %slice3A_402 = vector.extract_strided_slice %mul3A_346 {offsets = [11], sizes = [1], strides = [1]} : vector<16xi32> to vector<1xi32>
    %squeeze3A_403 = vector.extract %slice3A_402[0] : i32 from vector<1xi32>
    %swap3A_404 = arith.constant 75 : i32
    %swap3A_405 = arith.index_cast %swap3A_404 : i32 to index
    %swap3A_406 = memref.load %arg10[%swap3A_405] : memref<128xi32, #tpu.memory_space<smem>>
    memref.store %squeeze3A_403, %arg10[%swap3A_405] : memref<128xi32, #tpu.memory_space<smem>>
    %slice3A_407 = vector.extract_strided_slice %mul3A_346 {offsets = [12], sizes = [1], strides = [1]} : vector<16xi32> to vector<1xi32>
    %squeeze3A_408 = vector.extract %slice3A_407[0] : i32 from vector<1xi32>
    %swap3A_409 = arith.constant 76 : i32
    %swap3A_410 = arith.index_cast %swap3A_409 : i32 to index
    %swap3A_411 = memref.load %arg10[%swap3A_410] : memref<128xi32, #tpu.memory_space<smem>>
    memref.store %squeeze3A_408, %arg10[%swap3A_410] : memref<128xi32, #tpu.memory_space<smem>>
    %slice3A_412 = vector.extract_strided_slice %mul3A_346 {offsets = [13], sizes = [1], strides = [1]} : vector<16xi32> to vector<1xi32>
    %squeeze3A_413 = vector.extract %slice3A_412[0] : i32 from vector<1xi32>
    %swap3A_414 = arith.constant 77 : i32
    %swap3A_415 = arith.index_cast %swap3A_414 : i32 to index
    %swap3A_416 = memref.load %arg10[%swap3A_415] : memref<128xi32, #tpu.memory_space<smem>>
    memref.store %squeeze3A_413, %arg10[%swap3A_415] : memref<128xi32, #tpu.memory_space<smem>>
    %slice3A_417 = vector.extract_strided_slice %mul3A_346 {offsets = [14], sizes = [1], strides = [1]} : vector<16xi32> to vector<1xi32>
    %squeeze3A_418 = vector.extract %slice3A_417[0] : i32 from vector<1xi32>
    %swap3A_419 = arith.constant 78 : i32
    %swap3A_420 = arith.index_cast %swap3A_419 : i32 to index
    %swap3A_421 = memref.load %arg10[%swap3A_420] : memref<128xi32, #tpu.memory_space<smem>>
    memref.store %squeeze3A_418, %arg10[%swap3A_420] : memref<128xi32, #tpu.memory_space<smem>>
    %slice3A_422 = vector.extract_strided_slice %mul3A_346 {offsets = [15], sizes = [1], strides = [1]} : vector<16xi32> to vector<1xi32>
    %squeeze3A_423 = vector.extract %slice3A_422[0] : i32 from vector<1xi32>
    %swap3A_424 = arith.constant 79 : i32
    %swap3A_425 = arith.index_cast %swap3A_424 : i32 to index
    %swap3A_426 = memref.load %arg10[%swap3A_425] : memref<128xi32, #tpu.memory_space<smem>>
    memref.store %squeeze3A_423, %arg10[%swap3A_425] : memref<128xi32, #tpu.memory_space<smem>>
    %get3A_427 = arith.constant 80 : index
    %get3A_428 = tpu.vector_load %arg5[%get3A_427] {strides = array<i32>} : memref<128xi32, #tpu.memory_space<vmem>>, vector<16xi32>,
    %get3A_429 = vector.shape_cast %get3A_428 : vector<16xi32> to vector<16xi32>
    %mul3A_430 = arith.constant 512 : i32
    %mul3A_431 = vector.broadcast %mul3A_430 : i32 to vector<16xi32>
    %mul3A_432 = arith.muli %get3A_429, %mul3A_431 : vector<16xi32>
    %slice3A_433 = vector.extract_strided_slice %mul3A_432 {offsets = [0], sizes = [1], strides = [1]} : vector<16xi32> to vector<1xi32>
    %squeeze3A_434 = vector.extract %slice3A_433[0] : i32 from vector<1xi32>
    %swap3A_435 = arith.constant 80 : i32
    %swap3A_436 = arith.index_cast %swap3A_435 : i32 to index
    %swap3A_437 = memref.load %arg10[%swap3A_436] : memref<128xi32, #tpu.memory_space<smem>>
    memref.store %squeeze3A_434, %arg10[%swap3A_436] : memref<128xi32, #tpu.memory_space<smem>>
    %slice3A_438 = vector.extract_strided_slice %mul3A_432 {offsets = [1], sizes = [1], strides = [1]} : vector<16xi32> to vector<1xi32>
    %squeeze3A_439 = vector.extract %slice3A_438[0] : i32 from vector<1xi32>
    %swap3A_440 = arith.constant 81 : i32
    %swap3A_441 = arith.index_cast %swap3A_440 : i32 to index
    %swap3A_442 = memref.load %arg10[%swap3A_441] : memref<128xi32, #tpu.memory_space<smem>>
    memref.store %squeeze3A_439, %arg10[%swap3A_441] : memref<128xi32, #tpu.memory_space<smem>>
    %slice3A_443 = vector.extract_strided_slice %mul3A_432 {offsets = [2], sizes = [1], strides = [1]} : vector<16xi32> to vector<1xi32>
    %squeeze3A_444 = vector.extract %slice3A_443[0] : i32 from vector<1xi32>
    %swap3A_445 = arith.constant 82 : i32
    %swap3A_446 = arith.index_cast %swap3A_445 : i32 to index
    %swap3A_447 = memref.load %arg10[%swap3A_446] : memref<128xi32, #tpu.memory_space<smem>>
    memref.store %squeeze3A_444, %arg10[%swap3A_446] : memref<128xi32, #tpu.memory_space<smem>>
    %slice3A_448 = vector.extract_strided_slice %mul3A_432 {offsets = [3], sizes = [1], strides = [1]} : vector<16xi32> to vector<1xi32>
    %squeeze3A_449 = vector.extract %slice3A_448[0] : i32 from vector<1xi32>
    %swap3A_450 = arith.constant 83 : i32
    %swap3A_451 = arith.index_cast %swap3A_450 : i32 to index
    %swap3A_452 = memref.load %arg10[%swap3A_451] : memref<128xi32, #tpu.memory_space<smem>>
    memref.store %squeeze3A_449, %arg10[%swap3A_451] : memref<128xi32, #tpu.memory_space<smem>>
    %slice3A_453 = vector.extract_strided_slice %mul3A_432 {offsets = [4], sizes = [1], strides = [1]} : vector<16xi32> to vector<1xi32>
    %squeeze3A_454 = vector.extract %slice3A_453[0] : i32 from vector<1xi32>
    %swap3A_455 = arith.constant 84 : i32
    %swap3A_456 = arith.index_cast %swap3A_455 : i32 to index
    %swap3A_457 = memref.load %arg10[%swap3A_456] : memref<128xi32, #tpu.memory_space<smem>>
    memref.store %squeeze3A_454, %arg10[%swap3A_456] : memref<128xi32, #tpu.memory_space<smem>>
    %slice3A_458 = vector.extract_strided_slice %mul3A_432 {offsets = [5], sizes = [1], strides = [1]} : vector<16xi32> to vector<1xi32>
    %squeeze3A_459 = vector.extract %slice3A_458[0] : i32 from vector<1xi32>
    %swap3A_460 = arith.constant 85 : i32
    %swap3A_461 = arith.index_cast %swap3A_460 : i32 to index
    %swap3A_462 = memref.load %arg10[%swap3A_461] : memref<128xi32, #tpu.memory_space<smem>>
    memref.store %squeeze3A_459, %arg10[%swap3A_461] : memref<128xi32, #tpu.memory_space<smem>>
    %slice3A_463 = vector.extract_strided_slice %mul3A_432 {offsets = [6], sizes = [1], strides = [1]} : vector<16xi32> to vector<1xi32>
    %squeeze3A_464 = vector.extract %slice3A_463[0] : i32 from vector<1xi32>
    %swap3A_465 = arith.constant 86 : i32
    %swap3A_466 = arith.index_cast %swap3A_465 : i32 to index
    %swap3A_467 = memref.load %arg10[%swap3A_466] : memref<128xi32, #tpu.memory_space<smem>>
    memref.store %squeeze3A_464, %arg10[%swap3A_466] : memref<128xi32, #tpu.memory_space<smem>>
    %slice3A_468 = vector.extract_strided_slice %mul3A_432 {offsets = [7], sizes = [1], strides = [1]} : vector<16xi32> to vector<1xi32>
    %squeeze3A_469 = vector.extract %slice3A_468[0] : i32 from vector<1xi32>
    %swap3A_470 = arith.constant 87 : i32
    %swap3A_471 = arith.index_cast %swap3A_470 : i32 to index
    %swap3A_472 = memref.load %arg10[%swap3A_471] : memref<128xi32, #tpu.memory_space<smem>>
    memref.store %squeeze3A_469, %arg10[%swap3A_471] : memref<128xi32, #tpu.memory_space<smem>>
    %slice3A_473 = vector.extract_strided_slice %mul3A_432 {offsets = [8], sizes = [1], strides = [1]} : vector<16xi32> to vector<1xi32>
    %squeeze3A_474 = vector.extract %slice3A_473[0] : i32 from vector<1xi32>
    %swap3A_475 = arith.constant 88 : i32
    %swap3A_476 = arith.index_cast %swap3A_475 : i32 to index
    %swap3A_477 = memref.load %arg10[%swap3A_476] : memref<128xi32, #tpu.memory_space<smem>>
    memref.store %squeeze3A_474, %arg10[%swap3A_476] : memref<128xi32, #tpu.memory_space<smem>>
    %slice3A_478 = vector.extract_strided_slice %mul3A_432 {offsets = [9], sizes = [1], strides = [1]} : vector<16xi32> to vector<1xi32>
    %squeeze3A_479 = vector.extract %slice3A_478[0] : i32 from vector<1xi32>
    %swap3A_480 = arith.constant 89 : i32
    %swap3A_481 = arith.index_cast %swap3A_480 : i32 to index
    %swap3A_482 = memref.load %arg10[%swap3A_481] : memref<128xi32, #tpu.memory_space<smem>>
    memref.store %squeeze3A_479, %arg10[%swap3A_481] : memref<128xi32, #tpu.memory_space<smem>>
    %slice3A_483 = vector.extract_strided_slice %mul3A_432 {offsets = [10], sizes = [1], strides = [1]} : vector<16xi32> to vector<1xi32>
    %squeeze3A_484 = vector.extract %slice3A_483[0] : i32 from vector<1xi32>
    %swap3A_485 = arith.constant 90 : i32
    %swap3A_486 = arith.index_cast %swap3A_485 : i32 to index
    %swap3A_487 = memref.load %arg10[%swap3A_486] : memref<128xi32, #tpu.memory_space<smem>>
    memref.store %squeeze3A_484, %arg10[%swap3A_486] : memref<128xi32, #tpu.memory_space<smem>>
    %slice3A_488 = vector.extract_strided_slice %mul3A_432 {offsets = [11], sizes = [1], strides = [1]} : vector<16xi32> to vector<1xi32>
    %squeeze3A_489 = vector.extract %slice3A_488[0] : i32 from vector<1xi32>
    %swap3A_490 = arith.constant 91 : i32
    %swap3A_491 = arith.index_cast %swap3A_490 : i32 to index
    %swap3A_492 = memref.load %arg10[%swap3A_491] : memref<128xi32, #tpu.memory_space<smem>>
    memref.store %squeeze3A_489, %arg10[%swap3A_491] : memref<128xi32, #tpu.memory_space<smem>>
    %slice3A_493 = vector.extract_strided_slice %mul3A_432 {offsets = [12], sizes = [1], strides = [1]} : vector<16xi32> to vector<1xi32>
    %squeeze3A_494 = vector.extract %slice3A_493[0] : i32 from vector<1xi32>
    %swap3A_495 = arith.constant 92 : i32
    %swap3A_496 = arith.index_cast %swap3A_495 : i32 to index
    %swap3A_497 = memref.load %arg10[%swap3A_496] : memref<128xi32, #tpu.memory_space<smem>>
    memref.store %squeeze3A_494, %arg10[%swap3A_496] : memref<128xi32, #tpu.memory_space<smem>>
    %slice3A_498 = vector.extract_strided_slice %mul3A_432 {offsets = [13], sizes = [1], strides = [1]} : vector<16xi32> to vector<1xi32>
    %squeeze3A_499 = vector.extract %slice3A_498[0] : i32 from vector<1xi32>
    %swap3A_500 = arith.constant 93 : i32
    %swap3A_501 = arith.index_cast %swap3A_500 : i32 to index
    %swap3A_502 = memref.load %arg10[%swap3A_501] : memref<128xi32, #tpu.memory_space<smem>>
    memref.store %squeeze3A_499, %arg10[%swap3A_501] : memref<128xi32, #tpu.memory_space<smem>>
    %slice3A_503 = vector.extract_strided_slice %mul3A_432 {offsets = [14], sizes = [1], strides = [1]} : vector<16xi32> to vector<1xi32>
    %squeeze3A_504 = vector.extract %slice3A_503[0] : i32 from vector<1xi32>
    %swap3A_505 = arith.constant 94 : i32
    %swap3A_506 = arith.index_cast %swap3A_505 : i32 to index
    %swap3A_507 = memref.load %arg10[%swap3A_506] : memref<128xi32, #tpu.memory_space<smem>>
    memref.store %squeeze3A_504, %arg10[%swap3A_506] : memref<128xi32, #tpu.memory_space<smem>>
    %slice3A_508 = vector.extract_strided_slice %mul3A_432 {offsets = [15], sizes = [1], strides = [1]} : vector<16xi32> to vector<1xi32>
    %squeeze3A_509 = vector.extract %slice3A_508[0] : i32 from vector<1xi32>
    %swap3A_510 = arith.constant 95 : i32
    %swap3A_511 = arith.index_cast %swap3A_510 : i32 to index
    %swap3A_512 = memref.load %arg10[%swap3A_511] : memref<128xi32, #tpu.memory_space<smem>>
    memref.store %squeeze3A_509, %arg10[%swap3A_511] : memref<128xi32, #tpu.memory_space<smem>>
    %get3A_513 = arith.constant 96 : index
    %get3A_514 = tpu.vector_load %arg5[%get3A_513] {strides = array<i32>} : memref<128xi32, #tpu.memory_space<vmem>>, vector<16xi32>,
    %get3A_515 = vector.shape_cast %get3A_514 : vector<16xi32> to vector<16xi32>
    %mul3A_516 = arith.constant 512 : i32
    %mul3A_517 = vector.broadcast %mul3A_516 : i32 to vector<16xi32>
    %mul3A_518 = arith.muli %get3A_515, %mul3A_517 : vector<16xi32>
    %slice3A_519 = vector.extract_strided_slice %mul3A_518 {offsets = [0], sizes = [1], strides = [1]} : vector<16xi32> to vector<1xi32>
    %squeeze3A_520 = vector.extract %slice3A_519[0] : i32 from vector<1xi32>
    %swap3A_521 = arith.constant 96 : i32
    %swap3A_522 = arith.index_cast %swap3A_521 : i32 to index
    %swap3A_523 = memref.load %arg10[%swap3A_522] : memref<128xi32, #tpu.memory_space<smem>>
    memref.store %squeeze3A_520, %arg10[%swap3A_522] : memref<128xi32, #tpu.memory_space<smem>>
    %slice3A_524 = vector.extract_strided_slice %mul3A_518 {offsets = [1], sizes = [1], strides = [1]} : vector<16xi32> to vector<1xi32>
    %squeeze3A_525 = vector.extract %slice3A_524[0] : i32 from vector<1xi32>
    %swap3A_526 = arith.constant 97 : i32
    %swap3A_527 = arith.index_cast %swap3A_526 : i32 to index
    %swap3A_528 = memref.load %arg10[%swap3A_527] : memref<128xi32, #tpu.memory_space<smem>>
    memref.store %squeeze3A_525, %arg10[%swap3A_527] : memref<128xi32, #tpu.memory_space<smem>>
    %slice3A_529 = vector.extract_strided_slice %mul3A_518 {offsets = [2], sizes = [1], strides = [1]} : vector<16xi32> to vector<1xi32>
    %squeeze3A_530 = vector.extract %slice3A_529[0] : i32 from vector<1xi32>
    %swap3A_531 = arith.constant 98 : i32
    %swap3A_532 = arith.index_cast %swap3A_531 : i32 to index
    %swap3A_533 = memref.load %arg10[%swap3A_532] : memref<128xi32, #tpu.memory_space<smem>>
    memref.store %squeeze3A_530, %arg10[%swap3A_532] : memref<128xi32, #tpu.memory_space<smem>>
    %slice3A_534 = vector.extract_strided_slice %mul3A_518 {offsets = [3], sizes = [1], strides = [1]} : vector<16xi32> to vector<1xi32>
    %squeeze3A_535 = vector.extract %slice3A_534[0] : i32 from vector<1xi32>
    %swap3A_536 = arith.constant 99 : i32
    %swap3A_537 = arith.index_cast %swap3A_536 : i32 to index
    %swap3A_538 = memref.load %arg10[%swap3A_537] : memref<128xi32, #tpu.memory_space<smem>>
    memref.store %squeeze3A_535, %arg10[%swap3A_537] : memref<128xi32, #tpu.memory_space<smem>>
    %slice3A_539 = vector.extract_strided_slice %mul3A_518 {offsets = [4], sizes = [1], strides = [1]} : vector<16xi32> to vector<1xi32>
    %squeeze3A_540 = vector.extract %slice3A_539[0] : i32 from vector<1xi32>
    %swap3A_541 = arith.constant 100 : i32
    %swap3A_542 = arith.index_cast %swap3A_541 : i32 to index
    %swap3A_543 = memref.load %arg10[%swap3A_542] : memref<128xi32, #tpu.memory_space<smem>>
    memref.store %squeeze3A_540, %arg10[%swap3A_542] : memref<128xi32, #tpu.memory_space<smem>>
    %slice3A_544 = vector.extract_strided_slice %mul3A_518 {offsets = [5], sizes = [1], strides = [1]} : vector<16xi32> to vector<1xi32>
    %squeeze3A_545 = vector.extract %slice3A_544[0] : i32 from vector<1xi32>
    %swap3A_546 = arith.constant 101 : i32
    %swap3A_547 = arith.index_cast %swap3A_546 : i32 to index
    %swap3A_548 = memref.load %arg10[%swap3A_547] : memref<128xi32, #tpu.memory_space<smem>>
    memref.store %squeeze3A_545, %arg10[%swap3A_547] : memref<128xi32, #tpu.memory_space<smem>>
    %slice3A_549 = vector.extract_strided_slice %mul3A_518 {offsets = [6], sizes = [1], strides = [1]} : vector<16xi32> to vector<1xi32>
    %squeeze3A_550 = vector.extract %slice3A_549[0] : i32 from vector<1xi32>
    %swap3A_551 = arith.constant 102 : i32
    %swap3A_552 = arith.index_cast %swap3A_551 : i32 to index
    %swap3A_553 = memref.load %arg10[%swap3A_552] : memref<128xi32, #tpu.memory_space<smem>>
    memref.store %squeeze3A_550, %arg10[%swap3A_552] : memref<128xi32, #tpu.memory_space<smem>>
    %slice3A_554 = vector.extract_strided_slice %mul3A_518 {offsets = [7], sizes = [1], strides = [1]} : vector<16xi32> to vector<1xi32>
    %squeeze3A_555 = vector.extract %slice3A_554[0] : i32 from vector<1xi32>
    %swap3A_556 = arith.constant 103 : i32
    %swap3A_557 = arith.index_cast %swap3A_556 : i32 to index
    %swap3A_558 = memref.load %arg10[%swap3A_557] : memref<128xi32, #tpu.memory_space<smem>>
    memref.store %squeeze3A_555, %arg10[%swap3A_557] : memref<128xi32, #tpu.memory_space<smem>>
    %slice3A_559 = vector.extract_strided_slice %mul3A_518 {offsets = [8], sizes = [1], strides = [1]} : vector<16xi32> to vector<1xi32>
    %squeeze3A_560 = vector.extract %slice3A_559[0] : i32 from vector<1xi32>
    %swap3A_561 = arith.constant 104 : i32
    %swap3A_562 = arith.index_cast %swap3A_561 : i32 to index
    %swap3A_563 = memref.load %arg10[%swap3A_562] : memref<128xi32, #tpu.memory_space<smem>>
    memref.store %squeeze3A_560, %arg10[%swap3A_562] : memref<128xi32, #tpu.memory_space<smem>>
    %slice3A_564 = vector.extract_strided_slice %mul3A_518 {offsets = [9], sizes = [1], strides = [1]} : vector<16xi32> to vector<1xi32>
    %squeeze3A_565 = vector.extract %slice3A_564[0] : i32 from vector<1xi32>
    %swap3A_566 = arith.constant 105 : i32
    %swap3A_567 = arith.index_cast %swap3A_566 : i32 to index
    %swap3A_568 = memref.load %arg10[%swap3A_567] : memref<128xi32, #tpu.memory_space<smem>>
    memref.store %squeeze3A_565, %arg10[%swap3A_567] : memref<128xi32, #tpu.memory_space<smem>>
    %slice3A_569 = vector.extract_strided_slice %mul3A_518 {offsets = [10], sizes = [1], strides = [1]} : vector<16xi32> to vector<1xi32>
    %squeeze3A_570 = vector.extract %slice3A_569[0] : i32 from vector<1xi32>
    %swap3A_571 = arith.constant 106 : i32
    %swap3A_572 = arith.index_cast %swap3A_571 : i32 to index
    %swap3A_573 = memref.load %arg10[%swap3A_572] : memref<128xi32, #tpu.memory_space<smem>>
    memref.store %squeeze3A_570, %arg10[%swap3A_572] : memref<128xi32, #tpu.memory_space<smem>>
    %slice3A_574 = vector.extract_strided_slice %mul3A_518 {offsets = [11], sizes = [1], strides = [1]} : vector<16xi32> to vector<1xi32>
    %squeeze3A_575 = vector.extract %slice3A_574[0] : i32 from vector<1xi32>
    %swap3A_576 = arith.constant 107 : i32
    %swap3A_577 = arith.index_cast %swap3A_576 : i32 to index
    %swap3A_578 = memref.load %arg10[%swap3A_577] : memref<128xi32, #tpu.memory_space<smem>>
    memref.store %squeeze3A_575, %arg10[%swap3A_577] : memref<128xi32, #tpu.memory_space<smem>>
    %slice3A_579 = vector.extract_strided_slice %mul3A_518 {offsets = [12], sizes = [1], strides = [1]} : vector<16xi32> to vector<1xi32>
    %squeeze3A_580 = vector.extract %slice3A_579[0] : i32 from vector<1xi32>
    %swap3A_581 = arith.constant 108 : i32
    %swap3A_582 = arith.index_cast %swap3A_581 : i32 to index
    %swap3A_583 = memref.load %arg10[%swap3A_582] : memref<128xi32, #tpu.memory_space<smem>>
    memref.store %squeeze3A_580, %arg10[%swap3A_582] : memref<128xi32, #tpu.memory_space<smem>>
    %slice3A_584 = vector.extract_strided_slice %mul3A_518 {offsets = [13], sizes = [1], strides = [1]} : vector<16xi32> to vector<1xi32>
    %squeeze3A_585 = vector.extract %slice3A_584[0] : i32 from vector<1xi32>
    %swap3A_586 = arith.constant 109 : i32
    %swap3A_587 = arith.index_cast %swap3A_586 : i32 to index
    %swap3A_588 = memref.load %arg10[%swap3A_587] : memref<128xi32, #tpu.memory_space<smem>>
    memref.store %squeeze3A_585, %arg10[%swap3A_587] : memref<128xi32, #tpu.memory_space<smem>>
    %slice3A_589 = vector.extract_strided_slice %mul3A_518 {offsets = [14], sizes = [1], strides = [1]} : vector<16xi32> to vector<1xi32>
    %squeeze3A_590 = vector.extract %slice3A_589[0] : i32 from vector<1xi32>
    %swap3A_591 = arith.constant 110 : i32
    %swap3A_592 = arith.index_cast %swap3A_591 : i32 to index
    %swap3A_593 = memref.load %arg10[%swap3A_592] : memref<128xi32, #tpu.memory_space<smem>>
    memref.store %squeeze3A_590, %arg10[%swap3A_592] : memref<128xi32, #tpu.memory_space<smem>>
    %slice3A_594 = vector.extract_strided_slice %mul3A_518 {offsets = [15], sizes = [1], strides = [1]} : vector<16xi32> to vector<1xi32>
    %squeeze3A_595 = vector.extract %slice3A_594[0] : i32 from vector<1xi32>
    %swap3A_596 = arith.constant 111 : i32
    %swap3A_597 = arith.index_cast %swap3A_596 : i32 to index
    %swap3A_598 = memref.load %arg10[%swap3A_597] : memref<128xi32, #tpu.memory_space<smem>>
    memref.store %squeeze3A_595, %arg10[%swap3A_597] : memref<128xi32, #tpu.memory_space<smem>>
    %get3A_599 = arith.constant 112 : index
    %get3A_600 = tpu.vector_load %arg5[%get3A_599] {strides = array<i32>} : memref<128xi32, #tpu.memory_space<vmem>>, vector<16xi32>,
    %get3A_601 = vector.shape_cast %get3A_600 : vector<16xi32> to vector<16xi32>
    %mul3A_602 = arith.constant 512 : i32
    %mul3A_603 = vector.broadcast %mul3A_602 : i32 to vector<16xi32>
    %mul3A_604 = arith.muli %get3A_601, %mul3A_603 : vector<16xi32>
    %slice3A_605 = vector.extract_strided_slice %mul3A_604 {offsets = [0], sizes = [1], strides = [1]} : vector<16xi32> to vector<1xi32>
    %squeeze3A_606 = vector.extract %slice3A_605[0] : i32 from vector<1xi32>
    %swap3A_607 = arith.constant 112 : i32
    %swap3A_608 = arith.index_cast %swap3A_607 : i32 to index
    %swap3A_609 = memref.load %arg10[%swap3A_608] : memref<128xi32, #tpu.memory_space<smem>>
    memref.store %squeeze3A_606, %arg10[%swap3A_608] : memref<128xi32, #tpu.memory_space<smem>>
    %slice3A_610 = vector.extract_strided_slice %mul3A_604 {offsets = [1], sizes = [1], strides = [1]} : vector<16xi32> to vector<1xi32>
    %squeeze3A_611 = vector.extract %slice3A_610[0] : i32 from vector<1xi32>
    %swap3A_612 = arith.constant 113 : i32
    %swap3A_613 = arith.index_cast %swap3A_612 : i32 to index
    %swap3A_614 = memref.load %arg10[%swap3A_613] : memref<128xi32, #tpu.memory_space<smem>>
    memref.store %squeeze3A_611, %arg10[%swap3A_613] : memref<128xi32, #tpu.memory_space<smem>>
    %slice3A_615 = vector.extract_strided_slice %mul3A_604 {offsets = [2], sizes = [1], strides = [1]} : vector<16xi32> to vector<1xi32>
    %squeeze3A_616 = vector.extract %slice3A_615[0] : i32 from vector<1xi32>
    %swap3A_617 = arith.constant 114 : i32
    %swap3A_618 = arith.index_cast %swap3A_617 : i32 to index
    %swap3A_619 = memref.load %arg10[%swap3A_618] : memref<128xi32, #tpu.memory_space<smem>>
    memref.store %squeeze3A_616, %arg10[%swap3A_618] : memref<128xi32, #tpu.memory_space<smem>>
    %slice3A_620 = vector.extract_strided_slice %mul3A_604 {offsets = [3], sizes = [1], strides = [1]} : vector<16xi32> to vector<1xi32>
    %squeeze3A_621 = vector.extract %slice3A_620[0] : i32 from vector<1xi32>
    %swap3A_622 = arith.constant 115 : i32
    %swap3A_623 = arith.index_cast %swap3A_622 : i32 to index
    %swap3A_624 = memref.load %arg10[%swap3A_623] : memref<128xi32, #tpu.memory_space<smem>>
    memref.store %squeeze3A_621, %arg10[%swap3A_623] : memref<128xi32, #tpu.memory_space<smem>>
    %slice3A_625 = vector.extract_strided_slice %mul3A_604 {offsets = [4], sizes = [1], strides = [1]} : vector<16xi32> to vector<1xi32>
    %squeeze3A_626 = vector.extract %slice3A_625[0] : i32 from vector<1xi32>
    %swap3A_627 = arith.constant 116 : i32
    %swap3A_628 = arith.index_cast %swap3A_627 : i32 to index
    %swap3A_629 = memref.load %arg10[%swap3A_628] : memref<128xi32, #tpu.memory_space<smem>>
    memref.store %squeeze3A_626, %arg10[%swap3A_628] : memref<128xi32, #tpu.memory_space<smem>>
    %slice3A_630 = vector.extract_strided_slice %mul3A_604 {offsets = [5], sizes = [1], strides = [1]} : vector<16xi32> to vector<1xi32>
    %squeeze3A_631 = vector.extract %slice3A_630[0] : i32 from vector<1xi32>
    %swap3A_632 = arith.constant 117 : i32
    %swap3A_633 = arith.index_cast %swap3A_632 : i32 to index
    %swap3A_634 = memref.load %arg10[%swap3A_633] : memref<128xi32, #tpu.memory_space<smem>>
    memref.store %squeeze3A_631, %arg10[%swap3A_633] : memref<128xi32, #tpu.memory_space<smem>>
    %slice3A_635 = vector.extract_strided_slice %mul3A_604 {offsets = [6], sizes = [1], strides = [1]} : vector<16xi32> to vector<1xi32>
    %squeeze3A_636 = vector.extract %slice3A_635[0] : i32 from vector<1xi32>
    %swap3A_637 = arith.constant 118 : i32
    %swap3A_638 = arith.index_cast %swap3A_637 : i32 to index
    %swap3A_639 = memref.load %arg10[%swap3A_638] : memref<128xi32, #tpu.memory_space<smem>>
    memref.store %squeeze3A_636, %arg10[%swap3A_638] : memref<128xi32, #tpu.memory_space<smem>>
    %slice3A_640 = vector.extract_strided_slice %mul3A_604 {offsets = [7], sizes = [1], strides = [1]} : vector<16xi32> to vector<1xi32>
    %squeeze3A_641 = vector.extract %slice3A_640[0] : i32 from vector<1xi32>
    %swap3A_642 = arith.constant 119 : i32
    %swap3A_643 = arith.index_cast %swap3A_642 : i32 to index
    %swap3A_644 = memref.load %arg10[%swap3A_643] : memref<128xi32, #tpu.memory_space<smem>>
    memref.store %squeeze3A_641, %arg10[%swap3A_643] : memref<128xi32, #tpu.memory_space<smem>>
    %slice3A_645 = vector.extract_strided_slice %mul3A_604 {offsets = [8], sizes = [1], strides = [1]} : vector<16xi32> to vector<1xi32>
    %squeeze3A_646 = vector.extract %slice3A_645[0] : i32 from vector<1xi32>
    %swap3A_647 = arith.constant 120 : i32
    %swap3A_648 = arith.index_cast %swap3A_647 : i32 to index
    %swap3A_649 = memref.load %arg10[%swap3A_648] : memref<128xi32, #tpu.memory_space<smem>>
    memref.store %squeeze3A_646, %arg10[%swap3A_648] : memref<128xi32, #tpu.memory_space<smem>>
    %slice3A_650 = vector.extract_strided_slice %mul3A_604 {offsets = [9], sizes = [1], strides = [1]} : vector<16xi32> to vector<1xi32>
    %squeeze3A_651 = vector.extract %slice3A_650[0] : i32 from vector<1xi32>
    %swap3A_652 = arith.constant 121 : i32
    %swap3A_653 = arith.index_cast %swap3A_652 : i32 to index
    %swap3A_654 = memref.load %arg10[%swap3A_653] : memref<128xi32, #tpu.memory_space<smem>>
    memref.store %squeeze3A_651, %arg10[%swap3A_653] : memref<128xi32, #tpu.memory_space<smem>>
    %slice3A_655 = vector.extract_strided_slice %mul3A_604 {offsets = [10], sizes = [1], strides = [1]} : vector<16xi32> to vector<1xi32>
    %squeeze3A_656 = vector.extract %slice3A_655[0] : i32 from vector<1xi32>
    %swap3A_657 = arith.constant 122 : i32
    %swap3A_658 = arith.index_cast %swap3A_657 : i32 to index
    %swap3A_659 = memref.load %arg10[%swap3A_658] : memref<128xi32, #tpu.memory_space<smem>>
    memref.store %squeeze3A_656, %arg10[%swap3A_658] : memref<128xi32, #tpu.memory_space<smem>>
    %slice3A_660 = vector.extract_strided_slice %mul3A_604 {offsets = [11], sizes = [1], strides = [1]} : vector<16xi32> to vector<1xi32>
    %squeeze3A_661 = vector.extract %slice3A_660[0] : i32 from vector<1xi32>
    %swap3A_662 = arith.constant 123 : i32
    %swap3A_663 = arith.index_cast %swap3A_662 : i32 to index
    %swap3A_664 = memref.load %arg10[%swap3A_663] : memref<128xi32, #tpu.memory_space<smem>>
    memref.store %squeeze3A_661, %arg10[%swap3A_663] : memref<128xi32, #tpu.memory_space<smem>>
    %slice3A_665 = vector.extract_strided_slice %mul3A_604 {offsets = [12], sizes = [1], strides = [1]} : vector<16xi32> to vector<1xi32>
    %squeeze3A_666 = vector.extract %slice3A_665[0] : i32 from vector<1xi32>
    %swap3A_667 = arith.constant 124 : i32
    %swap3A_668 = arith.index_cast %swap3A_667 : i32 to index
    %swap3A_669 = memref.load %arg10[%swap3A_668] : memref<128xi32, #tpu.memory_space<smem>>
    memref.store %squeeze3A_666, %arg10[%swap3A_668] : memref<128xi32, #tpu.memory_space<smem>>
    %slice3A_670 = vector.extract_strided_slice %mul3A_604 {offsets = [13], sizes = [1], strides = [1]} : vector<16xi32> to vector<1xi32>
    %squeeze3A_671 = vector.extract %slice3A_670[0] : i32 from vector<1xi32>
    %swap3A_672 = arith.constant 125 : i32
    %swap3A_673 = arith.index_cast %swap3A_672 : i32 to index
    %swap3A_674 = memref.load %arg10[%swap3A_673] : memref<128xi32, #tpu.memory_space<smem>>
    memref.store %squeeze3A_671, %arg10[%swap3A_673] : memref<128xi32, #tpu.memory_space<smem>>
    %slice3A_675 = vector.extract_strided_slice %mul3A_604 {offsets = [14], sizes = [1], strides = [1]} : vector<16xi32> to vector<1xi32>
    %squeeze3A_676 = vector.extract %slice3A_675[0] : i32 from vector<1xi32>
    %swap3A_677 = arith.constant 126 : i32
    %swap3A_678 = arith.index_cast %swap3A_677 : i32 to index
    %swap3A_679 = memref.load %arg10[%swap3A_678] : memref<128xi32, #tpu.memory_space<smem>>
    memref.store %squeeze3A_676, %arg10[%swap3A_678] : memref<128xi32, #tpu.memory_space<smem>>
    %slice3A_680 = vector.extract_strided_slice %mul3A_604 {offsets = [15], sizes = [1], strides = [1]} : vector<16xi32> to vector<1xi32>
    %squeeze3A_681 = vector.extract %slice3A_680[0] : i32 from vector<1xi32>
    %swap3A_682 = arith.constant 127 : i32
    %swap3A_683 = arith.index_cast %swap3A_682 : i32 to index
    %swap3A_684 = memref.load %arg10[%swap3A_683] : memref<128xi32, #tpu.memory_space<smem>>
    memref.store %squeeze3A_681, %arg10[%swap3A_683] : memref<128xi32, #tpu.memory_space<smem>>
    %parallel_loop3A = arith.constant 0 : i32
    %parallel_loop3A_685 = arith.constant 64 : i32
    %parallel_loop3A_686 = arith.constant 1 : i32
    scf.for %parallel_loop3A_708 = %parallel_loop3A to %parallel_loop3A_685 step %parallel_loop3A_686  : i32 {
      %parallel_loop3A_709 = arith.constant 0 : i32
      %parallel_loop3A_710 = arith.addi %parallel_loop3A_709, %parallel_loop3A_708 : i32
      %parallel_loop3A_711 = arith.index_cast %parallel_loop3A_710 : i32 to index
      %parallel_loop3A_712 = memref.load %arg10[%parallel_loop3A_711] : memref<128xi32, #tpu.memory_space<smem>>
      %parallel_loop3A_713 = arith.constant 0 : i32
      %parallel_loop3A_714 = arith.addi %parallel_loop3A_712, %parallel_loop3A_713 : i32
      %parallel_loop3A_715 = arith.index_cast %parallel_loop3A_714 : i32 to index
      %parallel_loop3A_716 = tpu.vector_load %arg6[%parallel_loop3A_715] {strides = array<i32>} : memref<3584xf32, #tpu.memory_space<vmem>>, vector<16xf32>,
      %parallel_loop3A_717 = vector.shape_cast %parallel_loop3A_716 : vector<16xf32> to vector<16xf32>
      %parallel_loop3A_718 = arith.constant 512 : i32
      %parallel_loop3A_719 = arith.muli %parallel_loop3A_708, %parallel_loop3A_718 : i32
      %parallel_loop3A_720 = arith.constant 0 : i32
      %parallel_loop3A_721 = arith.addi %parallel_loop3A_719, %parallel_loop3A_720 : i32
      %parallel_loop3A_722 = arith.index_cast %parallel_loop3A_721 : i32 to index
      %parallel_loop3A_723 = tpu.vector_load %arg7[%parallel_loop3A_722] {strides = array<i32>} : memref<32768xf32, #tpu.memory_space<vmem>>, vector<16xf32>,
      %parallel_loop3A_724 = vector.shape_cast %parallel_loop3A_723 : vector<16xf32> to vector<16xf32>
      %parallel_loop3A_725 = vector.shape_cast %parallel_loop3A_717 : vector<16xf32> to vector<16xf32>
      tpu.vector_store %arg7[%parallel_loop3A_722], %parallel_loop3A_725 {strides = array<i32>} : memref<32768xf32, #tpu.memory_space<vmem>>, vector<16xf32>,
      %parallel_loop3A_726 = arith.constant 16 : i32
      %parallel_loop3A_727 = arith.addi %parallel_loop3A_712, %parallel_loop3A_726 : i32
      %parallel_loop3A_728 = arith.index_cast %parallel_loop3A_727 : i32 to index
      %parallel_loop3A_729 = tpu.vector_load %arg6[%parallel_loop3A_728] {strides = array<i32>} : memref<3584xf32, #tpu.memory_space<vmem>>, vector<16xf32>,
      %parallel_loop3A_730 = vector.shape_cast %parallel_loop3A_729 : vector<16xf32> to vector<16xf32>
      %parallel_loop3A_731 = arith.constant 512 : i32
      %parallel_loop3A_732 = arith.muli %parallel_loop3A_708, %parallel_loop3A_731 : i32
      %parallel_loop3A_733 = arith.constant 16 : i32
      %parallel_loop3A_734 = arith.addi %parallel_loop3A_732, %parallel_loop3A_733 : i32
      %parallel_loop3A_735 = arith.index_cast %parallel_loop3A_734 : i32 to index
      %parallel_loop3A_736 = tpu.vector_load %arg7[%parallel_loop3A_735] {strides = array<i32>} : memref<32768xf32, #tpu.memory_space<vmem>>, vector<16xf32>,
      %parallel_loop3A_737 = vector.shape_cast %parallel_loop3A_736 : vector<16xf32> to vector<16xf32>
      %parallel_loop3A_738 = vector.shape_cast %parallel_loop3A_730 : vector<16xf32> to vector<16xf32>
      tpu.vector_store %arg7[%parallel_loop3A_735], %parallel_loop3A_738 {strides = array<i32>} : memref<32768xf32, #tpu.memory_space<vmem>>, vector<16xf32>,
      %parallel_loop3A_739 = arith.constant 32 : i32
      %parallel_loop3A_740 = arith.addi %parallel_loop3A_712, %parallel_loop3A_739 : i32
      %parallel_loop3A_741 = arith.index_cast %parallel_loop3A_740 : i32 to index
      %parallel_loop3A_742 = tpu.vector_load %arg6[%parallel_loop3A_741] {strides = array<i32>} : memref<3584xf32, #tpu.memory_space<vmem>>, vector<16xf32>,
      %parallel_loop3A_743 = vector.shape_cast %parallel_loop3A_742 : vector<16xf32> to vector<16xf32>
      %parallel_loop3A_744 = arith.constant 512 : i32
      %parallel_loop3A_745 = arith.muli %parallel_loop3A_708, %parallel_loop3A_744 : i32
      %parallel_loop3A_746 = arith.constant 32 : i32
      %parallel_loop3A_747 = arith.addi %parallel_loop3A_745, %parallel_loop3A_746 : i32
      %parallel_loop3A_748 = arith.index_cast %parallel_loop3A_747 : i32 to index
      %parallel_loop3A_749 = tpu.vector_load %arg7[%parallel_loop3A_748] {strides = array<i32>} : memref<32768xf32, #tpu.memory_space<vmem>>, vector<16xf32>,
      %parallel_loop3A_750 = vector.shape_cast %parallel_loop3A_749 : vector<16xf32> to vector<16xf32>
      %parallel_loop3A_751 = vector.shape_cast %parallel_loop3A_743 : vector<16xf32> to vector<16xf32>
      tpu.vector_store %arg7[%parallel_loop3A_748], %parallel_loop3A_751 {strides = array<i32>} : memref<32768xf32, #tpu.memory_space<vmem>>, vector<16xf32>,
      %parallel_loop3A_752 = arith.constant 48 : i32
      %parallel_loop3A_753 = arith.addi %parallel_loop3A_712, %parallel_loop3A_752 : i32
      %parallel_loop3A_754 = arith.index_cast %parallel_loop3A_753 : i32 to index
      %parallel_loop3A_755 = tpu.vector_load %arg6[%parallel_loop3A_754] {strides = array<i32>} : memref<3584xf32, #tpu.memory_space<vmem>>, vector<16xf32>,
      %parallel_loop3A_756 = vector.shape_cast %parallel_loop3A_755 : vector<16xf32> to vector<16xf32>
      %parallel_loop3A_757 = arith.constant 512 : i32
      %parallel_loop3A_758 = arith.muli %parallel_loop3A_708, %parallel_loop3A_757 : i32
      %parallel_loop3A_759 = arith.constant 48 : i32
      %parallel_loop3A_760 = arith.addi %parallel_loop3A_758, %parallel_loop3A_759 : i32
      %parallel_loop3A_761 = arith.index_cast %parallel_loop3A_760 : i32 to index
      %parallel_loop3A_762 = tpu.vector_load %arg7[%parallel_loop3A_761] {strides = array<i32>} : memref<32768xf32, #tpu.memory_space<vmem>>, vector<16xf32>,
      %parallel_loop3A_763 = vector.shape_cast %parallel_loop3A_762 : vector<16xf32> to vector<16xf32>
      %parallel_loop3A_764 = vector.shape_cast %parallel_loop3A_756 : vector<16xf32> to vector<16xf32>
      tpu.vector_store %arg7[%parallel_loop3A_761], %parallel_loop3A_764 {strides = array<i32>} : memref<32768xf32, #tpu.memory_space<vmem>>, vector<16xf32>,
      %parallel_loop3A_765 = arith.constant 64 : i32
      %parallel_loop3A_766 = arith.addi %parallel_loop3A_712, %parallel_loop3A_765 : i32
      %parallel_loop3A_767 = arith.index_cast %parallel_loop3A_766 : i32 to index
      %parallel_loop3A_768 = tpu.vector_load %arg6[%parallel_loop3A_767] {strides = array<i32>} : memref<3584xf32, #tpu.memory_space<vmem>>, vector<16xf32>,
      %parallel_loop3A_769 = vector.shape_cast %parallel_loop3A_768 : vector<16xf32> to vector<16xf32>
      %parallel_loop3A_770 = arith.constant 512 : i32
      %parallel_loop3A_771 = arith.muli %parallel_loop3A_708, %parallel_loop3A_770 : i32
      %parallel_loop3A_772 = arith.constant 64 : i32
      %parallel_loop3A_773 = arith.addi %parallel_loop3A_771, %parallel_loop3A_772 : i32
      %parallel_loop3A_774 = arith.index_cast %parallel_loop3A_773 : i32 to index
      %parallel_loop3A_775 = tpu.vector_load %arg7[%parallel_loop3A_774] {strides = array<i32>} : memref<32768xf32, #tpu.memory_space<vmem>>, vector<16xf32>,
      %parallel_loop3A_776 = vector.shape_cast %parallel_loop3A_775 : vector<16xf32> to vector<16xf32>
      %parallel_loop3A_777 = vector.shape_cast %parallel_loop3A_769 : vector<16xf32> to vector<16xf32>
      tpu.vector_store %arg7[%parallel_loop3A_774], %parallel_loop3A_777 {strides = array<i32>} : memref<32768xf32, #tpu.memory_space<vmem>>, vector<16xf32>,
      %parallel_loop3A_778 = arith.constant 80 : i32
      %parallel_loop3A_779 = arith.addi %parallel_loop3A_712, %parallel_loop3A_778 : i32
      %parallel_loop3A_780 = arith.index_cast %parallel_loop3A_779 : i32 to index
      %parallel_loop3A_781 = tpu.vector_load %arg6[%parallel_loop3A_780] {strides = array<i32>} : memref<3584xf32, #tpu.memory_space<vmem>>, vector<16xf32>,
      %parallel_loop3A_782 = vector.shape_cast %parallel_loop3A_781 : vector<16xf32> to vector<16xf32>
      %parallel_loop3A_783 = arith.constant 512 : i32
      %parallel_loop3A_784 = arith.muli %parallel_loop3A_708, %parallel_loop3A_783 : i32
      %parallel_loop3A_785 = arith.constant 80 : i32
      %parallel_loop3A_786 = arith.addi %parallel_loop3A_784, %parallel_loop3A_785 : i32
      %parallel_loop3A_787 = arith.index_cast %parallel_loop3A_786 : i32 to index
      %parallel_loop3A_788 = tpu.vector_load %arg7[%parallel_loop3A_787] {strides = array<i32>} : memref<32768xf32, #tpu.memory_space<vmem>>, vector<16xf32>,
      %parallel_loop3A_789 = vector.shape_cast %parallel_loop3A_788 : vector<16xf32> to vector<16xf32>
      %parallel_loop3A_790 = vector.shape_cast %parallel_loop3A_782 : vector<16xf32> to vector<16xf32>
      tpu.vector_store %arg7[%parallel_loop3A_787], %parallel_loop3A_790 {strides = array<i32>} : memref<32768xf32, #tpu.memory_space<vmem>>, vector<16xf32>,
      %parallel_loop3A_791 = arith.constant 96 : i32
      %parallel_loop3A_792 = arith.addi %parallel_loop3A_712, %parallel_loop3A_791 : i32
      %parallel_loop3A_793 = arith.index_cast %parallel_loop3A_792 : i32 to index
      %parallel_loop3A_794 = tpu.vector_load %arg6[%parallel_loop3A_793] {strides = array<i32>} : memref<3584xf32, #tpu.memory_space<vmem>>, vector<16xf32>,
      %parallel_loop3A_795 = vector.shape_cast %parallel_loop3A_794 : vector<16xf32> to vector<16xf32>
      %parallel_loop3A_796 = arith.constant 512 : i32
      %parallel_loop3A_797 = arith.muli %parallel_loop3A_708, %parallel_loop3A_796 : i32
      %parallel_loop3A_798 = arith.constant 96 : i32
      %parallel_loop3A_799 = arith.addi %parallel_loop3A_797, %parallel_loop3A_798 : i32
      %parallel_loop3A_800 = arith.index_cast %parallel_loop3A_799 : i32 to index
      %parallel_loop3A_801 = tpu.vector_load %arg7[%parallel_loop3A_800] {strides = array<i32>} : memref<32768xf32, #tpu.memory_space<vmem>>, vector<16xf32>,
      %parallel_loop3A_802 = vector.shape_cast %parallel_loop3A_801 : vector<16xf32> to vector<16xf32>
      %parallel_loop3A_803 = vector.shape_cast %parallel_loop3A_795 : vector<16xf32> to vector<16xf32>
      tpu.vector_store %arg7[%parallel_loop3A_800], %parallel_loop3A_803 {strides = array<i32>} : memref<32768xf32, #tpu.memory_space<vmem>>, vector<16xf32>,
      %parallel_loop3A_804 = arith.constant 112 : i32
      %parallel_loop3A_805 = arith.addi %parallel_loop3A_712, %parallel_loop3A_804 : i32
      %parallel_loop3A_806 = arith.index_cast %parallel_loop3A_805 : i32 to index
      %parallel_loop3A_807 = tpu.vector_load %arg6[%parallel_loop3A_806] {strides = array<i32>} : memref<3584xf32, #tpu.memory_space<vmem>>, vector<16xf32>,
      %parallel_loop3A_808 = vector.shape_cast %parallel_loop3A_807 : vector<16xf32> to vector<16xf32>
      %parallel_loop3A_809 = arith.constant 512 : i32
      %parallel_loop3A_810 = arith.muli %parallel_loop3A_708, %parallel_loop3A_809 : i32
      %parallel_loop3A_811 = arith.constant 112 : i32
      %parallel_loop3A_812 = arith.addi %parallel_loop3A_810, %parallel_loop3A_811 : i32
      %parallel_loop3A_813 = arith.index_cast %parallel_loop3A_812 : i32 to index
      %parallel_loop3A_814 = tpu.vector_load %arg7[%parallel_loop3A_813] {strides = array<i32>} : memref<32768xf32, #tpu.memory_space<vmem>>, vector<16xf32>,
      %parallel_loop3A_815 = vector.shape_cast %parallel_loop3A_814 : vector<16xf32> to vector<16xf32>
      %parallel_loop3A_816 = vector.shape_cast %parallel_loop3A_808 : vector<16xf32> to vector<16xf32>
      tpu.vector_store %arg7[%parallel_loop3A_813], %parallel_loop3A_816 {strides = array<i32>} : memref<32768xf32, #tpu.memory_space<vmem>>, vector<16xf32>,
      %parallel_loop3A_817 = arith.constant 128 : i32
      %parallel_loop3A_818 = arith.addi %parallel_loop3A_712, %parallel_loop3A_817 : i32
      %parallel_loop3A_819 = arith.index_cast %parallel_loop3A_818 : i32 to index
      %parallel_loop3A_820 = tpu.vector_load %arg6[%parallel_loop3A_819] {strides = array<i32>} : memref<3584xf32, #tpu.memory_space<vmem>>, vector<16xf32>,
      %parallel_loop3A_821 = vector.shape_cast %parallel_loop3A_820 : vector<16xf32> to vector<16xf32>
      %parallel_loop3A_822 = arith.constant 512 : i32
      %parallel_loop3A_823 = arith.muli %parallel_loop3A_708, %parallel_loop3A_822 : i32
      %parallel_loop3A_824 = arith.constant 128 : i32
      %parallel_loop3A_825 = arith.addi %parallel_loop3A_823, %parallel_loop3A_824 : i32
      %parallel_loop3A_826 = arith.index_cast %parallel_loop3A_825 : i32 to index
      %parallel_loop3A_827 = tpu.vector_load %arg7[%parallel_loop3A_826] {strides = array<i32>} : memref<32768xf32, #tpu.memory_space<vmem>>, vector<16xf32>,
      %parallel_loop3A_828 = vector.shape_cast %parallel_loop3A_827 : vector<16xf32> to vector<16xf32>
      %parallel_loop3A_829 = vector.shape_cast %parallel_loop3A_821 : vector<16xf32> to vector<16xf32>
      tpu.vector_store %arg7[%parallel_loop3A_826], %parallel_loop3A_829 {strides = array<i32>} : memref<32768xf32, #tpu.memory_space<vmem>>, vector<16xf32>,
      %parallel_loop3A_830 = arith.constant 144 : i32
      %parallel_loop3A_831 = arith.addi %parallel_loop3A_712, %parallel_loop3A_830 : i32
      %parallel_loop3A_832 = arith.index_cast %parallel_loop3A_831 : i32 to index
      %parallel_loop3A_833 = tpu.vector_load %arg6[%parallel_loop3A_832] {strides = array<i32>} : memref<3584xf32, #tpu.memory_space<vmem>>, vector<16xf32>,
      %parallel_loop3A_834 = vector.shape_cast %parallel_loop3A_833 : vector<16xf32> to vector<16xf32>
      %parallel_loop3A_835 = arith.constant 512 : i32
      %parallel_loop3A_836 = arith.muli %parallel_loop3A_708, %parallel_loop3A_835 : i32
      %parallel_loop3A_837 = arith.constant 144 : i32
      %parallel_loop3A_838 = arith.addi %parallel_loop3A_836, %parallel_loop3A_837 : i32
      %parallel_loop3A_839 = arith.index_cast %parallel_loop3A_838 : i32 to index
      %parallel_loop3A_840 = tpu.vector_load %arg7[%parallel_loop3A_839] {strides = array<i32>} : memref<32768xf32, #tpu.memory_space<vmem>>, vector<16xf32>,
      %parallel_loop3A_841 = vector.shape_cast %parallel_loop3A_840 : vector<16xf32> to vector<16xf32>
      %parallel_loop3A_842 = vector.shape_cast %parallel_loop3A_834 : vector<16xf32> to vector<16xf32>
      tpu.vector_store %arg7[%parallel_loop3A_839], %parallel_loop3A_842 {strides = array<i32>} : memref<32768xf32, #tpu.memory_space<vmem>>, vector<16xf32>,
      %parallel_loop3A_843 = arith.constant 160 : i32
      %parallel_loop3A_844 = arith.addi %parallel_loop3A_712, %parallel_loop3A_843 : i32
      %parallel_loop3A_845 = arith.index_cast %parallel_loop3A_844 : i32 to index
      %parallel_loop3A_846 = tpu.vector_load %arg6[%parallel_loop3A_845] {strides = array<i32>} : memref<3584xf32, #tpu.memory_space<vmem>>, vector<16xf32>,
      %parallel_loop3A_847 = vector.shape_cast %parallel_loop3A_846 : vector<16xf32> to vector<16xf32>
      %parallel_loop3A_848 = arith.constant 512 : i32
      %parallel_loop3A_849 = arith.muli %parallel_loop3A_708, %parallel_loop3A_848 : i32
      %parallel_loop3A_850 = arith.constant 160 : i32
      %parallel_loop3A_851 = arith.addi %parallel_loop3A_849, %parallel_loop3A_850 : i32
      %parallel_loop3A_852 = arith.index_cast %parallel_loop3A_851 : i32 to index
      %parallel_loop3A_853 = tpu.vector_load %arg7[%parallel_loop3A_852] {strides = array<i32>} : memref<32768xf32, #tpu.memory_space<vmem>>, vector<16xf32>,
      %parallel_loop3A_854 = vector.shape_cast %parallel_loop3A_853 : vector<16xf32> to vector<16xf32>
      %parallel_loop3A_855 = vector.shape_cast %parallel_loop3A_847 : vector<16xf32> to vector<16xf32>
      tpu.vector_store %arg7[%parallel_loop3A_852], %parallel_loop3A_855 {strides = array<i32>} : memref<32768xf32, #tpu.memory_space<vmem>>, vector<16xf32>,
      %parallel_loop3A_856 = arith.constant 176 : i32
      %parallel_loop3A_857 = arith.addi %parallel_loop3A_712, %parallel_loop3A_856 : i32
      %parallel_loop3A_858 = arith.index_cast %parallel_loop3A_857 : i32 to index
      %parallel_loop3A_859 = tpu.vector_load %arg6[%parallel_loop3A_858] {strides = array<i32>} : memref<3584xf32, #tpu.memory_space<vmem>>, vector<16xf32>,
      %parallel_loop3A_860 = vector.shape_cast %parallel_loop3A_859 : vector<16xf32> to vector<16xf32>
      %parallel_loop3A_861 = arith.constant 512 : i32
      %parallel_loop3A_862 = arith.muli %parallel_loop3A_708, %parallel_loop3A_861 : i32
      %parallel_loop3A_863 = arith.constant 176 : i32
      %parallel_loop3A_864 = arith.addi %parallel_loop3A_862, %parallel_loop3A_863 : i32
      %parallel_loop3A_865 = arith.index_cast %parallel_loop3A_864 : i32 to index
      %parallel_loop3A_866 = tpu.vector_load %arg7[%parallel_loop3A_865] {strides = array<i32>} : memref<32768xf32, #tpu.memory_space<vmem>>, vector<16xf32>,
      %parallel_loop3A_867 = vector.shape_cast %parallel_loop3A_866 : vector<16xf32> to vector<16xf32>
      %parallel_loop3A_868 = vector.shape_cast %parallel_loop3A_860 : vector<16xf32> to vector<16xf32>
      tpu.vector_store %arg7[%parallel_loop3A_865], %parallel_loop3A_868 {strides = array<i32>} : memref<32768xf32, #tpu.memory_space<vmem>>, vector<16xf32>,
      %parallel_loop3A_869 = arith.constant 192 : i32
      %parallel_loop3A_870 = arith.addi %parallel_loop3A_712, %parallel_loop3A_869 : i32
      %parallel_loop3A_871 = arith.index_cast %parallel_loop3A_870 : i32 to index
      %parallel_loop3A_872 = tpu.vector_load %arg6[%parallel_loop3A_871] {strides = array<i32>} : memref<3584xf32, #tpu.memory_space<vmem>>, vector<16xf32>,
      %parallel_loop3A_873 = vector.shape_cast %parallel_loop3A_872 : vector<16xf32> to vector<16xf32>
      %parallel_loop3A_874 = arith.constant 512 : i32
      %parallel_loop3A_875 = arith.muli %parallel_loop3A_708, %parallel_loop3A_874 : i32
      %parallel_loop3A_876 = arith.constant 192 : i32
      %parallel_loop3A_877 = arith.addi %parallel_loop3A_875, %parallel_loop3A_876 : i32
      %parallel_loop3A_878 = arith.index_cast %parallel_loop3A_877 : i32 to index
      %parallel_loop3A_879 = tpu.vector_load %arg7[%parallel_loop3A_878] {strides = array<i32>} : memref<32768xf32, #tpu.memory_space<vmem>>, vector<16xf32>,
      %parallel_loop3A_880 = vector.shape_cast %parallel_loop3A_879 : vector<16xf32> to vector<16xf32>
      %parallel_loop3A_881 = vector.shape_cast %parallel_loop3A_873 : vector<16xf32> to vector<16xf32>
      tpu.vector_store %arg7[%parallel_loop3A_878], %parallel_loop3A_881 {strides = array<i32>} : memref<32768xf32, #tpu.memory_space<vmem>>, vector<16xf32>,
      %parallel_loop3A_882 = arith.constant 208 : i32
      %parallel_loop3A_883 = arith.addi %parallel_loop3A_712, %parallel_loop3A_882 : i32
      %parallel_loop3A_884 = arith.index_cast %parallel_loop3A_883 : i32 to index
      %parallel_loop3A_885 = tpu.vector_load %arg6[%parallel_loop3A_884] {strides = array<i32>} : memref<3584xf32, #tpu.memory_space<vmem>>, vector<16xf32>,
      %parallel_loop3A_886 = vector.shape_cast %parallel_loop3A_885 : vector<16xf32> to vector<16xf32>
      %parallel_loop3A_887 = arith.constant 512 : i32
      %parallel_loop3A_888 = arith.muli %parallel_loop3A_708, %parallel_loop3A_887 : i32
      %parallel_loop3A_889 = arith.constant 208 : i32
      %parallel_loop3A_890 = arith.addi %parallel_loop3A_888, %parallel_loop3A_889 : i32
      %parallel_loop3A_891 = arith.index_cast %parallel_loop3A_890 : i32 to index
      %parallel_loop3A_892 = tpu.vector_load %arg7[%parallel_loop3A_891] {strides = array<i32>} : memref<32768xf32, #tpu.memory_space<vmem>>, vector<16xf32>,
      %parallel_loop3A_893 = vector.shape_cast %parallel_loop3A_892 : vector<16xf32> to vector<16xf32>
      %parallel_loop3A_894 = vector.shape_cast %parallel_loop3A_886 : vector<16xf32> to vector<16xf32>
      tpu.vector_store %arg7[%parallel_loop3A_891], %parallel_loop3A_894 {strides = array<i32>} : memref<32768xf32, #tpu.memory_space<vmem>>, vector<16xf32>,
      %parallel_loop3A_895 = arith.constant 224 : i32
      %parallel_loop3A_896 = arith.addi %parallel_loop3A_712, %parallel_loop3A_895 : i32
      %parallel_loop3A_897 = arith.index_cast %parallel_loop3A_896 : i32 to index
      %parallel_loop3A_898 = tpu.vector_load %arg6[%parallel_loop3A_897] {strides = array<i32>} : memref<3584xf32, #tpu.memory_space<vmem>>, vector<16xf32>,
      %parallel_loop3A_899 = vector.shape_cast %parallel_loop3A_898 : vector<16xf32> to vector<16xf32>
      %parallel_loop3A_900 = arith.constant 512 : i32
      %parallel_loop3A_901 = arith.muli %parallel_loop3A_708, %parallel_loop3A_900 : i32
      %parallel_loop3A_902 = arith.constant 224 : i32
      %parallel_loop3A_903 = arith.addi %parallel_loop3A_901, %parallel_loop3A_902 : i32
      %parallel_loop3A_904 = arith.index_cast %parallel_loop3A_903 : i32 to index
      %parallel_loop3A_905 = tpu.vector_load %arg7[%parallel_loop3A_904] {strides = array<i32>} : memref<32768xf32, #tpu.memory_space<vmem>>, vector<16xf32>,
      %parallel_loop3A_906 = vector.shape_cast %parallel_loop3A_905 : vector<16xf32> to vector<16xf32>
      %parallel_loop3A_907 = vector.shape_cast %parallel_loop3A_899 : vector<16xf32> to vector<16xf32>
      tpu.vector_store %arg7[%parallel_loop3A_904], %parallel_loop3A_907 {strides = array<i32>} : memref<32768xf32, #tpu.memory_space<vmem>>, vector<16xf32>,
      %parallel_loop3A_908 = arith.constant 240 : i32
      %parallel_loop3A_909 = arith.addi %parallel_loop3A_712, %parallel_loop3A_908 : i32
      %parallel_loop3A_910 = arith.index_cast %parallel_loop3A_909 : i32 to index
      %parallel_loop3A_911 = tpu.vector_load %arg6[%parallel_loop3A_910] {strides = array<i32>} : memref<3584xf32, #tpu.memory_space<vmem>>, vector<16xf32>,
      %parallel_loop3A_912 = vector.shape_cast %parallel_loop3A_911 : vector<16xf32> to vector<16xf32>
      %parallel_loop3A_913 = arith.constant 512 : i32
      %parallel_loop3A_914 = arith.muli %parallel_loop3A_708, %parallel_loop3A_913 : i32
      %parallel_loop3A_915 = arith.constant 240 : i32
      %parallel_loop3A_916 = arith.addi %parallel_loop3A_914, %parallel_loop3A_915 : i32
      %parallel_loop3A_917 = arith.index_cast %parallel_loop3A_916 : i32 to index
      %parallel_loop3A_918 = tpu.vector_load %arg7[%parallel_loop3A_917] {strides = array<i32>} : memref<32768xf32, #tpu.memory_space<vmem>>, vector<16xf32>,
      %parallel_loop3A_919 = vector.shape_cast %parallel_loop3A_918 : vector<16xf32> to vector<16xf32>
      %parallel_loop3A_920 = vector.shape_cast %parallel_loop3A_912 : vector<16xf32> to vector<16xf32>
      tpu.vector_store %arg7[%parallel_loop3A_917], %parallel_loop3A_920 {strides = array<i32>} : memref<32768xf32, #tpu.memory_space<vmem>>, vector<16xf32>,
      %parallel_loop3A_921 = arith.constant 256 : i32
      %parallel_loop3A_922 = arith.addi %parallel_loop3A_712, %parallel_loop3A_921 : i32
      %parallel_loop3A_923 = arith.index_cast %parallel_loop3A_922 : i32 to index
      %parallel_loop3A_924 = tpu.vector_load %arg6[%parallel_loop3A_923] {strides = array<i32>} : memref<3584xf32, #tpu.memory_space<vmem>>, vector<16xf32>,
      %parallel_loop3A_925 = vector.shape_cast %parallel_loop3A_924 : vector<16xf32> to vector<16xf32>
      %parallel_loop3A_926 = arith.constant 512 : i32
      %parallel_loop3A_927 = arith.muli %parallel_loop3A_708, %parallel_loop3A_926 : i32
      %parallel_loop3A_928 = arith.constant 256 : i32
      %parallel_loop3A_929 = arith.addi %parallel_loop3A_927, %parallel_loop3A_928 : i32
      %parallel_loop3A_930 = arith.index_cast %parallel_loop3A_929 : i32 to index
      %parallel_loop3A_931 = tpu.vector_load %arg7[%parallel_loop3A_930] {strides = array<i32>} : memref<32768xf32, #tpu.memory_space<vmem>>, vector<16xf32>,
      %parallel_loop3A_932 = vector.shape_cast %parallel_loop3A_931 : vector<16xf32> to vector<16xf32>
      %parallel_loop3A_933 = vector.shape_cast %parallel_loop3A_925 : vector<16xf32> to vector<16xf32>
      tpu.vector_store %arg7[%parallel_loop3A_930], %parallel_loop3A_933 {strides = array<i32>} : memref<32768xf32, #tpu.memory_space<vmem>>, vector<16xf32>,
      %parallel_loop3A_934 = arith.constant 272 : i32
      %parallel_loop3A_935 = arith.addi %parallel_loop3A_712, %parallel_loop3A_934 : i32
      %parallel_loop3A_936 = arith.index_cast %parallel_loop3A_935 : i32 to index
      %parallel_loop3A_937 = tpu.vector_load %arg6[%parallel_loop3A_936] {strides = array<i32>} : memref<3584xf32, #tpu.memory_space<vmem>>, vector<16xf32>,
      %parallel_loop3A_938 = vector.shape_cast %parallel_loop3A_937 : vector<16xf32> to vector<16xf32>
      %parallel_loop3A_939 = arith.constant 512 : i32
      %parallel_loop3A_940 = arith.muli %parallel_loop3A_708, %parallel_loop3A_939 : i32
      %parallel_loop3A_941 = arith.constant 272 : i32
      %parallel_loop3A_942 = arith.addi %parallel_loop3A_940, %parallel_loop3A_941 : i32
      %parallel_loop3A_943 = arith.index_cast %parallel_loop3A_942 : i32 to index
      %parallel_loop3A_944 = tpu.vector_load %arg7[%parallel_loop3A_943] {strides = array<i32>} : memref<32768xf32, #tpu.memory_space<vmem>>, vector<16xf32>,
      %parallel_loop3A_945 = vector.shape_cast %parallel_loop3A_944 : vector<16xf32> to vector<16xf32>
      %parallel_loop3A_946 = vector.shape_cast %parallel_loop3A_938 : vector<16xf32> to vector<16xf32>
      tpu.vector_store %arg7[%parallel_loop3A_943], %parallel_loop3A_946 {strides = array<i32>} : memref<32768xf32, #tpu.memory_space<vmem>>, vector<16xf32>,
      %parallel_loop3A_947 = arith.constant 288 : i32
      %parallel_loop3A_948 = arith.addi %parallel_loop3A_712, %parallel_loop3A_947 : i32
      %parallel_loop3A_949 = arith.index_cast %parallel_loop3A_948 : i32 to index
      %parallel_loop3A_950 = tpu.vector_load %arg6[%parallel_loop3A_949] {strides = array<i32>} : memref<3584xf32, #tpu.memory_space<vmem>>, vector<16xf32>,
      %parallel_loop3A_951 = vector.shape_cast %parallel_loop3A_950 : vector<16xf32> to vector<16xf32>
      %parallel_loop3A_952 = arith.constant 512 : i32
      %parallel_loop3A_953 = arith.muli %parallel_loop3A_708, %parallel_loop3A_952 : i32
      %parallel_loop3A_954 = arith.constant 288 : i32
      %parallel_loop3A_955 = arith.addi %parallel_loop3A_953, %parallel_loop3A_954 : i32
      %parallel_loop3A_956 = arith.index_cast %parallel_loop3A_955 : i32 to index
      %parallel_loop3A_957 = tpu.vector_load %arg7[%parallel_loop3A_956] {strides = array<i32>} : memref<32768xf32, #tpu.memory_space<vmem>>, vector<16xf32>,
      %parallel_loop3A_958 = vector.shape_cast %parallel_loop3A_957 : vector<16xf32> to vector<16xf32>
      %parallel_loop3A_959 = vector.shape_cast %parallel_loop3A_951 : vector<16xf32> to vector<16xf32>
      tpu.vector_store %arg7[%parallel_loop3A_956], %parallel_loop3A_959 {strides = array<i32>} : memref<32768xf32, #tpu.memory_space<vmem>>, vector<16xf32>,
      %parallel_loop3A_960 = arith.constant 304 : i32
      %parallel_loop3A_961 = arith.addi %parallel_loop3A_712, %parallel_loop3A_960 : i32
      %parallel_loop3A_962 = arith.index_cast %parallel_loop3A_961 : i32 to index
      %parallel_loop3A_963 = tpu.vector_load %arg6[%parallel_loop3A_962] {strides = array<i32>} : memref<3584xf32, #tpu.memory_space<vmem>>, vector<16xf32>,
      %parallel_loop3A_964 = vector.shape_cast %parallel_loop3A_963 : vector<16xf32> to vector<16xf32>
      %parallel_loop3A_965 = arith.constant 512 : i32
      %parallel_loop3A_966 = arith.muli %parallel_loop3A_708, %parallel_loop3A_965 : i32
      %parallel_loop3A_967 = arith.constant 304 : i32
      %parallel_loop3A_968 = arith.addi %parallel_loop3A_966, %parallel_loop3A_967 : i32
      %parallel_loop3A_969 = arith.index_cast %parallel_loop3A_968 : i32 to index
      %parallel_loop3A_970 = tpu.vector_load %arg7[%parallel_loop3A_969] {strides = array<i32>} : memref<32768xf32, #tpu.memory_space<vmem>>, vector<16xf32>,
      %parallel_loop3A_971 = vector.shape_cast %parallel_loop3A_970 : vector<16xf32> to vector<16xf32>
      %parallel_loop3A_972 = vector.shape_cast %parallel_loop3A_964 : vector<16xf32> to vector<16xf32>
      tpu.vector_store %arg7[%parallel_loop3A_969], %parallel_loop3A_972 {strides = array<i32>} : memref<32768xf32, #tpu.memory_space<vmem>>, vector<16xf32>,
      %parallel_loop3A_973 = arith.constant 320 : i32
      %parallel_loop3A_974 = arith.addi %parallel_loop3A_712, %parallel_loop3A_973 : i32
      %parallel_loop3A_975 = arith.index_cast %parallel_loop3A_974 : i32 to index
      %parallel_loop3A_976 = tpu.vector_load %arg6[%parallel_loop3A_975] {strides = array<i32>} : memref<3584xf32, #tpu.memory_space<vmem>>, vector<16xf32>,
      %parallel_loop3A_977 = vector.shape_cast %parallel_loop3A_976 : vector<16xf32> to vector<16xf32>
      %parallel_loop3A_978 = arith.constant 512 : i32
      %parallel_loop3A_979 = arith.muli %parallel_loop3A_708, %parallel_loop3A_978 : i32
      %parallel_loop3A_980 = arith.constant 320 : i32
      %parallel_loop3A_981 = arith.addi %parallel_loop3A_979, %parallel_loop3A_980 : i32
      %parallel_loop3A_982 = arith.index_cast %parallel_loop3A_981 : i32 to index
      %parallel_loop3A_983 = tpu.vector_load %arg7[%parallel_loop3A_982] {strides = array<i32>} : memref<32768xf32, #tpu.memory_space<vmem>>, vector<16xf32>,
      %parallel_loop3A_984 = vector.shape_cast %parallel_loop3A_983 : vector<16xf32> to vector<16xf32>
      %parallel_loop3A_985 = vector.shape_cast %parallel_loop3A_977 : vector<16xf32> to vector<16xf32>
      tpu.vector_store %arg7[%parallel_loop3A_982], %parallel_loop3A_985 {strides = array<i32>} : memref<32768xf32, #tpu.memory_space<vmem>>, vector<16xf32>,
      %parallel_loop3A_986 = arith.constant 336 : i32
      %parallel_loop3A_987 = arith.addi %parallel_loop3A_712, %parallel_loop3A_986 : i32
      %parallel_loop3A_988 = arith.index_cast %parallel_loop3A_987 : i32 to index
      %parallel_loop3A_989 = tpu.vector_load %arg6[%parallel_loop3A_988] {strides = array<i32>} : memref<3584xf32, #tpu.memory_space<vmem>>, vector<16xf32>,
      %parallel_loop3A_990 = vector.shape_cast %parallel_loop3A_989 : vector<16xf32> to vector<16xf32>
      %parallel_loop3A_991 = arith.constant 512 : i32
      %parallel_loop3A_992 = arith.muli %parallel_loop3A_708, %parallel_loop3A_991 : i32
      %parallel_loop3A_993 = arith.constant 336 : i32
      %parallel_loop3A_994 = arith.addi %parallel_loop3A_992, %parallel_loop3A_993 : i32
      %parallel_loop3A_995 = arith.index_cast %parallel_loop3A_994 : i32 to index
      %parallel_loop3A_996 = tpu.vector_load %arg7[%parallel_loop3A_995] {strides = array<i32>} : memref<32768xf32, #tpu.memory_space<vmem>>, vector<16xf32>,
      %parallel_loop3A_997 = vector.shape_cast %parallel_loop3A_996 : vector<16xf32> to vector<16xf32>
      %parallel_loop3A_998 = vector.shape_cast %parallel_loop3A_990 : vector<16xf32> to vector<16xf32>
      tpu.vector_store %arg7[%parallel_loop3A_995], %parallel_loop3A_998 {strides = array<i32>} : memref<32768xf32, #tpu.memory_space<vmem>>, vector<16xf32>,
      %parallel_loop3A_999 = arith.constant 352 : i32
      %parallel_loop3A_1000 = arith.addi %parallel_loop3A_712, %parallel_loop3A_999 : i32
      %parallel_loop3A_1001 = arith.index_cast %parallel_loop3A_1000 : i32 to index
      %parallel_loop3A_1002 = tpu.vector_load %arg6[%parallel_loop3A_1001] {strides = array<i32>} : memref<3584xf32, #tpu.memory_space<vmem>>, vector<16xf32>,
      %parallel_loop3A_1003 = vector.shape_cast %parallel_loop3A_1002 : vector<16xf32> to vector<16xf32>
      %parallel_loop3A_1004 = arith.constant 512 : i32
      %parallel_loop3A_1005 = arith.muli %parallel_loop3A_708, %parallel_loop3A_1004 : i32
      %parallel_loop3A_1006 = arith.constant 352 : i32
      %parallel_loop3A_1007 = arith.addi %parallel_loop3A_1005, %parallel_loop3A_1006 : i32
      %parallel_loop3A_1008 = arith.index_cast %parallel_loop3A_1007 : i32 to index
      %parallel_loop3A_1009 = tpu.vector_load %arg7[%parallel_loop3A_1008] {strides = array<i32>} : memref<32768xf32, #tpu.memory_space<vmem>>, vector<16xf32>,
      %parallel_loop3A_1010 = vector.shape_cast %parallel_loop3A_1009 : vector<16xf32> to vector<16xf32>
      %parallel_loop3A_1011 = vector.shape_cast %parallel_loop3A_1003 : vector<16xf32> to vector<16xf32>
      tpu.vector_store %arg7[%parallel_loop3A_1008], %parallel_loop3A_1011 {strides = array<i32>} : memref<32768xf32, #tpu.memory_space<vmem>>, vector<16xf32>,
      %parallel_loop3A_1012 = arith.constant 368 : i32
      %parallel_loop3A_1013 = arith.addi %parallel_loop3A_712, %parallel_loop3A_1012 : i32
      %parallel_loop3A_1014 = arith.index_cast %parallel_loop3A_1013 : i32 to index
      %parallel_loop3A_1015 = tpu.vector_load %arg6[%parallel_loop3A_1014] {strides = array<i32>} : memref<3584xf32, #tpu.memory_space<vmem>>, vector<16xf32>,
      %parallel_loop3A_1016 = vector.shape_cast %parallel_loop3A_1015 : vector<16xf32> to vector<16xf32>
      %parallel_loop3A_1017 = arith.constant 512 : i32
      %parallel_loop3A_1018 = arith.muli %parallel_loop3A_708, %parallel_loop3A_1017 : i32
      %parallel_loop3A_1019 = arith.constant 368 : i32
      %parallel_loop3A_1020 = arith.addi %parallel_loop3A_1018, %parallel_loop3A_1019 : i32
      %parallel_loop3A_1021 = arith.index_cast %parallel_loop3A_1020 : i32 to index
      %parallel_loop3A_1022 = tpu.vector_load %arg7[%parallel_loop3A_1021] {strides = array<i32>} : memref<32768xf32, #tpu.memory_space<vmem>>, vector<16xf32>,
      %parallel_loop3A_1023 = vector.shape_cast %parallel_loop3A_1022 : vector<16xf32> to vector<16xf32>
      %parallel_loop3A_1024 = vector.shape_cast %parallel_loop3A_1016 : vector<16xf32> to vector<16xf32>
      tpu.vector_store %arg7[%parallel_loop3A_1021], %parallel_loop3A_1024 {strides = array<i32>} : memref<32768xf32, #tpu.memory_space<vmem>>, vector<16xf32>,
      %parallel_loop3A_1025 = arith.constant 384 : i32
      %parallel_loop3A_1026 = arith.addi %parallel_loop3A_712, %parallel_loop3A_1025 : i32
      %parallel_loop3A_1027 = arith.index_cast %parallel_loop3A_1026 : i32 to index
      %parallel_loop3A_1028 = tpu.vector_load %arg6[%parallel_loop3A_1027] {strides = array<i32>} : memref<3584xf32, #tpu.memory_space<vmem>>, vector<16xf32>,
      %parallel_loop3A_1029 = vector.shape_cast %parallel_loop3A_1028 : vector<16xf32> to vector<16xf32>
      %parallel_loop3A_1030 = arith.constant 512 : i32
      %parallel_loop3A_1031 = arith.muli %parallel_loop3A_708, %parallel_loop3A_1030 : i32
      %parallel_loop3A_1032 = arith.constant 384 : i32
      %parallel_loop3A_1033 = arith.addi %parallel_loop3A_1031, %parallel_loop3A_1032 : i32
      %parallel_loop3A_1034 = arith.index_cast %parallel_loop3A_1033 : i32 to index
      %parallel_loop3A_1035 = tpu.vector_load %arg7[%parallel_loop3A_1034] {strides = array<i32>} : memref<32768xf32, #tpu.memory_space<vmem>>, vector<16xf32>,
      %parallel_loop3A_1036 = vector.shape_cast %parallel_loop3A_1035 : vector<16xf32> to vector<16xf32>
      %parallel_loop3A_1037 = vector.shape_cast %parallel_loop3A_1029 : vector<16xf32> to vector<16xf32>
      tpu.vector_store %arg7[%parallel_loop3A_1034], %parallel_loop3A_1037 {strides = array<i32>} : memref<32768xf32, #tpu.memory_space<vmem>>, vector<16xf32>,
      %parallel_loop3A_1038 = arith.constant 400 : i32
      %parallel_loop3A_1039 = arith.addi %parallel_loop3A_712, %parallel_loop3A_1038 : i32
      %parallel_loop3A_1040 = arith.index_cast %parallel_loop3A_1039 : i32 to index
      %parallel_loop3A_1041 = tpu.vector_load %arg6[%parallel_loop3A_1040] {strides = array<i32>} : memref<3584xf32, #tpu.memory_space<vmem>>, vector<16xf32>,
      %parallel_loop3A_1042 = vector.shape_cast %parallel_loop3A_1041 : vector<16xf32> to vector<16xf32>
      %parallel_loop3A_1043 = arith.constant 512 : i32
      %parallel_loop3A_1044 = arith.muli %parallel_loop3A_708, %parallel_loop3A_1043 : i32
      %parallel_loop3A_1045 = arith.constant 400 : i32
      %parallel_loop3A_1046 = arith.addi %parallel_loop3A_1044, %parallel_loop3A_1045 : i32
      %parallel_loop3A_1047 = arith.index_cast %parallel_loop3A_1046 : i32 to index
      %parallel_loop3A_1048 = tpu.vector_load %arg7[%parallel_loop3A_1047] {strides = array<i32>} : memref<32768xf32, #tpu.memory_space<vmem>>, vector<16xf32>,
      %parallel_loop3A_1049 = vector.shape_cast %parallel_loop3A_1048 : vector<16xf32> to vector<16xf32>
      %parallel_loop3A_1050 = vector.shape_cast %parallel_loop3A_1042 : vector<16xf32> to vector<16xf32>
      tpu.vector_store %arg7[%parallel_loop3A_1047], %parallel_loop3A_1050 {strides = array<i32>} : memref<32768xf32, #tpu.memory_space<vmem>>, vector<16xf32>,
      %parallel_loop3A_1051 = arith.constant 416 : i32
      %parallel_loop3A_1052 = arith.addi %parallel_loop3A_712, %parallel_loop3A_1051 : i32
      %parallel_loop3A_1053 = arith.index_cast %parallel_loop3A_1052 : i32 to index
      %parallel_loop3A_1054 = tpu.vector_load %arg6[%parallel_loop3A_1053] {strides = array<i32>} : memref<3584xf32, #tpu.memory_space<vmem>>, vector<16xf32>,
      %parallel_loop3A_1055 = vector.shape_cast %parallel_loop3A_1054 : vector<16xf32> to vector<16xf32>
      %parallel_loop3A_1056 = arith.constant 512 : i32
      %parallel_loop3A_1057 = arith.muli %parallel_loop3A_708, %parallel_loop3A_1056 : i32
      %parallel_loop3A_1058 = arith.constant 416 : i32
      %parallel_loop3A_1059 = arith.addi %parallel_loop3A_1057, %parallel_loop3A_1058 : i32
      %parallel_loop3A_1060 = arith.index_cast %parallel_loop3A_1059 : i32 to index
      %parallel_loop3A_1061 = tpu.vector_load %arg7[%parallel_loop3A_1060] {strides = array<i32>} : memref<32768xf32, #tpu.memory_space<vmem>>, vector<16xf32>,
      %parallel_loop3A_1062 = vector.shape_cast %parallel_loop3A_1061 : vector<16xf32> to vector<16xf32>
      %parallel_loop3A_1063 = vector.shape_cast %parallel_loop3A_1055 : vector<16xf32> to vector<16xf32>
      tpu.vector_store %arg7[%parallel_loop3A_1060], %parallel_loop3A_1063 {strides = array<i32>} : memref<32768xf32, #tpu.memory_space<vmem>>, vector<16xf32>,
      %parallel_loop3A_1064 = arith.constant 432 : i32
      %parallel_loop3A_1065 = arith.addi %parallel_loop3A_712, %parallel_loop3A_1064 : i32
      %parallel_loop3A_1066 = arith.index_cast %parallel_loop3A_1065 : i32 to index
      %parallel_loop3A_1067 = tpu.vector_load %arg6[%parallel_loop3A_1066] {strides = array<i32>} : memref<3584xf32, #tpu.memory_space<vmem>>, vector<16xf32>,
      %parallel_loop3A_1068 = vector.shape_cast %parallel_loop3A_1067 : vector<16xf32> to vector<16xf32>
      %parallel_loop3A_1069 = arith.constant 512 : i32
      %parallel_loop3A_1070 = arith.muli %parallel_loop3A_708, %parallel_loop3A_1069 : i32
      %parallel_loop3A_1071 = arith.constant 432 : i32
      %parallel_loop3A_1072 = arith.addi %parallel_loop3A_1070, %parallel_loop3A_1071 : i32
      %parallel_loop3A_1073 = arith.index_cast %parallel_loop3A_1072 : i32 to index
      %parallel_loop3A_1074 = tpu.vector_load %arg7[%parallel_loop3A_1073] {strides = array<i32>} : memref<32768xf32, #tpu.memory_space<vmem>>, vector<16xf32>,
      %parallel_loop3A_1075 = vector.shape_cast %parallel_loop3A_1074 : vector<16xf32> to vector<16xf32>
      %parallel_loop3A_1076 = vector.shape_cast %parallel_loop3A_1068 : vector<16xf32> to vector<16xf32>
      tpu.vector_store %arg7[%parallel_loop3A_1073], %parallel_loop3A_1076 {strides = array<i32>} : memref<32768xf32, #tpu.memory_space<vmem>>, vector<16xf32>,
      %parallel_loop3A_1077 = arith.constant 448 : i32
      %parallel_loop3A_1078 = arith.addi %parallel_loop3A_712, %parallel_loop3A_1077 : i32
      %parallel_loop3A_1079 = arith.index_cast %parallel_loop3A_1078 : i32 to index
      %parallel_loop3A_1080 = tpu.vector_load %arg6[%parallel_loop3A_1079] {strides = array<i32>} : memref<3584xf32, #tpu.memory_space<vmem>>, vector<16xf32>,
      %parallel_loop3A_1081 = vector.shape_cast %parallel_loop3A_1080 : vector<16xf32> to vector<16xf32>
      %parallel_loop3A_1082 = arith.constant 512 : i32
      %parallel_loop3A_1083 = arith.muli %parallel_loop3A_708, %parallel_loop3A_1082 : i32
      %parallel_loop3A_1084 = arith.constant 448 : i32
      %parallel_loop3A_1085 = arith.addi %parallel_loop3A_1083, %parallel_loop3A_1084 : i32
      %parallel_loop3A_1086 = arith.index_cast %parallel_loop3A_1085 : i32 to index
      %parallel_loop3A_1087 = tpu.vector_load %arg7[%parallel_loop3A_1086] {strides = array<i32>} : memref<32768xf32, #tpu.memory_space<vmem>>, vector<16xf32>,
      %parallel_loop3A_1088 = vector.shape_cast %parallel_loop3A_1087 : vector<16xf32> to vector<16xf32>
      %parallel_loop3A_1089 = vector.shape_cast %parallel_loop3A_1081 : vector<16xf32> to vector<16xf32>
      tpu.vector_store %arg7[%parallel_loop3A_1086], %parallel_loop3A_1089 {strides = array<i32>} : memref<32768xf32, #tpu.memory_space<vmem>>, vector<16xf32>,
      %parallel_loop3A_1090 = arith.constant 464 : i32
      %parallel_loop3A_1091 = arith.addi %parallel_loop3A_712, %parallel_loop3A_1090 : i32
      %parallel_loop3A_1092 = arith.index_cast %parallel_loop3A_1091 : i32 to index
      %parallel_loop3A_1093 = tpu.vector_load %arg6[%parallel_loop3A_1092] {strides = array<i32>} : memref<3584xf32, #tpu.memory_space<vmem>>, vector<16xf32>,
      %parallel_loop3A_1094 = vector.shape_cast %parallel_loop3A_1093 : vector<16xf32> to vector<16xf32>
      %parallel_loop3A_1095 = arith.constant 512 : i32
      %parallel_loop3A_1096 = arith.muli %parallel_loop3A_708, %parallel_loop3A_1095 : i32
      %parallel_loop3A_1097 = arith.constant 464 : i32
      %parallel_loop3A_1098 = arith.addi %parallel_loop3A_1096, %parallel_loop3A_1097 : i32
      %parallel_loop3A_1099 = arith.index_cast %parallel_loop3A_1098 : i32 to index
      %parallel_loop3A_1100 = tpu.vector_load %arg7[%parallel_loop3A_1099] {strides = array<i32>} : memref<32768xf32, #tpu.memory_space<vmem>>, vector<16xf32>,
      %parallel_loop3A_1101 = vector.shape_cast %parallel_loop3A_1100 : vector<16xf32> to vector<16xf32>
      %parallel_loop3A_1102 = vector.shape_cast %parallel_loop3A_1094 : vector<16xf32> to vector<16xf32>
      tpu.vector_store %arg7[%parallel_loop3A_1099], %parallel_loop3A_1102 {strides = array<i32>} : memref<32768xf32, #tpu.memory_space<vmem>>, vector<16xf32>,
      %parallel_loop3A_1103 = arith.constant 480 : i32
      %parallel_loop3A_1104 = arith.addi %parallel_loop3A_712, %parallel_loop3A_1103 : i32
      %parallel_loop3A_1105 = arith.index_cast %parallel_loop3A_1104 : i32 to index
      %parallel_loop3A_1106 = tpu.vector_load %arg6[%parallel_loop3A_1105] {strides = array<i32>} : memref<3584xf32, #tpu.memory_space<vmem>>, vector<16xf32>,
      %parallel_loop3A_1107 = vector.shape_cast %parallel_loop3A_1106 : vector<16xf32> to vector<16xf32>
      %parallel_loop3A_1108 = arith.constant 512 : i32
      %parallel_loop3A_1109 = arith.muli %parallel_loop3A_708, %parallel_loop3A_1108 : i32
      %parallel_loop3A_1110 = arith.constant 480 : i32
      %parallel_loop3A_1111 = arith.addi %parallel_loop3A_1109, %parallel_loop3A_1110 : i32
      %parallel_loop3A_1112 = arith.index_cast %parallel_loop3A_1111 : i32 to index
      %parallel_loop3A_1113 = tpu.vector_load %arg7[%parallel_loop3A_1112] {strides = array<i32>} : memref<32768xf32, #tpu.memory_space<vmem>>, vector<16xf32>,
      %parallel_loop3A_1114 = vector.shape_cast %parallel_loop3A_1113 : vector<16xf32> to vector<16xf32>
      %parallel_loop3A_1115 = vector.shape_cast %parallel_loop3A_1107 : vector<16xf32> to vector<16xf32>
      tpu.vector_store %arg7[%parallel_loop3A_1112], %parallel_loop3A_1115 {strides = array<i32>} : memref<32768xf32, #tpu.memory_space<vmem>>, vector<16xf32>,
      %parallel_loop3A_1116 = arith.constant 496 : i32
      %parallel_loop3A_1117 = arith.addi %parallel_loop3A_712, %parallel_loop3A_1116 : i32
      %parallel_loop3A_1118 = arith.index_cast %parallel_loop3A_1117 : i32 to index
      %parallel_loop3A_1119 = tpu.vector_load %arg6[%parallel_loop3A_1118] {strides = array<i32>} : memref<3584xf32, #tpu.memory_space<vmem>>, vector<16xf32>,
      %parallel_loop3A_1120 = vector.shape_cast %parallel_loop3A_1119 : vector<16xf32> to vector<16xf32>
      %parallel_loop3A_1121 = arith.constant 512 : i32
      %parallel_loop3A_1122 = arith.muli %parallel_loop3A_708, %parallel_loop3A_1121 : i32
      %parallel_loop3A_1123 = arith.constant 496 : i32
      %parallel_loop3A_1124 = arith.addi %parallel_loop3A_1122, %parallel_loop3A_1123 : i32
      %parallel_loop3A_1125 = arith.index_cast %parallel_loop3A_1124 : i32 to index
      %parallel_loop3A_1126 = tpu.vector_load %arg7[%parallel_loop3A_1125] {strides = array<i32>} : memref<32768xf32, #tpu.memory_space<vmem>>, vector<16xf32>,
      %parallel_loop3A_1127 = vector.shape_cast %parallel_loop3A_1126 : vector<16xf32> to vector<16xf32>
      %parallel_loop3A_1128 = vector.shape_cast %parallel_loop3A_1120 : vector<16xf32> to vector<16xf32>
      tpu.vector_store %arg7[%parallel_loop3A_1125], %parallel_loop3A_1128 {strides = array<i32>} : memref<32768xf32, #tpu.memory_space<vmem>>, vector<16xf32>,
    } {sc.loop_unroll_factor = 4 : i64, sc.parallel_access}
    %mul3A_687 = arith.constant 128 : i32
    %mul3A_688 = arith.muli %add3A, %mul3A_687 : i32
    %add3A_689 = arith.constant 0 : i32
    %add3A_690 = arith.addi %mul3A_688, %add3A_689 : i32
    %mul3A_691 = arith.constant 512 : i32
    %mul3A_692 = arith.muli %add3A_690, %mul3A_691 : i32
    %dma_start3A = tpu.memref_slice %arg4[%mul3A_692] : memref<2097152xf32, #tpu.memory_space<hbm>> -> memref<32768xf32, #tpu.memory_space<hbm>>
    %dma_start3A_693 = tpu.memref_slice %arg4[%mul3A_692] : memref<2097152xf32, #tpu.memory_space<hbm>> -> memref<32768xf32, #tpu.memory_space<hbm>>
    tpu.enqueue_dma source(%arg7 : memref<32768xf32, #tpu.memory_space<vmem>>) target(%dma_start3A_693 : memref<32768xf32, #tpu.memory_space<hbm>>) target_semaphore(%arg11 : memref<!tpu.dma_semaphore, #tpu.memory_space<semaphore_mem>>)
    %parallel_loop3A_694 = arith.constant 0 : i32
    %parallel_loop3A_695 = arith.constant 64 : i32
    %parallel_loop3A_696 = arith.constant 1 : i32
    scf.for %parallel_loop3A_708 = %parallel_loop3A_694 to %parallel_loop3A_695 step %parallel_loop3A_696  : i32 {
      %parallel_loop3A_709 = arith.constant 64 : i32
      %parallel_loop3A_710 = arith.addi %parallel_loop3A_709, %parallel_loop3A_708 : i32
      %parallel_loop3A_711 = arith.index_cast %parallel_loop3A_710 : i32 to index
      %parallel_loop3A_712 = memref.load %arg10[%parallel_loop3A_711] : memref<128xi32, #tpu.memory_space<smem>>
      %parallel_loop3A_713 = arith.constant 0 : i32
      %parallel_loop3A_714 = arith.addi %parallel_loop3A_712, %parallel_loop3A_713 : i32
      %parallel_loop3A_715 = arith.index_cast %parallel_loop3A_714 : i32 to index
      %parallel_loop3A_716 = tpu.vector_load %arg6[%parallel_loop3A_715] {strides = array<i32>} : memref<3584xf32, #tpu.memory_space<vmem>>, vector<16xf32>,
      %parallel_loop3A_717 = vector.shape_cast %parallel_loop3A_716 : vector<16xf32> to vector<16xf32>
      %parallel_loop3A_718 = arith.constant 512 : i32
      %parallel_loop3A_719 = arith.muli %parallel_loop3A_708, %parallel_loop3A_718 : i32
      %parallel_loop3A_720 = arith.constant 0 : i32
      %parallel_loop3A_721 = arith.addi %parallel_loop3A_719, %parallel_loop3A_720 : i32
      %parallel_loop3A_722 = arith.index_cast %parallel_loop3A_721 : i32 to index
      %parallel_loop3A_723 = tpu.vector_load %arg8[%parallel_loop3A_722] {strides = array<i32>} : memref<32768xf32, #tpu.memory_space<vmem>>, vector<16xf32>,
      %parallel_loop3A_724 = vector.shape_cast %parallel_loop3A_723 : vector<16xf32> to vector<16xf32>
      %parallel_loop3A_725 = vector.shape_cast %parallel_loop3A_717 : vector<16xf32> to vector<16xf32>
      tpu.vector_store %arg8[%parallel_loop3A_722], %parallel_loop3A_725 {strides = array<i32>} : memref<32768xf32, #tpu.memory_space<vmem>>, vector<16xf32>,
      %parallel_loop3A_726 = arith.constant 16 : i32
      %parallel_loop3A_727 = arith.addi %parallel_loop3A_712, %parallel_loop3A_726 : i32
      %parallel_loop3A_728 = arith.index_cast %parallel_loop3A_727 : i32 to index
      %parallel_loop3A_729 = tpu.vector_load %arg6[%parallel_loop3A_728] {strides = array<i32>} : memref<3584xf32, #tpu.memory_space<vmem>>, vector<16xf32>,
      %parallel_loop3A_730 = vector.shape_cast %parallel_loop3A_729 : vector<16xf32> to vector<16xf32>
      %parallel_loop3A_731 = arith.constant 512 : i32
      %parallel_loop3A_732 = arith.muli %parallel_loop3A_708, %parallel_loop3A_731 : i32
      %parallel_loop3A_733 = arith.constant 16 : i32
      %parallel_loop3A_734 = arith.addi %parallel_loop3A_732, %parallel_loop3A_733 : i32
      %parallel_loop3A_735 = arith.index_cast %parallel_loop3A_734 : i32 to index
      %parallel_loop3A_736 = tpu.vector_load %arg8[%parallel_loop3A_735] {strides = array<i32>} : memref<32768xf32, #tpu.memory_space<vmem>>, vector<16xf32>,
      %parallel_loop3A_737 = vector.shape_cast %parallel_loop3A_736 : vector<16xf32> to vector<16xf32>
      %parallel_loop3A_738 = vector.shape_cast %parallel_loop3A_730 : vector<16xf32> to vector<16xf32>
      tpu.vector_store %arg8[%parallel_loop3A_735], %parallel_loop3A_738 {strides = array<i32>} : memref<32768xf32, #tpu.memory_space<vmem>>, vector<16xf32>,
      %parallel_loop3A_739 = arith.constant 32 : i32
      %parallel_loop3A_740 = arith.addi %parallel_loop3A_712, %parallel_loop3A_739 : i32
      %parallel_loop3A_741 = arith.index_cast %parallel_loop3A_740 : i32 to index
      %parallel_loop3A_742 = tpu.vector_load %arg6[%parallel_loop3A_741] {strides = array<i32>} : memref<3584xf32, #tpu.memory_space<vmem>>, vector<16xf32>,
      %parallel_loop3A_743 = vector.shape_cast %parallel_loop3A_742 : vector<16xf32> to vector<16xf32>
      %parallel_loop3A_744 = arith.constant 512 : i32
      %parallel_loop3A_745 = arith.muli %parallel_loop3A_708, %parallel_loop3A_744 : i32
      %parallel_loop3A_746 = arith.constant 32 : i32
      %parallel_loop3A_747 = arith.addi %parallel_loop3A_745, %parallel_loop3A_746 : i32
      %parallel_loop3A_748 = arith.index_cast %parallel_loop3A_747 : i32 to index
      %parallel_loop3A_749 = tpu.vector_load %arg8[%parallel_loop3A_748] {strides = array<i32>} : memref<32768xf32, #tpu.memory_space<vmem>>, vector<16xf32>,
      %parallel_loop3A_750 = vector.shape_cast %parallel_loop3A_749 : vector<16xf32> to vector<16xf32>
      %parallel_loop3A_751 = vector.shape_cast %parallel_loop3A_743 : vector<16xf32> to vector<16xf32>
      tpu.vector_store %arg8[%parallel_loop3A_748], %parallel_loop3A_751 {strides = array<i32>} : memref<32768xf32, #tpu.memory_space<vmem>>, vector<16xf32>,
      %parallel_loop3A_752 = arith.constant 48 : i32
      %parallel_loop3A_753 = arith.addi %parallel_loop3A_712, %parallel_loop3A_752 : i32
      %parallel_loop3A_754 = arith.index_cast %parallel_loop3A_753 : i32 to index
      %parallel_loop3A_755 = tpu.vector_load %arg6[%parallel_loop3A_754] {strides = array<i32>} : memref<3584xf32, #tpu.memory_space<vmem>>, vector<16xf32>,
      %parallel_loop3A_756 = vector.shape_cast %parallel_loop3A_755 : vector<16xf32> to vector<16xf32>
      %parallel_loop3A_757 = arith.constant 512 : i32
      %parallel_loop3A_758 = arith.muli %parallel_loop3A_708, %parallel_loop3A_757 : i32
      %parallel_loop3A_759 = arith.constant 48 : i32
      %parallel_loop3A_760 = arith.addi %parallel_loop3A_758, %parallel_loop3A_759 : i32
      %parallel_loop3A_761 = arith.index_cast %parallel_loop3A_760 : i32 to index
      %parallel_loop3A_762 = tpu.vector_load %arg8[%parallel_loop3A_761] {strides = array<i32>} : memref<32768xf32, #tpu.memory_space<vmem>>, vector<16xf32>,
      %parallel_loop3A_763 = vector.shape_cast %parallel_loop3A_762 : vector<16xf32> to vector<16xf32>
      %parallel_loop3A_764 = vector.shape_cast %parallel_loop3A_756 : vector<16xf32> to vector<16xf32>
      tpu.vector_store %arg8[%parallel_loop3A_761], %parallel_loop3A_764 {strides = array<i32>} : memref<32768xf32, #tpu.memory_space<vmem>>, vector<16xf32>,
      %parallel_loop3A_765 = arith.constant 64 : i32
      %parallel_loop3A_766 = arith.addi %parallel_loop3A_712, %parallel_loop3A_765 : i32
      %parallel_loop3A_767 = arith.index_cast %parallel_loop3A_766 : i32 to index
      %parallel_loop3A_768 = tpu.vector_load %arg6[%parallel_loop3A_767] {strides = array<i32>} : memref<3584xf32, #tpu.memory_space<vmem>>, vector<16xf32>,
      %parallel_loop3A_769 = vector.shape_cast %parallel_loop3A_768 : vector<16xf32> to vector<16xf32>
      %parallel_loop3A_770 = arith.constant 512 : i32
      %parallel_loop3A_771 = arith.muli %parallel_loop3A_708, %parallel_loop3A_770 : i32
      %parallel_loop3A_772 = arith.constant 64 : i32
      %parallel_loop3A_773 = arith.addi %parallel_loop3A_771, %parallel_loop3A_772 : i32
      %parallel_loop3A_774 = arith.index_cast %parallel_loop3A_773 : i32 to index
      %parallel_loop3A_775 = tpu.vector_load %arg8[%parallel_loop3A_774] {strides = array<i32>} : memref<32768xf32, #tpu.memory_space<vmem>>, vector<16xf32>,
      %parallel_loop3A_776 = vector.shape_cast %parallel_loop3A_775 : vector<16xf32> to vector<16xf32>
      %parallel_loop3A_777 = vector.shape_cast %parallel_loop3A_769 : vector<16xf32> to vector<16xf32>
      tpu.vector_store %arg8[%parallel_loop3A_774], %parallel_loop3A_777 {strides = array<i32>} : memref<32768xf32, #tpu.memory_space<vmem>>, vector<16xf32>,
      %parallel_loop3A_778 = arith.constant 80 : i32
      %parallel_loop3A_779 = arith.addi %parallel_loop3A_712, %parallel_loop3A_778 : i32
      %parallel_loop3A_780 = arith.index_cast %parallel_loop3A_779 : i32 to index
      %parallel_loop3A_781 = tpu.vector_load %arg6[%parallel_loop3A_780] {strides = array<i32>} : memref<3584xf32, #tpu.memory_space<vmem>>, vector<16xf32>,
      %parallel_loop3A_782 = vector.shape_cast %parallel_loop3A_781 : vector<16xf32> to vector<16xf32>
      %parallel_loop3A_783 = arith.constant 512 : i32
      %parallel_loop3A_784 = arith.muli %parallel_loop3A_708, %parallel_loop3A_783 : i32
      %parallel_loop3A_785 = arith.constant 80 : i32
      %parallel_loop3A_786 = arith.addi %parallel_loop3A_784, %parallel_loop3A_785 : i32
      %parallel_loop3A_787 = arith.index_cast %parallel_loop3A_786 : i32 to index
      %parallel_loop3A_788 = tpu.vector_load %arg8[%parallel_loop3A_787] {strides = array<i32>} : memref<32768xf32, #tpu.memory_space<vmem>>, vector<16xf32>,
      %parallel_loop3A_789 = vector.shape_cast %parallel_loop3A_788 : vector<16xf32> to vector<16xf32>
      %parallel_loop3A_790 = vector.shape_cast %parallel_loop3A_782 : vector<16xf32> to vector<16xf32>
      tpu.vector_store %arg8[%parallel_loop3A_787], %parallel_loop3A_790 {strides = array<i32>} : memref<32768xf32, #tpu.memory_space<vmem>>, vector<16xf32>,
      %parallel_loop3A_791 = arith.constant 96 : i32
      %parallel_loop3A_792 = arith.addi %parallel_loop3A_712, %parallel_loop3A_791 : i32
      %parallel_loop3A_793 = arith.index_cast %parallel_loop3A_792 : i32 to index
      %parallel_loop3A_794 = tpu.vector_load %arg6[%parallel_loop3A_793] {strides = array<i32>} : memref<3584xf32, #tpu.memory_space<vmem>>, vector<16xf32>,
      %parallel_loop3A_795 = vector.shape_cast %parallel_loop3A_794 : vector<16xf32> to vector<16xf32>
      %parallel_loop3A_796 = arith.constant 512 : i32
      %parallel_loop3A_797 = arith.muli %parallel_loop3A_708, %parallel_loop3A_796 : i32
      %parallel_loop3A_798 = arith.constant 96 : i32
      %parallel_loop3A_799 = arith.addi %parallel_loop3A_797, %parallel_loop3A_798 : i32
      %parallel_loop3A_800 = arith.index_cast %parallel_loop3A_799 : i32 to index
      %parallel_loop3A_801 = tpu.vector_load %arg8[%parallel_loop3A_800] {strides = array<i32>} : memref<32768xf32, #tpu.memory_space<vmem>>, vector<16xf32>,
      %parallel_loop3A_802 = vector.shape_cast %parallel_loop3A_801 : vector<16xf32> to vector<16xf32>
      %parallel_loop3A_803 = vector.shape_cast %parallel_loop3A_795 : vector<16xf32> to vector<16xf32>
      tpu.vector_store %arg8[%parallel_loop3A_800], %parallel_loop3A_803 {strides = array<i32>} : memref<32768xf32, #tpu.memory_space<vmem>>, vector<16xf32>,
      %parallel_loop3A_804 = arith.constant 112 : i32
      %parallel_loop3A_805 = arith.addi %parallel_loop3A_712, %parallel_loop3A_804 : i32
      %parallel_loop3A_806 = arith.index_cast %parallel_loop3A_805 : i32 to index
      %parallel_loop3A_807 = tpu.vector_load %arg6[%parallel_loop3A_806] {strides = array<i32>} : memref<3584xf32, #tpu.memory_space<vmem>>, vector<16xf32>,
      %parallel_loop3A_808 = vector.shape_cast %parallel_loop3A_807 : vector<16xf32> to vector<16xf32>
      %parallel_loop3A_809 = arith.constant 512 : i32
      %parallel_loop3A_810 = arith.muli %parallel_loop3A_708, %parallel_loop3A_809 : i32
      %parallel_loop3A_811 = arith.constant 112 : i32
      %parallel_loop3A_812 = arith.addi %parallel_loop3A_810, %parallel_loop3A_811 : i32
      %parallel_loop3A_813 = arith.index_cast %parallel_loop3A_812 : i32 to index
      %parallel_loop3A_814 = tpu.vector_load %arg8[%parallel_loop3A_813] {strides = array<i32>} : memref<32768xf32, #tpu.memory_space<vmem>>, vector<16xf32>,
      %parallel_loop3A_815 = vector.shape_cast %parallel_loop3A_814 : vector<16xf32> to vector<16xf32>
      %parallel_loop3A_816 = vector.shape_cast %parallel_loop3A_808 : vector<16xf32> to vector<16xf32>
      tpu.vector_store %arg8[%parallel_loop3A_813], %parallel_loop3A_816 {strides = array<i32>} : memref<32768xf32, #tpu.memory_space<vmem>>, vector<16xf32>,
      %parallel_loop3A_817 = arith.constant 128 : i32
      %parallel_loop3A_818 = arith.addi %parallel_loop3A_712, %parallel_loop3A_817 : i32
      %parallel_loop3A_819 = arith.index_cast %parallel_loop3A_818 : i32 to index
      %parallel_loop3A_820 = tpu.vector_load %arg6[%parallel_loop3A_819] {strides = array<i32>} : memref<3584xf32, #tpu.memory_space<vmem>>, vector<16xf32>,
      %parallel_loop3A_821 = vector.shape_cast %parallel_loop3A_820 : vector<16xf32> to vector<16xf32>
      %parallel_loop3A_822 = arith.constant 512 : i32
      %parallel_loop3A_823 = arith.muli %parallel_loop3A_708, %parallel_loop3A_822 : i32
      %parallel_loop3A_824 = arith.constant 128 : i32
      %parallel_loop3A_825 = arith.addi %parallel_loop3A_823, %parallel_loop3A_824 : i32
      %parallel_loop3A_826 = arith.index_cast %parallel_loop3A_825 : i32 to index
      %parallel_loop3A_827 = tpu.vector_load %arg8[%parallel_loop3A_826] {strides = array<i32>} : memref<32768xf32, #tpu.memory_space<vmem>>, vector<16xf32>,
      %parallel_loop3A_828 = vector.shape_cast %parallel_loop3A_827 : vector<16xf32> to vector<16xf32>
      %parallel_loop3A_829 = vector.shape_cast %parallel_loop3A_821 : vector<16xf32> to vector<16xf32>
      tpu.vector_store %arg8[%parallel_loop3A_826], %parallel_loop3A_829 {strides = array<i32>} : memref<32768xf32, #tpu.memory_space<vmem>>, vector<16xf32>,
      %parallel_loop3A_830 = arith.constant 144 : i32
      %parallel_loop3A_831 = arith.addi %parallel_loop3A_712, %parallel_loop3A_830 : i32
      %parallel_loop3A_832 = arith.index_cast %parallel_loop3A_831 : i32 to index
      %parallel_loop3A_833 = tpu.vector_load %arg6[%parallel_loop3A_832] {strides = array<i32>} : memref<3584xf32, #tpu.memory_space<vmem>>, vector<16xf32>,
      %parallel_loop3A_834 = vector.shape_cast %parallel_loop3A_833 : vector<16xf32> to vector<16xf32>
      %parallel_loop3A_835 = arith.constant 512 : i32
      %parallel_loop3A_836 = arith.muli %parallel_loop3A_708, %parallel_loop3A_835 : i32
      %parallel_loop3A_837 = arith.constant 144 : i32
      %parallel_loop3A_838 = arith.addi %parallel_loop3A_836, %parallel_loop3A_837 : i32
      %parallel_loop3A_839 = arith.index_cast %parallel_loop3A_838 : i32 to index
      %parallel_loop3A_840 = tpu.vector_load %arg8[%parallel_loop3A_839] {strides = array<i32>} : memref<32768xf32, #tpu.memory_space<vmem>>, vector<16xf32>,
      %parallel_loop3A_841 = vector.shape_cast %parallel_loop3A_840 : vector<16xf32> to vector<16xf32>
      %parallel_loop3A_842 = vector.shape_cast %parallel_loop3A_834 : vector<16xf32> to vector<16xf32>
      tpu.vector_store %arg8[%parallel_loop3A_839], %parallel_loop3A_842 {strides = array<i32>} : memref<32768xf32, #tpu.memory_space<vmem>>, vector<16xf32>,
      %parallel_loop3A_843 = arith.constant 160 : i32
      %parallel_loop3A_844 = arith.addi %parallel_loop3A_712, %parallel_loop3A_843 : i32
      %parallel_loop3A_845 = arith.index_cast %parallel_loop3A_844 : i32 to index
      %parallel_loop3A_846 = tpu.vector_load %arg6[%parallel_loop3A_845] {strides = array<i32>} : memref<3584xf32, #tpu.memory_space<vmem>>, vector<16xf32>,
      %parallel_loop3A_847 = vector.shape_cast %parallel_loop3A_846 : vector<16xf32> to vector<16xf32>
      %parallel_loop3A_848 = arith.constant 512 : i32
      %parallel_loop3A_849 = arith.muli %parallel_loop3A_708, %parallel_loop3A_848 : i32
      %parallel_loop3A_850 = arith.constant 160 : i32
      %parallel_loop3A_851 = arith.addi %parallel_loop3A_849, %parallel_loop3A_850 : i32
      %parallel_loop3A_852 = arith.index_cast %parallel_loop3A_851 : i32 to index
      %parallel_loop3A_853 = tpu.vector_load %arg8[%parallel_loop3A_852] {strides = array<i32>} : memref<32768xf32, #tpu.memory_space<vmem>>, vector<16xf32>,
      %parallel_loop3A_854 = vector.shape_cast %parallel_loop3A_853 : vector<16xf32> to vector<16xf32>
      %parallel_loop3A_855 = vector.shape_cast %parallel_loop3A_847 : vector<16xf32> to vector<16xf32>
      tpu.vector_store %arg8[%parallel_loop3A_852], %parallel_loop3A_855 {strides = array<i32>} : memref<32768xf32, #tpu.memory_space<vmem>>, vector<16xf32>,
      %parallel_loop3A_856 = arith.constant 176 : i32
      %parallel_loop3A_857 = arith.addi %parallel_loop3A_712, %parallel_loop3A_856 : i32
      %parallel_loop3A_858 = arith.index_cast %parallel_loop3A_857 : i32 to index
      %parallel_loop3A_859 = tpu.vector_load %arg6[%parallel_loop3A_858] {strides = array<i32>} : memref<3584xf32, #tpu.memory_space<vmem>>, vector<16xf32>,
      %parallel_loop3A_860 = vector.shape_cast %parallel_loop3A_859 : vector<16xf32> to vector<16xf32>
      %parallel_loop3A_861 = arith.constant 512 : i32
      %parallel_loop3A_862 = arith.muli %parallel_loop3A_708, %parallel_loop3A_861 : i32
      %parallel_loop3A_863 = arith.constant 176 : i32
      %parallel_loop3A_864 = arith.addi %parallel_loop3A_862, %parallel_loop3A_863 : i32
      %parallel_loop3A_865 = arith.index_cast %parallel_loop3A_864 : i32 to index
      %parallel_loop3A_866 = tpu.vector_load %arg8[%parallel_loop3A_865] {strides = array<i32>} : memref<32768xf32, #tpu.memory_space<vmem>>, vector<16xf32>,
      %parallel_loop3A_867 = vector.shape_cast %parallel_loop3A_866 : vector<16xf32> to vector<16xf32>
      %parallel_loop3A_868 = vector.shape_cast %parallel_loop3A_860 : vector<16xf32> to vector<16xf32>
      tpu.vector_store %arg8[%parallel_loop3A_865], %parallel_loop3A_868 {strides = array<i32>} : memref<32768xf32, #tpu.memory_space<vmem>>, vector<16xf32>,
      %parallel_loop3A_869 = arith.constant 192 : i32
      %parallel_loop3A_870 = arith.addi %parallel_loop3A_712, %parallel_loop3A_869 : i32
      %parallel_loop3A_871 = arith.index_cast %parallel_loop3A_870 : i32 to index
      %parallel_loop3A_872 = tpu.vector_load %arg6[%parallel_loop3A_871] {strides = array<i32>} : memref<3584xf32, #tpu.memory_space<vmem>>, vector<16xf32>,
      %parallel_loop3A_873 = vector.shape_cast %parallel_loop3A_872 : vector<16xf32> to vector<16xf32>
      %parallel_loop3A_874 = arith.constant 512 : i32
      %parallel_loop3A_875 = arith.muli %parallel_loop3A_708, %parallel_loop3A_874 : i32
      %parallel_loop3A_876 = arith.constant 192 : i32
      %parallel_loop3A_877 = arith.addi %parallel_loop3A_875, %parallel_loop3A_876 : i32
      %parallel_loop3A_878 = arith.index_cast %parallel_loop3A_877 : i32 to index
      %parallel_loop3A_879 = tpu.vector_load %arg8[%parallel_loop3A_878] {strides = array<i32>} : memref<32768xf32, #tpu.memory_space<vmem>>, vector<16xf32>,
      %parallel_loop3A_880 = vector.shape_cast %parallel_loop3A_879 : vector<16xf32> to vector<16xf32>
      %parallel_loop3A_881 = vector.shape_cast %parallel_loop3A_873 : vector<16xf32> to vector<16xf32>
      tpu.vector_store %arg8[%parallel_loop3A_878], %parallel_loop3A_881 {strides = array<i32>} : memref<32768xf32, #tpu.memory_space<vmem>>, vector<16xf32>,
      %parallel_loop3A_882 = arith.constant 208 : i32
      %parallel_loop3A_883 = arith.addi %parallel_loop3A_712, %parallel_loop3A_882 : i32
      %parallel_loop3A_884 = arith.index_cast %parallel_loop3A_883 : i32 to index
      %parallel_loop3A_885 = tpu.vector_load %arg6[%parallel_loop3A_884] {strides = array<i32>} : memref<3584xf32, #tpu.memory_space<vmem>>, vector<16xf32>,
      %parallel_loop3A_886 = vector.shape_cast %parallel_loop3A_885 : vector<16xf32> to vector<16xf32>
      %parallel_loop3A_887 = arith.constant 512 : i32
      %parallel_loop3A_888 = arith.muli %parallel_loop3A_708, %parallel_loop3A_887 : i32
      %parallel_loop3A_889 = arith.constant 208 : i32
      %parallel_loop3A_890 = arith.addi %parallel_loop3A_888, %parallel_loop3A_889 : i32
      %parallel_loop3A_891 = arith.index_cast %parallel_loop3A_890 : i32 to index
      %parallel_loop3A_892 = tpu.vector_load %arg8[%parallel_loop3A_891] {strides = array<i32>} : memref<32768xf32, #tpu.memory_space<vmem>>, vector<16xf32>,
      %parallel_loop3A_893 = vector.shape_cast %parallel_loop3A_892 : vector<16xf32> to vector<16xf32>
      %parallel_loop3A_894 = vector.shape_cast %parallel_loop3A_886 : vector<16xf32> to vector<16xf32>
      tpu.vector_store %arg8[%parallel_loop3A_891], %parallel_loop3A_894 {strides = array<i32>} : memref<32768xf32, #tpu.memory_space<vmem>>, vector<16xf32>,
      %parallel_loop3A_895 = arith.constant 224 : i32
      %parallel_loop3A_896 = arith.addi %parallel_loop3A_712, %parallel_loop3A_895 : i32
      %parallel_loop3A_897 = arith.index_cast %parallel_loop3A_896 : i32 to index
      %parallel_loop3A_898 = tpu.vector_load %arg6[%parallel_loop3A_897] {strides = array<i32>} : memref<3584xf32, #tpu.memory_space<vmem>>, vector<16xf32>,
      %parallel_loop3A_899 = vector.shape_cast %parallel_loop3A_898 : vector<16xf32> to vector<16xf32>
      %parallel_loop3A_900 = arith.constant 512 : i32
      %parallel_loop3A_901 = arith.muli %parallel_loop3A_708, %parallel_loop3A_900 : i32
      %parallel_loop3A_902 = arith.constant 224 : i32
      %parallel_loop3A_903 = arith.addi %parallel_loop3A_901, %parallel_loop3A_902 : i32
      %parallel_loop3A_904 = arith.index_cast %parallel_loop3A_903 : i32 to index
      %parallel_loop3A_905 = tpu.vector_load %arg8[%parallel_loop3A_904] {strides = array<i32>} : memref<32768xf32, #tpu.memory_space<vmem>>, vector<16xf32>,
      %parallel_loop3A_906 = vector.shape_cast %parallel_loop3A_905 : vector<16xf32> to vector<16xf32>
      %parallel_loop3A_907 = vector.shape_cast %parallel_loop3A_899 : vector<16xf32> to vector<16xf32>
      tpu.vector_store %arg8[%parallel_loop3A_904], %parallel_loop3A_907 {strides = array<i32>} : memref<32768xf32, #tpu.memory_space<vmem>>, vector<16xf32>,
      %parallel_loop3A_908 = arith.constant 240 : i32
      %parallel_loop3A_909 = arith.addi %parallel_loop3A_712, %parallel_loop3A_908 : i32
      %parallel_loop3A_910 = arith.index_cast %parallel_loop3A_909 : i32 to index
      %parallel_loop3A_911 = tpu.vector_load %arg6[%parallel_loop3A_910] {strides = array<i32>} : memref<3584xf32, #tpu.memory_space<vmem>>, vector<16xf32>,
      %parallel_loop3A_912 = vector.shape_cast %parallel_loop3A_911 : vector<16xf32> to vector<16xf32>
      %parallel_loop3A_913 = arith.constant 512 : i32
      %parallel_loop3A_914 = arith.muli %parallel_loop3A_708, %parallel_loop3A_913 : i32
      %parallel_loop3A_915 = arith.constant 240 : i32
      %parallel_loop3A_916 = arith.addi %parallel_loop3A_914, %parallel_loop3A_915 : i32
      %parallel_loop3A_917 = arith.index_cast %parallel_loop3A_916 : i32 to index
      %parallel_loop3A_918 = tpu.vector_load %arg8[%parallel_loop3A_917] {strides = array<i32>} : memref<32768xf32, #tpu.memory_space<vmem>>, vector<16xf32>,
      %parallel_loop3A_919 = vector.shape_cast %parallel_loop3A_918 : vector<16xf32> to vector<16xf32>
      %parallel_loop3A_920 = vector.shape_cast %parallel_loop3A_912 : vector<16xf32> to vector<16xf32>
      tpu.vector_store %arg8[%parallel_loop3A_917], %parallel_loop3A_920 {strides = array<i32>} : memref<32768xf32, #tpu.memory_space<vmem>>, vector<16xf32>,
      %parallel_loop3A_921 = arith.constant 256 : i32
      %parallel_loop3A_922 = arith.addi %parallel_loop3A_712, %parallel_loop3A_921 : i32
      %parallel_loop3A_923 = arith.index_cast %parallel_loop3A_922 : i32 to index
      %parallel_loop3A_924 = tpu.vector_load %arg6[%parallel_loop3A_923] {strides = array<i32>} : memref<3584xf32, #tpu.memory_space<vmem>>, vector<16xf32>,
      %parallel_loop3A_925 = vector.shape_cast %parallel_loop3A_924 : vector<16xf32> to vector<16xf32>
      %parallel_loop3A_926 = arith.constant 512 : i32
      %parallel_loop3A_927 = arith.muli %parallel_loop3A_708, %parallel_loop3A_926 : i32
      %parallel_loop3A_928 = arith.constant 256 : i32
      %parallel_loop3A_929 = arith.addi %parallel_loop3A_927, %parallel_loop3A_928 : i32
      %parallel_loop3A_930 = arith.index_cast %parallel_loop3A_929 : i32 to index
      %parallel_loop3A_931 = tpu.vector_load %arg8[%parallel_loop3A_930] {strides = array<i32>} : memref<32768xf32, #tpu.memory_space<vmem>>, vector<16xf32>,
      %parallel_loop3A_932 = vector.shape_cast %parallel_loop3A_931 : vector<16xf32> to vector<16xf32>
      %parallel_loop3A_933 = vector.shape_cast %parallel_loop3A_925 : vector<16xf32> to vector<16xf32>
      tpu.vector_store %arg8[%parallel_loop3A_930], %parallel_loop3A_933 {strides = array<i32>} : memref<32768xf32, #tpu.memory_space<vmem>>, vector<16xf32>,
      %parallel_loop3A_934 = arith.constant 272 : i32
      %parallel_loop3A_935 = arith.addi %parallel_loop3A_712, %parallel_loop3A_934 : i32
      %parallel_loop3A_936 = arith.index_cast %parallel_loop3A_935 : i32 to index
      %parallel_loop3A_937 = tpu.vector_load %arg6[%parallel_loop3A_936] {strides = array<i32>} : memref<3584xf32, #tpu.memory_space<vmem>>, vector<16xf32>,
      %parallel_loop3A_938 = vector.shape_cast %parallel_loop3A_937 : vector<16xf32> to vector<16xf32>
      %parallel_loop3A_939 = arith.constant 512 : i32
      %parallel_loop3A_940 = arith.muli %parallel_loop3A_708, %parallel_loop3A_939 : i32
      %parallel_loop3A_941 = arith.constant 272 : i32
      %parallel_loop3A_942 = arith.addi %parallel_loop3A_940, %parallel_loop3A_941 : i32
      %parallel_loop3A_943 = arith.index_cast %parallel_loop3A_942 : i32 to index
      %parallel_loop3A_944 = tpu.vector_load %arg8[%parallel_loop3A_943] {strides = array<i32>} : memref<32768xf32, #tpu.memory_space<vmem>>, vector<16xf32>,
      %parallel_loop3A_945 = vector.shape_cast %parallel_loop3A_944 : vector<16xf32> to vector<16xf32>
      %parallel_loop3A_946 = vector.shape_cast %parallel_loop3A_938 : vector<16xf32> to vector<16xf32>
      tpu.vector_store %arg8[%parallel_loop3A_943], %parallel_loop3A_946 {strides = array<i32>} : memref<32768xf32, #tpu.memory_space<vmem>>, vector<16xf32>,
      %parallel_loop3A_947 = arith.constant 288 : i32
      %parallel_loop3A_948 = arith.addi %parallel_loop3A_712, %parallel_loop3A_947 : i32
      %parallel_loop3A_949 = arith.index_cast %parallel_loop3A_948 : i32 to index
      %parallel_loop3A_950 = tpu.vector_load %arg6[%parallel_loop3A_949] {strides = array<i32>} : memref<3584xf32, #tpu.memory_space<vmem>>, vector<16xf32>,
      %parallel_loop3A_951 = vector.shape_cast %parallel_loop3A_950 : vector<16xf32> to vector<16xf32>
      %parallel_loop3A_952 = arith.constant 512 : i32
      %parallel_loop3A_953 = arith.muli %parallel_loop3A_708, %parallel_loop3A_952 : i32
      %parallel_loop3A_954 = arith.constant 288 : i32
      %parallel_loop3A_955 = arith.addi %parallel_loop3A_953, %parallel_loop3A_954 : i32
      %parallel_loop3A_956 = arith.index_cast %parallel_loop3A_955 : i32 to index
      %parallel_loop3A_957 = tpu.vector_load %arg8[%parallel_loop3A_956] {strides = array<i32>} : memref<32768xf32, #tpu.memory_space<vmem>>, vector<16xf32>,
      %parallel_loop3A_958 = vector.shape_cast %parallel_loop3A_957 : vector<16xf32> to vector<16xf32>
      %parallel_loop3A_959 = vector.shape_cast %parallel_loop3A_951 : vector<16xf32> to vector<16xf32>
      tpu.vector_store %arg8[%parallel_loop3A_956], %parallel_loop3A_959 {strides = array<i32>} : memref<32768xf32, #tpu.memory_space<vmem>>, vector<16xf32>,
      %parallel_loop3A_960 = arith.constant 304 : i32
      %parallel_loop3A_961 = arith.addi %parallel_loop3A_712, %parallel_loop3A_960 : i32
      %parallel_loop3A_962 = arith.index_cast %parallel_loop3A_961 : i32 to index
      %parallel_loop3A_963 = tpu.vector_load %arg6[%parallel_loop3A_962] {strides = array<i32>} : memref<3584xf32, #tpu.memory_space<vmem>>, vector<16xf32>,
      %parallel_loop3A_964 = vector.shape_cast %parallel_loop3A_963 : vector<16xf32> to vector<16xf32>
      %parallel_loop3A_965 = arith.constant 512 : i32
      %parallel_loop3A_966 = arith.muli %parallel_loop3A_708, %parallel_loop3A_965 : i32
      %parallel_loop3A_967 = arith.constant 304 : i32
      %parallel_loop3A_968 = arith.addi %parallel_loop3A_966, %parallel_loop3A_967 : i32
      %parallel_loop3A_969 = arith.index_cast %parallel_loop3A_968 : i32 to index
      %parallel_loop3A_970 = tpu.vector_load %arg8[%parallel_loop3A_969] {strides = array<i32>} : memref<32768xf32, #tpu.memory_space<vmem>>, vector<16xf32>,
      %parallel_loop3A_971 = vector.shape_cast %parallel_loop3A_970 : vector<16xf32> to vector<16xf32>
      %parallel_loop3A_972 = vector.shape_cast %parallel_loop3A_964 : vector<16xf32> to vector<16xf32>
      tpu.vector_store %arg8[%parallel_loop3A_969], %parallel_loop3A_972 {strides = array<i32>} : memref<32768xf32, #tpu.memory_space<vmem>>, vector<16xf32>,
      %parallel_loop3A_973 = arith.constant 320 : i32
      %parallel_loop3A_974 = arith.addi %parallel_loop3A_712, %parallel_loop3A_973 : i32
      %parallel_loop3A_975 = arith.index_cast %parallel_loop3A_974 : i32 to index
      %parallel_loop3A_976 = tpu.vector_load %arg6[%parallel_loop3A_975] {strides = array<i32>} : memref<3584xf32, #tpu.memory_space<vmem>>, vector<16xf32>,
      %parallel_loop3A_977 = vector.shape_cast %parallel_loop3A_976 : vector<16xf32> to vector<16xf32>
      %parallel_loop3A_978 = arith.constant 512 : i32
      %parallel_loop3A_979 = arith.muli %parallel_loop3A_708, %parallel_loop3A_978 : i32
      %parallel_loop3A_980 = arith.constant 320 : i32
      %parallel_loop3A_981 = arith.addi %parallel_loop3A_979, %parallel_loop3A_980 : i32
      %parallel_loop3A_982 = arith.index_cast %parallel_loop3A_981 : i32 to index
      %parallel_loop3A_983 = tpu.vector_load %arg8[%parallel_loop3A_982] {strides = array<i32>} : memref<32768xf32, #tpu.memory_space<vmem>>, vector<16xf32>,
      %parallel_loop3A_984 = vector.shape_cast %parallel_loop3A_983 : vector<16xf32> to vector<16xf32>
      %parallel_loop3A_985 = vector.shape_cast %parallel_loop3A_977 : vector<16xf32> to vector<16xf32>
      tpu.vector_store %arg8[%parallel_loop3A_982], %parallel_loop3A_985 {strides = array<i32>} : memref<32768xf32, #tpu.memory_space<vmem>>, vector<16xf32>,
      %parallel_loop3A_986 = arith.constant 336 : i32
      %parallel_loop3A_987 = arith.addi %parallel_loop3A_712, %parallel_loop3A_986 : i32
      %parallel_loop3A_988 = arith.index_cast %parallel_loop3A_987 : i32 to index
      %parallel_loop3A_989 = tpu.vector_load %arg6[%parallel_loop3A_988] {strides = array<i32>} : memref<3584xf32, #tpu.memory_space<vmem>>, vector<16xf32>,
      %parallel_loop3A_990 = vector.shape_cast %parallel_loop3A_989 : vector<16xf32> to vector<16xf32>
      %parallel_loop3A_991 = arith.constant 512 : i32
      %parallel_loop3A_992 = arith.muli %parallel_loop3A_708, %parallel_loop3A_991 : i32
      %parallel_loop3A_993 = arith.constant 336 : i32
      %parallel_loop3A_994 = arith.addi %parallel_loop3A_992, %parallel_loop3A_993 : i32
      %parallel_loop3A_995 = arith.index_cast %parallel_loop3A_994 : i32 to index
      %parallel_loop3A_996 = tpu.vector_load %arg8[%parallel_loop3A_995] {strides = array<i32>} : memref<32768xf32, #tpu.memory_space<vmem>>, vector<16xf32>,
      %parallel_loop3A_997 = vector.shape_cast %parallel_loop3A_996 : vector<16xf32> to vector<16xf32>
      %parallel_loop3A_998 = vector.shape_cast %parallel_loop3A_990 : vector<16xf32> to vector<16xf32>
      tpu.vector_store %arg8[%parallel_loop3A_995], %parallel_loop3A_998 {strides = array<i32>} : memref<32768xf32, #tpu.memory_space<vmem>>, vector<16xf32>,
      %parallel_loop3A_999 = arith.constant 352 : i32
      %parallel_loop3A_1000 = arith.addi %parallel_loop3A_712, %parallel_loop3A_999 : i32
      %parallel_loop3A_1001 = arith.index_cast %parallel_loop3A_1000 : i32 to index
      %parallel_loop3A_1002 = tpu.vector_load %arg6[%parallel_loop3A_1001] {strides = array<i32>} : memref<3584xf32, #tpu.memory_space<vmem>>, vector<16xf32>,
      %parallel_loop3A_1003 = vector.shape_cast %parallel_loop3A_1002 : vector<16xf32> to vector<16xf32>
      %parallel_loop3A_1004 = arith.constant 512 : i32
      %parallel_loop3A_1005 = arith.muli %parallel_loop3A_708, %parallel_loop3A_1004 : i32
      %parallel_loop3A_1006 = arith.constant 352 : i32
      %parallel_loop3A_1007 = arith.addi %parallel_loop3A_1005, %parallel_loop3A_1006 : i32
      %parallel_loop3A_1008 = arith.index_cast %parallel_loop3A_1007 : i32 to index
      %parallel_loop3A_1009 = tpu.vector_load %arg8[%parallel_loop3A_1008] {strides = array<i32>} : memref<32768xf32, #tpu.memory_space<vmem>>, vector<16xf32>,
      %parallel_loop3A_1010 = vector.shape_cast %parallel_loop3A_1009 : vector<16xf32> to vector<16xf32>
      %parallel_loop3A_1011 = vector.shape_cast %parallel_loop3A_1003 : vector<16xf32> to vector<16xf32>
      tpu.vector_store %arg8[%parallel_loop3A_1008], %parallel_loop3A_1011 {strides = array<i32>} : memref<32768xf32, #tpu.memory_space<vmem>>, vector<16xf32>,
      %parallel_loop3A_1012 = arith.constant 368 : i32
      %parallel_loop3A_1013 = arith.addi %parallel_loop3A_712, %parallel_loop3A_1012 : i32
      %parallel_loop3A_1014 = arith.index_cast %parallel_loop3A_1013 : i32 to index
      %parallel_loop3A_1015 = tpu.vector_load %arg6[%parallel_loop3A_1014] {strides = array<i32>} : memref<3584xf32, #tpu.memory_space<vmem>>, vector<16xf32>,
      %parallel_loop3A_1016 = vector.shape_cast %parallel_loop3A_1015 : vector<16xf32> to vector<16xf32>
      %parallel_loop3A_1017 = arith.constant 512 : i32
      %parallel_loop3A_1018 = arith.muli %parallel_loop3A_708, %parallel_loop3A_1017 : i32
      %parallel_loop3A_1019 = arith.constant 368 : i32
      %parallel_loop3A_1020 = arith.addi %parallel_loop3A_1018, %parallel_loop3A_1019 : i32
      %parallel_loop3A_1021 = arith.index_cast %parallel_loop3A_1020 : i32 to index
      %parallel_loop3A_1022 = tpu.vector_load %arg8[%parallel_loop3A_1021] {strides = array<i32>} : memref<32768xf32, #tpu.memory_space<vmem>>, vector<16xf32>,
      %parallel_loop3A_1023 = vector.shape_cast %parallel_loop3A_1022 : vector<16xf32> to vector<16xf32>
      %parallel_loop3A_1024 = vector.shape_cast %parallel_loop3A_1016 : vector<16xf32> to vector<16xf32>
      tpu.vector_store %arg8[%parallel_loop3A_1021], %parallel_loop3A_1024 {strides = array<i32>} : memref<32768xf32, #tpu.memory_space<vmem>>, vector<16xf32>,
      %parallel_loop3A_1025 = arith.constant 384 : i32
      %parallel_loop3A_1026 = arith.addi %parallel_loop3A_712, %parallel_loop3A_1025 : i32
      %parallel_loop3A_1027 = arith.index_cast %parallel_loop3A_1026 : i32 to index
      %parallel_loop3A_1028 = tpu.vector_load %arg6[%parallel_loop3A_1027] {strides = array<i32>} : memref<3584xf32, #tpu.memory_space<vmem>>, vector<16xf32>,
      %parallel_loop3A_1029 = vector.shape_cast %parallel_loop3A_1028 : vector<16xf32> to vector<16xf32>
      %parallel_loop3A_1030 = arith.constant 512 : i32
      %parallel_loop3A_1031 = arith.muli %parallel_loop3A_708, %parallel_loop3A_1030 : i32
      %parallel_loop3A_1032 = arith.constant 384 : i32
      %parallel_loop3A_1033 = arith.addi %parallel_loop3A_1031, %parallel_loop3A_1032 : i32
      %parallel_loop3A_1034 = arith.index_cast %parallel_loop3A_1033 : i32 to index
      %parallel_loop3A_1035 = tpu.vector_load %arg8[%parallel_loop3A_1034] {strides = array<i32>} : memref<32768xf32, #tpu.memory_space<vmem>>, vector<16xf32>,
      %parallel_loop3A_1036 = vector.shape_cast %parallel_loop3A_1035 : vector<16xf32> to vector<16xf32>
      %parallel_loop3A_1037 = vector.shape_cast %parallel_loop3A_1029 : vector<16xf32> to vector<16xf32>
      tpu.vector_store %arg8[%parallel_loop3A_1034], %parallel_loop3A_1037 {strides = array<i32>} : memref<32768xf32, #tpu.memory_space<vmem>>, vector<16xf32>,
      %parallel_loop3A_1038 = arith.constant 400 : i32
      %parallel_loop3A_1039 = arith.addi %parallel_loop3A_712, %parallel_loop3A_1038 : i32
      %parallel_loop3A_1040 = arith.index_cast %parallel_loop3A_1039 : i32 to index
      %parallel_loop3A_1041 = tpu.vector_load %arg6[%parallel_loop3A_1040] {strides = array<i32>} : memref<3584xf32, #tpu.memory_space<vmem>>, vector<16xf32>,
      %parallel_loop3A_1042 = vector.shape_cast %parallel_loop3A_1041 : vector<16xf32> to vector<16xf32>
      %parallel_loop3A_1043 = arith.constant 512 : i32
      %parallel_loop3A_1044 = arith.muli %parallel_loop3A_708, %parallel_loop3A_1043 : i32
      %parallel_loop3A_1045 = arith.constant 400 : i32
      %parallel_loop3A_1046 = arith.addi %parallel_loop3A_1044, %parallel_loop3A_1045 : i32
      %parallel_loop3A_1047 = arith.index_cast %parallel_loop3A_1046 : i32 to index
      %parallel_loop3A_1048 = tpu.vector_load %arg8[%parallel_loop3A_1047] {strides = array<i32>} : memref<32768xf32, #tpu.memory_space<vmem>>, vector<16xf32>,
      %parallel_loop3A_1049 = vector.shape_cast %parallel_loop3A_1048 : vector<16xf32> to vector<16xf32>
      %parallel_loop3A_1050 = vector.shape_cast %parallel_loop3A_1042 : vector<16xf32> to vector<16xf32>
      tpu.vector_store %arg8[%parallel_loop3A_1047], %parallel_loop3A_1050 {strides = array<i32>} : memref<32768xf32, #tpu.memory_space<vmem>>, vector<16xf32>,
      %parallel_loop3A_1051 = arith.constant 416 : i32
      %parallel_loop3A_1052 = arith.addi %parallel_loop3A_712, %parallel_loop3A_1051 : i32
      %parallel_loop3A_1053 = arith.index_cast %parallel_loop3A_1052 : i32 to index
      %parallel_loop3A_1054 = tpu.vector_load %arg6[%parallel_loop3A_1053] {strides = array<i32>} : memref<3584xf32, #tpu.memory_space<vmem>>, vector<16xf32>,
      %parallel_loop3A_1055 = vector.shape_cast %parallel_loop3A_1054 : vector<16xf32> to vector<16xf32>
      %parallel_loop3A_1056 = arith.constant 512 : i32
      %parallel_loop3A_1057 = arith.muli %parallel_loop3A_708, %parallel_loop3A_1056 : i32
      %parallel_loop3A_1058 = arith.constant 416 : i32
      %parallel_loop3A_1059 = arith.addi %parallel_loop3A_1057, %parallel_loop3A_1058 : i32
      %parallel_loop3A_1060 = arith.index_cast %parallel_loop3A_1059 : i32 to index
      %parallel_loop3A_1061 = tpu.vector_load %arg8[%parallel_loop3A_1060] {strides = array<i32>} : memref<32768xf32, #tpu.memory_space<vmem>>, vector<16xf32>,
      %parallel_loop3A_1062 = vector.shape_cast %parallel_loop3A_1061 : vector<16xf32> to vector<16xf32>
      %parallel_loop3A_1063 = vector.shape_cast %parallel_loop3A_1055 : vector<16xf32> to vector<16xf32>
      tpu.vector_store %arg8[%parallel_loop3A_1060], %parallel_loop3A_1063 {strides = array<i32>} : memref<32768xf32, #tpu.memory_space<vmem>>, vector<16xf32>,
      %parallel_loop3A_1064 = arith.constant 432 : i32
      %parallel_loop3A_1065 = arith.addi %parallel_loop3A_712, %parallel_loop3A_1064 : i32
      %parallel_loop3A_1066 = arith.index_cast %parallel_loop3A_1065 : i32 to index
      %parallel_loop3A_1067 = tpu.vector_load %arg6[%parallel_loop3A_1066] {strides = array<i32>} : memref<3584xf32, #tpu.memory_space<vmem>>, vector<16xf32>,
      %parallel_loop3A_1068 = vector.shape_cast %parallel_loop3A_1067 : vector<16xf32> to vector<16xf32>
      %parallel_loop3A_1069 = arith.constant 512 : i32
      %parallel_loop3A_1070 = arith.muli %parallel_loop3A_708, %parallel_loop3A_1069 : i32
      %parallel_loop3A_1071 = arith.constant 432 : i32
      %parallel_loop3A_1072 = arith.addi %parallel_loop3A_1070, %parallel_loop3A_1071 : i32
      %parallel_loop3A_1073 = arith.index_cast %parallel_loop3A_1072 : i32 to index
      %parallel_loop3A_1074 = tpu.vector_load %arg8[%parallel_loop3A_1073] {strides = array<i32>} : memref<32768xf32, #tpu.memory_space<vmem>>, vector<16xf32>,
      %parallel_loop3A_1075 = vector.shape_cast %parallel_loop3A_1074 : vector<16xf32> to vector<16xf32>
      %parallel_loop3A_1076 = vector.shape_cast %parallel_loop3A_1068 : vector<16xf32> to vector<16xf32>
      tpu.vector_store %arg8[%parallel_loop3A_1073], %parallel_loop3A_1076 {strides = array<i32>} : memref<32768xf32, #tpu.memory_space<vmem>>, vector<16xf32>,
      %parallel_loop3A_1077 = arith.constant 448 : i32
      %parallel_loop3A_1078 = arith.addi %parallel_loop3A_712, %parallel_loop3A_1077 : i32
      %parallel_loop3A_1079 = arith.index_cast %parallel_loop3A_1078 : i32 to index
      %parallel_loop3A_1080 = tpu.vector_load %arg6[%parallel_loop3A_1079] {strides = array<i32>} : memref<3584xf32, #tpu.memory_space<vmem>>, vector<16xf32>,
      %parallel_loop3A_1081 = vector.shape_cast %parallel_loop3A_1080 : vector<16xf32> to vector<16xf32>
      %parallel_loop3A_1082 = arith.constant 512 : i32
      %parallel_loop3A_1083 = arith.muli %parallel_loop3A_708, %parallel_loop3A_1082 : i32
      %parallel_loop3A_1084 = arith.constant 448 : i32
      %parallel_loop3A_1085 = arith.addi %parallel_loop3A_1083, %parallel_loop3A_1084 : i32
      %parallel_loop3A_1086 = arith.index_cast %parallel_loop3A_1085 : i32 to index
      %parallel_loop3A_1087 = tpu.vector_load %arg8[%parallel_loop3A_1086] {strides = array<i32>} : memref<32768xf32, #tpu.memory_space<vmem>>, vector<16xf32>,
      %parallel_loop3A_1088 = vector.shape_cast %parallel_loop3A_1087 : vector<16xf32> to vector<16xf32>
      %parallel_loop3A_1089 = vector.shape_cast %parallel_loop3A_1081 : vector<16xf32> to vector<16xf32>
      tpu.vector_store %arg8[%parallel_loop3A_1086], %parallel_loop3A_1089 {strides = array<i32>} : memref<32768xf32, #tpu.memory_space<vmem>>, vector<16xf32>,
      %parallel_loop3A_1090 = arith.constant 464 : i32
      %parallel_loop3A_1091 = arith.addi %parallel_loop3A_712, %parallel_loop3A_1090 : i32
      %parallel_loop3A_1092 = arith.index_cast %parallel_loop3A_1091 : i32 to index
      %parallel_loop3A_1093 = tpu.vector_load %arg6[%parallel_loop3A_1092] {strides = array<i32>} : memref<3584xf32, #tpu.memory_space<vmem>>, vector<16xf32>,
      %parallel_loop3A_1094 = vector.shape_cast %parallel_loop3A_1093 : vector<16xf32> to vector<16xf32>
      %parallel_loop3A_1095 = arith.constant 512 : i32
      %parallel_loop3A_1096 = arith.muli %parallel_loop3A_708, %parallel_loop3A_1095 : i32
      %parallel_loop3A_1097 = arith.constant 464 : i32
      %parallel_loop3A_1098 = arith.addi %parallel_loop3A_1096, %parallel_loop3A_1097 : i32
      %parallel_loop3A_1099 = arith.index_cast %parallel_loop3A_1098 : i32 to index
      %parallel_loop3A_1100 = tpu.vector_load %arg8[%parallel_loop3A_1099] {strides = array<i32>} : memref<32768xf32, #tpu.memory_space<vmem>>, vector<16xf32>,
      %parallel_loop3A_1101 = vector.shape_cast %parallel_loop3A_1100 : vector<16xf32> to vector<16xf32>
      %parallel_loop3A_1102 = vector.shape_cast %parallel_loop3A_1094 : vector<16xf32> to vector<16xf32>
      tpu.vector_store %arg8[%parallel_loop3A_1099], %parallel_loop3A_1102 {strides = array<i32>} : memref<32768xf32, #tpu.memory_space<vmem>>, vector<16xf32>,
      %parallel_loop3A_1103 = arith.constant 480 : i32
      %parallel_loop3A_1104 = arith.addi %parallel_loop3A_712, %parallel_loop3A_1103 : i32
      %parallel_loop3A_1105 = arith.index_cast %parallel_loop3A_1104 : i32 to index
      %parallel_loop3A_1106 = tpu.vector_load %arg6[%parallel_loop3A_1105] {strides = array<i32>} : memref<3584xf32, #tpu.memory_space<vmem>>, vector<16xf32>,
      %parallel_loop3A_1107 = vector.shape_cast %parallel_loop3A_1106 : vector<16xf32> to vector<16xf32>
      %parallel_loop3A_1108 = arith.constant 512 : i32
      %parallel_loop3A_1109 = arith.muli %parallel_loop3A_708, %parallel_loop3A_1108 : i32
      %parallel_loop3A_1110 = arith.constant 480 : i32
      %parallel_loop3A_1111 = arith.addi %parallel_loop3A_1109, %parallel_loop3A_1110 : i32
      %parallel_loop3A_1112 = arith.index_cast %parallel_loop3A_1111 : i32 to index
      %parallel_loop3A_1113 = tpu.vector_load %arg8[%parallel_loop3A_1112] {strides = array<i32>} : memref<32768xf32, #tpu.memory_space<vmem>>, vector<16xf32>,
      %parallel_loop3A_1114 = vector.shape_cast %parallel_loop3A_1113 : vector<16xf32> to vector<16xf32>
      %parallel_loop3A_1115 = vector.shape_cast %parallel_loop3A_1107 : vector<16xf32> to vector<16xf32>
      tpu.vector_store %arg8[%parallel_loop3A_1112], %parallel_loop3A_1115 {strides = array<i32>} : memref<32768xf32, #tpu.memory_space<vmem>>, vector<16xf32>,
      %parallel_loop3A_1116 = arith.constant 496 : i32
      %parallel_loop3A_1117 = arith.addi %parallel_loop3A_712, %parallel_loop3A_1116 : i32
      %parallel_loop3A_1118 = arith.index_cast %parallel_loop3A_1117 : i32 to index
      %parallel_loop3A_1119 = tpu.vector_load %arg6[%parallel_loop3A_1118] {strides = array<i32>} : memref<3584xf32, #tpu.memory_space<vmem>>, vector<16xf32>,
      %parallel_loop3A_1120 = vector.shape_cast %parallel_loop3A_1119 : vector<16xf32> to vector<16xf32>
      %parallel_loop3A_1121 = arith.constant 512 : i32
      %parallel_loop3A_1122 = arith.muli %parallel_loop3A_708, %parallel_loop3A_1121 : i32
      %parallel_loop3A_1123 = arith.constant 496 : i32
      %parallel_loop3A_1124 = arith.addi %parallel_loop3A_1122, %parallel_loop3A_1123 : i32
      %parallel_loop3A_1125 = arith.index_cast %parallel_loop3A_1124 : i32 to index
      %parallel_loop3A_1126 = tpu.vector_load %arg8[%parallel_loop3A_1125] {strides = array<i32>} : memref<32768xf32, #tpu.memory_space<vmem>>, vector<16xf32>,
      %parallel_loop3A_1127 = vector.shape_cast %parallel_loop3A_1126 : vector<16xf32> to vector<16xf32>
      %parallel_loop3A_1128 = vector.shape_cast %parallel_loop3A_1120 : vector<16xf32> to vector<16xf32>
      tpu.vector_store %arg8[%parallel_loop3A_1125], %parallel_loop3A_1128 {strides = array<i32>} : memref<32768xf32, #tpu.memory_space<vmem>>, vector<16xf32>,
    } {sc.loop_unroll_factor = 4 : i64, sc.parallel_access}
    %mul3A_697 = arith.constant 128 : i32
    %mul3A_698 = arith.muli %add3A, %mul3A_697 : i32
    %add3A_699 = arith.constant 64 : i32
    %add3A_700 = arith.addi %mul3A_698, %add3A_699 : i32
    %mul3A_701 = arith.constant 512 : i32
    %mul3A_702 = arith.muli %add3A_700, %mul3A_701 : i32
    %dma_start3A_703 = tpu.memref_slice %arg4[%mul3A_702] : memref<2097152xf32, #tpu.memory_space<hbm>> -> memref<32768xf32, #tpu.memory_space<hbm>>
    %dma_start3A_704 = tpu.memref_slice %arg4[%mul3A_702] : memref<2097152xf32, #tpu.memory_space<hbm>> -> memref<32768xf32, #tpu.memory_space<hbm>>
    tpu.enqueue_dma source(%arg8 : memref<32768xf32, #tpu.memory_space<vmem>>) target(%dma_start3A_704 : memref<32768xf32, #tpu.memory_space<hbm>>) target_semaphore(%arg12 : memref<!tpu.dma_semaphore, #tpu.memory_space<semaphore_mem>>)
    %dma_wait3A = tpu.memref_slice %arg4[%mul3A_692] : memref<2097152xf32, #tpu.memory_space<hbm>> -> memref<32768xf32, #tpu.memory_space<hbm>>
    %dma_wait3A_705 = tpu.memref_slice %arg4[%mul3A_692] : memref<2097152xf32, #tpu.memory_space<hbm>> -> memref<32768xf32, #tpu.memory_space<hbm>>
    tpu.wait_dma2 semaphore(%arg11 : memref<!tpu.dma_semaphore, #tpu.memory_space<semaphore_mem>>) src(%arg7 : memref<32768xf32, #tpu.memory_space<vmem>>) dst(%dma_wait3A_705 : memref<32768xf32, #tpu.memory_space<hbm>>)
    %dma_wait3A_706 = tpu.memref_slice %arg4[%mul3A_702] : memref<2097152xf32, #tpu.memory_space<hbm>> -> memref<32768xf32, #tpu.memory_space<hbm>>
    %dma_wait3A_707 = tpu.memref_slice %arg4[%mul3A_702] : memref<2097152xf32, #tpu.memory_space<hbm>> -> memref<32768xf32, #tpu.memory_space<hbm>>
    tpu.wait_dma2 semaphore(%arg12 : memref<!tpu.dma_semaphore, #tpu.memory_space<semaphore_mem>>) src(%arg8 : memref<32768xf32, #tpu.memory_space<vmem>>) dst(%dma_wait3A_707 : memref<32768xf32, #tpu.memory_space<hbm>>)
    return
  }
}

module attributes {stable_mosaic.version = 14 : i64} {
  func.func @_tc_body(%arg0: i32, %arg1: memref<1024x1xi32, #tpu.memory_space<vmem>>, %arg2: memref<8x512xf32, #tpu.memory_space<vmem>>, %arg3: memref<1024x512xf32, #tpu.memory_space<vmem>>) attributes {dimension_semantics = [#tpu.dimension_semantics<arbitrary>], iteration_bounds = array<i64: 12>, scalar_prefetch = 0 : i64, scratch_operands = 0 : i64, tpu.core_type = #tpu.core_type<tc>, window_params = [{transform_indices = @transform_0, window_bounds = array<i64: 1024, 1>}, {pipeline_mode = #tpu.pipeline_mode<synchronous>, transform_indices = @transform_1, window_bounds = array<i64: 8, 512>}, {transform_indices = @transform_2, window_bounds = array<i64: 1024, 512>}]} {
    %get3A = arith.constant 0 : index
    %get3A_0 = arith.constant 0 : index
    %get3A_1 = vector.load %arg1[%get3A, %get3A_0] : memref<1024x1xi32, #tpu.memory_space<vmem>>, vector<1024x1xi32>
    %get3A_2 = arith.constant 0 : index
    %get3A_3 = arith.constant 0 : index
    %get3A_4 = vector.load %arg2[%get3A_2, %get3A_3] : memref<8x512xf32, #tpu.memory_space<vmem>>, vector<1x512xf32>
    %get3A_5 = vector.shape_cast %get3A_4 : vector<1x512xf32> to vector<512xf32>
    %broadcast_in_dim3A = vector.shape_cast %get3A_5 : vector<512xf32> to vector<1x512xf32>
    %broadcast_in_dim3A_6 = vector.shape_cast %broadcast_in_dim3A : vector<1x512xf32> to vector<1x512xf32>
    %broadcast_in_dim3A_7 = vector.broadcast %broadcast_in_dim3A_6 : vector<1x512xf32> to vector<1024x512xf32>
    %eq3A = arith.constant 1 : i32
    %eq3A_8 = vector.broadcast %eq3A : i32 to vector<1024x1xi32>
    %eq3A_9 = arith.cmpi eq, %get3A_1, %eq3A_8 : vector<1024x1xi32>
    %get3A_10 = arith.constant 1 : index
    %get3A_11 = arith.constant 0 : index
    %get3A_12 = vector.load %arg2[%get3A_10, %get3A_11] : memref<8x512xf32, #tpu.memory_space<vmem>>, vector<1x512xf32>
    %get3A_13 = vector.shape_cast %get3A_12 : vector<1x512xf32> to vector<512xf32>
    %broadcast_in_dim3A_14 = vector.shape_cast %get3A_13 : vector<512xf32> to vector<1x512xf32>
    %broadcast_in_dim3A_15 = vector.shape_cast %eq3A_9 : vector<1024x1xi1> to vector<1024x1xi1>
    %broadcast_in_dim3A_16 = vector.broadcast %broadcast_in_dim3A_15 : vector<1024x1xi1> to vector<1024x512xi1>
    %broadcast_in_dim3A_17 = vector.shape_cast %broadcast_in_dim3A_14 : vector<1x512xf32> to vector<1x512xf32>
    %broadcast_in_dim3A_18 = vector.broadcast %broadcast_in_dim3A_17 : vector<1x512xf32> to vector<1024x512xf32>
    %select_n3A = arith.select %broadcast_in_dim3A_16, %broadcast_in_dim3A_18, %broadcast_in_dim3A_7 : vector<1024x512xi1>, vector<1024x512xf32>
    %eq3A_19 = arith.constant 2 : i32
    %eq3A_20 = vector.broadcast %eq3A_19 : i32 to vector<1024x1xi32>
    %eq3A_21 = arith.cmpi eq, %get3A_1, %eq3A_20 : vector<1024x1xi32>
    %get3A_22 = arith.constant 2 : index
    %get3A_23 = arith.constant 0 : index
    %get3A_24 = vector.load %arg2[%get3A_22, %get3A_23] : memref<8x512xf32, #tpu.memory_space<vmem>>, vector<1x512xf32>
    %get3A_25 = vector.shape_cast %get3A_24 : vector<1x512xf32> to vector<512xf32>
    %broadcast_in_dim3A_26 = vector.shape_cast %get3A_25 : vector<512xf32> to vector<1x512xf32>
    %broadcast_in_dim3A_27 = vector.shape_cast %eq3A_21 : vector<1024x1xi1> to vector<1024x1xi1>
    %broadcast_in_dim3A_28 = vector.broadcast %broadcast_in_dim3A_27 : vector<1024x1xi1> to vector<1024x512xi1>
    %broadcast_in_dim3A_29 = vector.shape_cast %broadcast_in_dim3A_26 : vector<1x512xf32> to vector<1x512xf32>
    %broadcast_in_dim3A_30 = vector.broadcast %broadcast_in_dim3A_29 : vector<1x512xf32> to vector<1024x512xf32>
    %select_n3A_31 = arith.select %broadcast_in_dim3A_28, %broadcast_in_dim3A_30, %select_n3A : vector<1024x512xi1>, vector<1024x512xf32>
    %eq3A_32 = arith.constant 3 : i32
    %eq3A_33 = vector.broadcast %eq3A_32 : i32 to vector<1024x1xi32>
    %eq3A_34 = arith.cmpi eq, %get3A_1, %eq3A_33 : vector<1024x1xi32>
    %get3A_35 = arith.constant 3 : index
    %get3A_36 = arith.constant 0 : index
    %get3A_37 = vector.load %arg2[%get3A_35, %get3A_36] : memref<8x512xf32, #tpu.memory_space<vmem>>, vector<1x512xf32>
    %get3A_38 = vector.shape_cast %get3A_37 : vector<1x512xf32> to vector<512xf32>
    %broadcast_in_dim3A_39 = vector.shape_cast %get3A_38 : vector<512xf32> to vector<1x512xf32>
    %broadcast_in_dim3A_40 = vector.shape_cast %eq3A_34 : vector<1024x1xi1> to vector<1024x1xi1>
    %broadcast_in_dim3A_41 = vector.broadcast %broadcast_in_dim3A_40 : vector<1024x1xi1> to vector<1024x512xi1>
    %broadcast_in_dim3A_42 = vector.shape_cast %broadcast_in_dim3A_39 : vector<1x512xf32> to vector<1x512xf32>
    %broadcast_in_dim3A_43 = vector.broadcast %broadcast_in_dim3A_42 : vector<1x512xf32> to vector<1024x512xf32>
    %select_n3A_44 = arith.select %broadcast_in_dim3A_41, %broadcast_in_dim3A_43, %select_n3A_31 : vector<1024x512xi1>, vector<1024x512xf32>
    %eq3A_45 = arith.constant 4 : i32
    %eq3A_46 = vector.broadcast %eq3A_45 : i32 to vector<1024x1xi32>
    %eq3A_47 = arith.cmpi eq, %get3A_1, %eq3A_46 : vector<1024x1xi32>
    %get3A_48 = arith.constant 4 : index
    %get3A_49 = arith.constant 0 : index
    %get3A_50 = vector.load %arg2[%get3A_48, %get3A_49] : memref<8x512xf32, #tpu.memory_space<vmem>>, vector<1x512xf32>
    %get3A_51 = vector.shape_cast %get3A_50 : vector<1x512xf32> to vector<512xf32>
    %broadcast_in_dim3A_52 = vector.shape_cast %get3A_51 : vector<512xf32> to vector<1x512xf32>
    %broadcast_in_dim3A_53 = vector.shape_cast %eq3A_47 : vector<1024x1xi1> to vector<1024x1xi1>
    %broadcast_in_dim3A_54 = vector.broadcast %broadcast_in_dim3A_53 : vector<1024x1xi1> to vector<1024x512xi1>
    %broadcast_in_dim3A_55 = vector.shape_cast %broadcast_in_dim3A_52 : vector<1x512xf32> to vector<1x512xf32>
    %broadcast_in_dim3A_56 = vector.broadcast %broadcast_in_dim3A_55 : vector<1x512xf32> to vector<1024x512xf32>
    %select_n3A_57 = arith.select %broadcast_in_dim3A_54, %broadcast_in_dim3A_56, %select_n3A_44 : vector<1024x512xi1>, vector<1024x512xf32>
    %eq3A_58 = arith.constant 5 : i32
    %eq3A_59 = vector.broadcast %eq3A_58 : i32 to vector<1024x1xi32>
    %eq3A_60 = arith.cmpi eq, %get3A_1, %eq3A_59 : vector<1024x1xi32>
    %get3A_61 = arith.constant 5 : index
    %get3A_62 = arith.constant 0 : index
    %get3A_63 = vector.load %arg2[%get3A_61, %get3A_62] : memref<8x512xf32, #tpu.memory_space<vmem>>, vector<1x512xf32>
    %get3A_64 = vector.shape_cast %get3A_63 : vector<1x512xf32> to vector<512xf32>
    %broadcast_in_dim3A_65 = vector.shape_cast %get3A_64 : vector<512xf32> to vector<1x512xf32>
    %broadcast_in_dim3A_66 = vector.shape_cast %eq3A_60 : vector<1024x1xi1> to vector<1024x1xi1>
    %broadcast_in_dim3A_67 = vector.broadcast %broadcast_in_dim3A_66 : vector<1024x1xi1> to vector<1024x512xi1>
    %broadcast_in_dim3A_68 = vector.shape_cast %broadcast_in_dim3A_65 : vector<1x512xf32> to vector<1x512xf32>
    %broadcast_in_dim3A_69 = vector.broadcast %broadcast_in_dim3A_68 : vector<1x512xf32> to vector<1024x512xf32>
    %select_n3A_70 = arith.select %broadcast_in_dim3A_67, %broadcast_in_dim3A_69, %select_n3A_57 : vector<1024x512xi1>, vector<1024x512xf32>
    %eq3A_71 = arith.constant 6 : i32
    %eq3A_72 = vector.broadcast %eq3A_71 : i32 to vector<1024x1xi32>
    %eq3A_73 = arith.cmpi eq, %get3A_1, %eq3A_72 : vector<1024x1xi32>
    %get3A_74 = arith.constant 6 : index
    %get3A_75 = arith.constant 0 : index
    %get3A_76 = vector.load %arg2[%get3A_74, %get3A_75] : memref<8x512xf32, #tpu.memory_space<vmem>>, vector<1x512xf32>
    %get3A_77 = vector.shape_cast %get3A_76 : vector<1x512xf32> to vector<512xf32>
    %broadcast_in_dim3A_78 = vector.shape_cast %get3A_77 : vector<512xf32> to vector<1x512xf32>
    %broadcast_in_dim3A_79 = vector.shape_cast %eq3A_73 : vector<1024x1xi1> to vector<1024x1xi1>
    %broadcast_in_dim3A_80 = vector.broadcast %broadcast_in_dim3A_79 : vector<1024x1xi1> to vector<1024x512xi1>
    %broadcast_in_dim3A_81 = vector.shape_cast %broadcast_in_dim3A_78 : vector<1x512xf32> to vector<1x512xf32>
    %broadcast_in_dim3A_82 = vector.broadcast %broadcast_in_dim3A_81 : vector<1x512xf32> to vector<1024x512xf32>
    %select_n3A_83 = arith.select %broadcast_in_dim3A_80, %broadcast_in_dim3A_82, %select_n3A_70 : vector<1024x512xi1>, vector<1024x512xf32>
    %swap3A = arith.constant 0 : index
    %swap3A_84 = arith.constant 0 : index
    %swap3A_85 = vector.load %arg3[%swap3A, %swap3A_84] : memref<1024x512xf32, #tpu.memory_space<vmem>>, vector<1024x512xf32>
    tpu.vector_store %arg3[%swap3A, %swap3A_84], %select_n3A_83 {strides = array<i32>} : memref<1024x512xf32, #tpu.memory_space<vmem>>, vector<1024x512xf32>,
    return
  }
  func.func @transform_0(%arg0: i32) -> (i32, i32) {
    %add3A = arith.constant 4 : i32
    %add3A_0 = arith.addi %add3A, %arg0 : i32
    %c0_i32 = arith.constant 0 : i32
    %c0_i32_1 = arith.constant 0 : i32
    return %add3A_0, %c0_i32 : i32, i32
  }
  func.func @transform_1(%arg0: i32) -> (i32, i32) {
    %c0_i32 = arith.constant 0 : i32
    %c0_i32_0 = arith.constant 0 : i32
    %c0_i32_1 = arith.constant 0 : i32
    return %c0_i32, %c0_i32_0 : i32, i32
  }
  func.func @transform_2(%arg0: i32) -> (i32, i32) {
    %add3A = arith.constant 4 : i32
    %add3A_0 = arith.addi %add3A, %arg0 : i32
    %c0_i32 = arith.constant 0 : i32
    %c0_i32_1 = arith.constant 0 : i32
    return %add3A_0, %c0_i32 : i32, i32
  }
}

</mosaic_0001>

<sc_bundles>
// kernel: kernel.4.cloned.1.call-start
scs
__scs_entry_jumppad:
0x0: {  	(pc) =	sbr.rel $0x88, $3  }
0x1: {  	(tag) =	ssettag $0x0;
	lr =	simm.s32 $0x1  }
0x2: {  	[smem:$0x3F9F] =	sst lr;
	_ =	strace $0xD0000000  }
0x3: {  	_ = 	snop  }
0x4: {  	_ = 	snop  }
0x5: {  	_ = 	snop  }
0x6: {  	_ = 	snop  }
0x7: {  	_ = 	snop  }
__scs_overlays_trampoline_lowered:
0x8: {  	[smem:$0x3FAE] =	sst s0  }
0x9: {  	[smem:$0x3FAF] =	sst s1  }
0xa: {  	[smem:$0x3FB0] =	sst s2  }
0xb: {  	[smem:$0x3FB1] =	sst s3  }
0xc: {  	[smem:$0x3FB2] =	sst s4  }
0xd: {  	[smem:$0x3FB3] =	sst s5  }
0xe: {  	[smem:$0x3FB4] =	sst s6  }
0xf: {  	[smem:$0x3FB5] =	sst s7  }
0x10: {  	[smem:$0x3FB6] =	sst s8  }
0x11: {  	[smem:$0x3FB7] =	sst s9;
	s0 =	simm.s32 @!p0 $0x0  }
0x12: {  	s1 =	sld [smem:$0x3F9D];
	s0 =	simm.s32 @p0 $0x1  }
0x13: {  	[smem:$0x3FB8] =	sst s0;
	s0 =	simm.s32 @!p1 $0x0  }
0x14: {  	s2 =	sld [smem:$0x3F9C];
	s0 =	simm.s32 @p1 $0x1  }
0x15: {  	[smem:$0x3FB9] =	sst s0;
	s0 =	simm.s32 @!p2 $0x0  }
0x16: {  	s3 =	sld [smem:$0x3FDB];
	s0 =	simm.s32 @p2 $0x1  }
0x17: {  	s4 =	simm.s32 $0x1BF5;
	[smem:$0x3FBB] =	sst s0  }
0x18: {  	s0 =	sld [smem:$0x3F9E];
	_ =	swait.ge [sflag:s4], $0x0  }
0x19: {  	s7 =	sld [smem:$0x3F9F]  }
0x1a: {  	s8 =	sadd.s32 $0xFFFFE003, lr  }
0x1b: {  	s9 =	sadd.s32 $0xFFFFFEF7, lr;
	s5 =	simm.s32 $0xFFFFFFFF;
	p2 =	slt.u32 s8, $0xFFFFF086  }
0x1c: {  	p1 =	slt.u32 s9, $0xF7A;
	s5 =	simm.s32 @!p2 $0x0  }
0x1d: {  	s5 =	simm.s32 @p1 $0x1;
	p0 =	seq.s32 s7, s2  }
0x1e: {  	s7 =	smul.u32 @!p0 $0xF7A, s2;
	p2 =	seq.s32 @!p0 s5, $0x0  }
0x1f: {  	s9 =	smul.u32 $0xF7A, s1;
	s8 =	simm.s32 @!p0 $0x1BF5;
	p2 =	por !p2, p0  }
0x20: {  	[sflag:s8] =	ssyncset.s32 @!p0 $0xFFFFF086;
	s6 =	sadd.s32 @!p0 s3, s7;
	s7 =	simm.s32 @!p0 $0x108  }
0x21: {  	s3 =	sadd.s32 s3, s9;
	s6 =	sadd.s32 @!p0 $0x88, s6;
	s7 =	simm.s32 @p2 $0x1082  }
0x22: {  	[simem:s7], [sflag:s8] =	dma.local @!p0 [hbm:s6], $0xF7A  }
0x23: {  	s9 =	sor.u32 $0xD0000000, s2;
	s6 =	simm.s32 $0x108;
	_ =	swait.ge @!p0 [sflag:s8], $0x0  }
0x24: {  	s3 =	sadd.s32 $0x88, s3;
	s6 =	simm.s32 @!p1 $0x1082;
	[sflag:s4] =	ssyncset.s32 $0xFFFFF086  }
0x25: {  	[simem:s6], [sflag:s4] =	dma.local [hbm:s3], $0xF7A  }
0x26: {  	[smem:$0x3F9F] =	sst s1;
	(tag) =	ssettag s2;
	_ =	strace s9  }
0x27: {  	s1 =	sld [smem:$0x3FAF]  }
0x28: {  	s2 =	sld [smem:$0x3FB0]  }
0x29: {  	s4 =	sld [smem:$0x3FB2]  }
0x2a: {  	p0 =	seq.s32 s5, $0x0;
	s5 =	sld [smem:$0x3FB3]  }
0x2b: {  	s6 =	sld [smem:$0x3FB4]  }
0x2c: {  	s7 =	sld [smem:$0x3FB5]  }
0x2d: {  	s3 =	simm.s32 $0x108;
	s8 =	sld [smem:$0x3FB6]  }
0x2e: {  	s3 =	simm.s32 @!p0 $0x1082;
	s9 =	sld [smem:$0x3FB7]  }
0x2f: {  	lr =	sadd.s32 s0, s3;
	s0 =	sld [smem:$0x3FAE]  }
0x30: {  	s3 =	sld [smem:$0x3FB1]  }
0x31: {  	[smem:$0x3FBA] =	sst s10  }
0x32: {  	s10 =	sld [smem:$0x3FB8];
	_ =	sdelay $0x3  }
0x33: {  	p0 =	seq.s32 s10, $0x1;
	s10 =	sld [smem:$0x3FBA];
	_ =	sdelay $0x3  }
0x34: {  	[smem:$0x3FBA] =	sst s10  }
0x35: {  	s10 =	sld [smem:$0x3FB9];
	_ =	sdelay $0x3  }
0x36: {  	p1 =	seq.s32 s10, $0x1;
	s10 =	sld [smem:$0x3FBA];
	_ =	sdelay $0x3  }
0x37: {  	[smem:$0x3FBA] =	sst s10  }
0x38: {  	s10 =	sld [smem:$0x3FBB]  }
0x39: {  	_ = 	snop;
	(pc) =	sbr.ind lr, $3  }
0x3a: {  	_ = 	snop  }
0x3b: {  	_ = 	snop  }
0x3c: {  	p2 =	seq.s32 s10, $0x1;
	s10 =	sld [smem:$0x3FBA]  }
0x3d: {  	_ =	shalt  }
0x3e: {  	_ =	shalt  }
0x3f: {  	_ =	shalt  }
0x40: {  	_ =	shalt  }
0x41: {  	_ =	shalt  }
0x42: {  	_ =	shalt  }
0x43: {  	_ =	shalt  }
0x44: {  	_ =	shalt  }
0x45: {  	_ =	shalt  }
0x46: {  	_ =	shalt  }
0x47: {  	_ =	shalt  }
0x48: {  	_ =	shalt  }
0x49: {  	_ =	shalt  }
0x4a: {  	_ =	shalt  }
0x4b: {  	_ =	shalt  }
0x4c: {  	_ =	shalt  }
0x4d: {  	_ =	shalt  }
0x4e: {  	_ =	shalt  }
0x4f: {  	_ =	shalt  }
0x50: {  	_ =	shalt  }
0x51: {  	_ =	shalt  }
0x52: {  	_ =	shalt  }
0x53: {  	_ =	shalt  }
0x54: {  	_ =	shalt  }
0x55: {  	_ =	shalt  }
0x56: {  	_ =	shalt  }
0x57: {  	_ =	shalt  }
0x58: {  	_ =	shalt  }
0x59: {  	_ =	shalt  }
0x5a: {  	_ =	shalt  }
0x5b: {  	_ =	shalt  }
0x5c: {  	_ =	shalt  }
0x5d: {  	_ =	shalt  }
0x5e: {  	_ =	shalt  }
0x5f: {  	_ =	shalt  }
0x60: {  	_ =	shalt  }
0x61: {  	_ =	shalt  }
0x62: {  	_ =	shalt  }
0x63: {  	_ =	shalt  }
0x64: {  	_ =	shalt  }
0x65: {  	_ =	shalt  }
0x66: {  	_ =	shalt  }
0x67: {  	_ =	shalt  }
0x68: {  	_ =	shalt  }
0x69: {  	_ =	shalt  }
0x6a: {  	_ =	shalt  }
0x6b: {  	_ =	shalt  }
0x6c: {  	_ =	shalt  }
0x6d: {  	_ =	shalt  }
0x6e: {  	_ =	shalt  }
0x6f: {  	_ =	shalt  }
0x70: {  	_ =	shalt  }
0x71: {  	_ =	shalt  }
0x72: {  	_ =	shalt  }
0x73: {  	_ =	shalt  }
0x74: {  	_ =	shalt  }
0x75: {  	_ =	shalt  }
0x76: {  	_ =	shalt  }
0x77: {  	_ =	shalt  }
0x78: {  	_ =	shalt  }
0x79: {  	_ =	shalt  }
0x7a: {  	_ =	shalt  }
0x7b: {  	_ =	shalt  }
0x7c: {  	_ =	shalt  }
0x7d: {  	_ =	shalt  }
0x7e: {  	_ =	shalt  }
0x7f: {  	_ =	shalt  }
0x80: {  	_ =	shalt  }
0x81: {  	_ =	shalt  }
0x82: {  	_ =	shalt  }
0x83: {  	_ =	shalt  }
0x84: {  	_ =	shalt  }
0x85: {  	_ =	shalt  }
0x86: {  	_ =	shalt  }
0x87: {  	_ =	shalt  }
.Lfunc_end0:
.L_simem_size_0:
called_computation_lowered:
.L_overlay_start_0:
0x88: {  	s2 =	sld [smem:$0x3FD9]  }
0x89: {  	s3 =	sld [smem:$0x3FFE];
	_ =	sdelay $0x1  }
0x8a: {  	s1 =	srdreg.scid  }
0x8b: {  	s0 =	sand.u32 $0x1, s1  }
0x8c: {  	s16 =	sshll.u32 s0, $0xA;
	s2 =	sadd.s32 s3, s2  }
0x8d: {  	s2 =	sadd.s32 s2, s16  }
0x8e: {  	[smem:$0x3FC6] =	sst s2  }
0x8f: {  	_ = 	snop  }
0x90: {  	(tm) =	ssettm $0x1  }
0x91: {  	s17 =	sld [smem:$0x3FFB];
	_ =	sdelay $0x3  }
0x92: {  	_ =	strace s17  }
0x93: {  	s2 =	sld [smem:$0x3FFC];
	_ =	sdelay $0x3  }
0x94: {  	_ =	strace s2  }
0x95: {  	s2 =	sld [smem:$0x3FFD];
	_ =	sdelay $0x3  }
0x96: {  	_ =	strace s2  }
0x97: {  	_ =	strace $0x8FFFFFFF  }
0x98: {  	s18 =	sld [smem:$0x3FDB];
	_ =	sdelay $0x1  }
0x99: {  	s19 =	simm.s32 $_scs_section_size  }
0x9a: {  	s4 =	simm.s32 $_size__tile_overlayer_lowered;
	s5 =	simm.s32 $_tile_overlayer_lowered  }
0x9b: {  	s22 =	simm.s32 $0x1BFF;
	s21 =	sshll.u32 s5, $0x1;
	s2 =	sadd.s32 s19, s18  }
0x9c: {  	s6 =	simm.s32 $0x0;
	s20 =	sshll.u32 s4, $0x1;
	s4 =	sadd.s32 s21, s2  }
0x9d: {  	[timem:s6], [sflag:s22] =	dma.local [hbm:s4], s20  }
0x9e: {  	_ =	swait.ge [sflag:s22], s20  }
0x9f: {  	s3 =	ssub.s32 $0x0, s20;
	[sflag:s22] =	ssyncset.done $0x0  }
0xa0: {  	[sflag:s22] =	ssyncadd.s32 s3;
	_ =	sdelay $0x1  }
0xa1: {  	s23 =	simm.s32 $0x1B8B  }
0xa2: {  	_ =	swait.ge [sflag:s23], $0x1  }
0xa3: {  	[sflag:s23] =	ssyncset.done $0x0  }
0xa4: {  	s25 =	simm.s32 $0x1B8E;
	s24 =	sld [smem:$0x3FFE];
	[sflag:s23] =	ssyncadd.s32 $0xFFFFFFFF  }
0xa5: {  	s26 =	simm.s32 $execute0_lowered;
	[smem:$0x3FD2] =	sst s25  }
0xa6: {  	s4 =	sshll.u32 s26, $0x1;
	_ =	strace $0x80000046;
	[dreg:$0x1] =	wrdreg $0xFFFFFFFF  }
0xa7: {  	s28 =	simm.s32 $_size_execute0_lowered;
	s2 =	sadd.s32 s2, s4;
	[dreg:$0x0] =	wrdreg $0x0  }
0xa8: {  	s4 =	sshll.u32 s28, $0x1;
	[dreg:$0x2] =	wrdreg s2  }
0xa9: {  	[dreg:$0x3] =	wrdreg s4  }
0xaa: {  	[dreg:$0x4] =	wrdreg $0xC0  }
0xab: {  	_ =	task [dreg:s6], $0x5FFFF  }
0xac: {  	[dreg:$0x1] =	wrdreg $0xFFFFFFFF  }
0xad: {  	[dreg:$0x0] =	wrdreg $0x60  }
0xae: {  	[dreg:$0x2] =	wrdreg s24  }
0xaf: {  	[dreg:$0x3] =	wrdreg $0x9  }
0xb0: {  	_ =	task.clear_ibuf [dreg:s6], $0x4FFFF;
	_ =	strace $0x90000046  }
0xb1: {  	s29 =	simm.s32 $0x9;
	_ =	strace $0x80000048  }
0xb2: {  	_ =	swait.ge [sflag:s29], $0x1  }
0xb3: {  	[sflag:s29] =	ssyncadd.s32 $0xFFFFFFFF  }
0xb4: {  	_ =	strace $0x90000048  }
0xb5: {  	_ =	sfence  }
0xb6: {  	s30 =	sld [smem:$0x0];
	_ =	sdelay $0x2  }
0xb7: {  	s31 =	sshll.u32 s1, $0xD;
	s1 =	sshrl.u32 s1, $0x2  }
0xb8: {  	s3 =	sand.u32 $0x4000, s31;
	s1 =	sadd.s32 s1, s30  }
0xb9: {  	s0 =	sor.u32 s3, s0;
	s1 =	sshll.u32 s1, $0x11  }
0xba: {  	s0 =	sor.u32 s1, s0  }
0xbb: {  	s0 =	sadd.s32 $0x8F2B, s0  }
0xbc: {  	[sflag:s0] =	ssyncadd.remote.s32 $0x1  }
0xbd: {  	_ =	sfence.sel $0xFFFF  }
0xbe: {  	[dreg:$0x0] =	wrdreg $0xFFFFFFFF;
	(pc) =	sbr.abs _section_cstart, $3  }
0xbf: {  	[dreg:$0x1] =	wrdreg $0xFFFFFFFF  }
0xc0: {  	_ =	task.clear_ibuf [dreg:s6], $0x2FFFF;
	_ =	strace $0x9FFFFFFF  }
0xc1: {  	(tm) =	ssettm $0x7FFFFFFF  }
tec
execute0_lowered:
.L_overlay_start_1:
0x0: {  	(tag) =	ssettag $0x1  }
0x1: {  	s4 =	rddreg [dreg:$0x0]  }
0x2: {  	s0 =	rddreg [dreg:$0x1]  }
0x3: {  	s3 =	srdreg.scid;
	s1 =	stileid.u32;
	s2 =	simm.s32 $0x0  }
0x4: {  	s9 =	simm.s32 $0x3;
	s10 =	simm.s32 $0xE80;
	s11 =	simm.s32 $0x8E80  }
0x5: {  	s12 =	simm.s32 $0x1;
	s13 =	simm.s32 $0x2;
	s14 =	simm.s32 $0x0  }
0x6: {  	s3 =	sand.u32 $0x1, s3;
	s5 =	sshll.u32 s1, $0x1;
	[smem:$0x7FF] =	sst s2  }
0x7: {  	s5 =	sor.u32 s3, s5;
	_ =	strace $0x80000047;
	s7 =	ssub.s32 $0x2, s3  }
0x8: {  	s3 =	sadd.s32 $0xA00, s4;
	s6 =	sshll.u32 s5, $0x4;
	s5 =	sshll.u32 s5, $0xD  }
0x9: {  	s31 =	sshrl.u32 s7, $0x1;
	s6 =	sadd.s32 s6, s4;
	s8 =	sadd.s32 s5, s4  }
0xa: {  	s7 =	ssub.s32 s7, s31;
	s4 =	sadd.s32 $0x800, s6;
	s5 =	sadd.s32 $0xC00, s8  }
0xb: {  	s6 =	sadd.s32 $0x1C00, s8;
	s7 =	smax.u32 s7, $0x1;
	s8 =	simm.s32 $0x80  }
.LBB2_1:
0xc: {  	[tilespmem:s8], [sflag:$0x3] =	stream.linear.gather [hbm4b:s3+s2], $0xE00, $0x38;
	[tilespmem:$0x10E80] =	vst v63  }
0xd: {  	_ =	swait.ge [sflag:s9], $0xE00  }
0xe: {  	[sflag:s9] =	ssyncset.done $0x0  }
0xf: {  	[sflag:s9] =	ssyncadd.s32 $0xFFFFF200  }
0x10: {  	[tilespmem:s2], [sflag:$0x3] =	stream.linear.gather [hbm4b:s4+s2], $0x80, $0x38;
	[tilespmem:$0x10E80] =	vst v63  }
0x11: {  	_ =	swait.ge [sflag:s9], $0x80  }
0x12: {  	[sflag:s9] =	ssyncset.done $0x0  }
0x13: {  	[sflag:s9] =	ssyncadd.s32 $0xFFFFFF80  }
0x14: {  	v0 =	vld [tilespmem:$0x0];
	_ =	sdelay $0x4  }
0x15: {  	v0 =	vshll.u32 v0, $0x9  }
0x16: {  	(v2sf) =	vpush v0, $0x0  }
0x17: {  	(v2sf) =	vpush v0, $0x1  }
0x18: {  	(v2sf) =	vpush v0, $0x2  }
0x19: {  	(v2sf) =	vpush v0, $0x3  }
0x1a: {  	(v2sf) =	vpush v0, $0x4  }
0x1b: {  	(v2sf) =	vpush v0, $0x5  }
0x1c: {  	(v2sf) =	vpush v0, $0x6  }
0x1d: {  	(v2sf) =	vpush v0, $0x7  }
0x1e: {  	(v2sf) =	vpush v0, $0x8  }
0x1f: {  	(v2sf) =	vpush v0, $0x9  }
0x20: {  	v1 =	vld [tilespmem:$0x10];
	(v2sf) =	vpush v0, $0xA  }
0x21: {  	(v2sf) =	vpush v0, $0xB  }
0x22: {  	(v2sf) =	vpush v0, $0xC  }
0x23: {  	(v2sf) =	vpush v0, $0xD  }
0x24: {  	(v2sf) =	vpush v0, $0xE  }
0x25: {  	s15 =	spop (v2sf);
	(v2sf) =	vpush v0, $0xF;
	v0 =	vshll.u32 v1, $0x9  }
0x26: {  	[smem:$0x0] =	sst s15;
	s25 =	spop (v2sf);
	(v2sf) =	vpush v0, $0x0  }
0x27: {  	[smem:$0x1] =	sst s25;
	s26 =	spop (v2sf);
	(v2sf) =	vpush v0, $0x1  }
0x28: {  	[smem:$0x2] =	sst s26;
	s28 =	spop (v2sf);
	(v2sf) =	vpush v0, $0x2  }
0x29: {  	[smem:$0x3] =	sst s28;
	s29 =	spop (v2sf);
	(v2sf) =	vpush v0, $0x3  }
0x2a: {  	[smem:$0x4] =	sst s29;
	s30 =	spop (v2sf);
	(v2sf) =	vpush v0, $0x4  }
0x2b: {  	[smem:$0x5] =	sst s30;
	s31 =	spop (v2sf);
	(v2sf) =	vpush v0, $0x5  }
0x2c: {  	[smem:$0x6] =	sst s31;
	s16 =	spop (v2sf);
	(v2sf) =	vpush v0, $0x6  }
0x2d: {  	[smem:$0x7] =	sst s16;
	s17 =	spop (v2sf);
	(v2sf) =	vpush v0, $0x7  }
0x2e: {  	[smem:$0x8] =	sst s17;
	s18 =	spop (v2sf);
	(v2sf) =	vpush v0, $0x8  }
0x2f: {  	[smem:$0x9] =	sst s18;
	s19 =	spop (v2sf);
	(v2sf) =	vpush v0, $0x9  }
0x30: {  	v1 =	vld [tilespmem:$0x20];
	[smem:$0xA] =	sst s19;
	s20 =	spop (v2sf);
	(v2sf) =	vpush v0, $0xA  }
0x31: {  	[smem:$0xB] =	sst s20;
	s21 =	spop (v2sf);
	(v2sf) =	vpush v0, $0xB  }
0x32: {  	[smem:$0xC] =	sst s21;
	s22 =	spop (v2sf);
	(v2sf) =	vpush v0, $0xC  }
0x33: {  	[smem:$0xD] =	sst s22;
	s23 =	spop (v2sf);
	(v2sf) =	vpush v0, $0xD  }
0x34: {  	[smem:$0xE] =	sst s23;
	s24 =	spop (v2sf);
	(v2sf) =	vpush v0, $0xE  }
0x35: {  	[smem:$0xF] =	sst s24;
	s25 =	spop (v2sf);
	(v2sf) =	vpush v0, $0xF;
	v0 =	vshll.u32 v1, $0x9  }
0x36: {  	[smem:$0x10] =	sst s25;
	s26 =	spop (v2sf);
	(v2sf) =	vpush v0, $0x0  }
0x37: {  	[smem:$0x11] =	sst s26;
	s28 =	spop (v2sf);
	(v2sf) =	vpush v0, $0x1  }
0x38: {  	[smem:$0x12] =	sst s28;
	s29 =	spop (v2sf);
	(v2sf) =	vpush v0, $0x2  }
0x39: {  	[smem:$0x13] =	sst s29;
	s30 =	spop (v2sf);
	(v2sf) =	vpush v0, $0x3  }
0x3a: {  	[smem:$0x14] =	sst s30;
	s31 =	spop (v2sf);
	(v2sf) =	vpush v0, $0x4  }
0x3b: {  	[smem:$0x15] =	sst s31;
	s16 =	spop (v2sf);
	(v2sf) =	vpush v0, $0x5  }
0x3c: {  	[smem:$0x16] =	sst s16;
	s17 =	spop (v2sf);
	(v2sf) =	vpush v0, $0x6  }
0x3d: {  	[smem:$0x17] =	sst s17;
	s18 =	spop (v2sf);
	(v2sf) =	vpush v0, $0x7  }
0x3e: {  	[smem:$0x18] =	sst s18;
	s19 =	spop (v2sf);
	(v2sf) =	vpush v0, $0x8  }
0x3f: {  	[smem:$0x19] =	sst s19;
	s20 =	spop (v2sf);
	(v2sf) =	vpush v0, $0x9  }
0x40: {  	v1 =	vld [tilespmem:$0x30];
	[smem:$0x1A] =	sst s20;
	s21 =	spop (v2sf);
	(v2sf) =	vpush v0, $0xA  }
0x41: {  	[smem:$0x1B] =	sst s21;
	s22 =	spop (v2sf);
	(v2sf) =	vpush v0, $0xB  }
0x42: {  	[smem:$0x1C] =	sst s22;
	s23 =	spop (v2sf);
	(v2sf) =	vpush v0, $0xC  }
0x43: {  	[smem:$0x1D] =	sst s23;
	s24 =	spop (v2sf);
	(v2sf) =	vpush v0, $0xD  }
0x44: {  	[smem:$0x1E] =	sst s24;
	s25 =	spop (v2sf);
	(v2sf) =	vpush v0, $0xE  }
0x45: {  	[smem:$0x1F] =	sst s25;
	s26 =	spop (v2sf);
	(v2sf) =	vpush v0, $0xF;
	v0 =	vshll.u32 v1, $0x9  }
0x46: {  	[smem:$0x20] =	sst s26;
	s28 =	spop (v2sf);
	(v2sf) =	vpush v0, $0x0  }
0x47: {  	[smem:$0x21] =	sst s28;
	s29 =	spop (v2sf);
	(v2sf) =	vpush v0, $0x1  }
0x48: {  	[smem:$0x22] =	sst s29;
	s30 =	spop (v2sf);
	(v2sf) =	vpush v0, $0x2  }
0x49: {  	[smem:$0x23] =	sst s30;
	s31 =	spop (v2sf);
	(v2sf) =	vpush v0, $0x3  }
0x4a: {  	[smem:$0x24] =	sst s31;
	s16 =	spop (v2sf);
	(v2sf) =	vpush v0, $0x4  }
0x4b: {  	[smem:$0x25] =	sst s16;
	s17 =	spop (v2sf);
	(v2sf) =	vpush v0, $0x5  }
0x4c: {  	[smem:$0x26] =	sst s17;
	s18 =	spop (v2sf);
	(v2sf) =	vpush v0, $0x6  }
0x4d: {  	[smem:$0x27] =	sst s18;
	s19 =	spop (v2sf);
	(v2sf) =	vpush v0, $0x7  }
0x4e: {  	[smem:$0x28] =	sst s19;
	s20 =	spop (v2sf);
	(v2sf) =	vpush v0, $0x8  }
0x4f: {  	[smem:$0x29] =	sst s20;
	s21 =	spop (v2sf);
	(v2sf) =	vpush v0, $0x9  }
0x50: {  	v1 =	vld [tilespmem:$0x40];
	[smem:$0x2A] =	sst s21;
	s22 =	spop (v2sf);
	(v2sf) =	vpush v0, $0xA  }
0x51: {  	[smem:$0x2B] =	sst s22;
	s23 =	spop (v2sf);
	(v2sf) =	vpush v0, $0xB  }
0x52: {  	[smem:$0x2C] =	sst s23;
	s24 =	spop (v2sf);
	(v2sf) =	vpush v0, $0xC  }
0x53: {  	[smem:$0x2D] =	sst s24;
	s25 =	spop (v2sf);
	(v2sf) =	vpush v0, $0xD  }
0x54: {  	[smem:$0x2E] =	sst s25;
	s26 =	spop (v2sf);
	(v2sf) =	vpush v0, $0xE  }
0x55: {  	[smem:$0x2F] =	sst s26;
	s28 =	spop (v2sf);
	(v2sf) =	vpush v0, $0xF;
	v0 =	vshll.u32 v1, $0x9  }
0x56: {  	[smem:$0x30] =	sst s28;
	s29 =	spop (v2sf);
	(v2sf) =	vpush v0, $0x0  }
0x57: {  	[smem:$0x31] =	sst s29;
	s30 =	spop (v2sf);
	(v2sf) =	vpush v0, $0x1  }
0x58: {  	[smem:$0x32] =	sst s30;
	s31 =	spop (v2sf);
	(v2sf) =	vpush v0, $0x2  }
0x59: {  	[smem:$0x33] =	sst s31;
	s16 =	spop (v2sf);
	(v2sf) =	vpush v0, $0x3  }
0x5a: {  	[smem:$0x34] =	sst s16;
	s17 =	spop (v2sf);
	(v2sf) =	vpush v0, $0x4  }
0x5b: {  	[smem:$0x35] =	sst s17;
	s18 =	spop (v2sf);
	(v2sf) =	vpush v0, $0x5  }
0x5c: {  	[smem:$0x36] =	sst s18;
	s19 =	spop (v2sf);
	(v2sf) =	vpush v0, $0x6  }
0x5d: {  	[smem:$0x37] =	sst s19;
	s20 =	spop (v2sf);
	(v2sf) =	vpush v0, $0x7  }
0x5e: {  	[smem:$0x38] =	sst s20;
	s21 =	spop (v2sf);
	(v2sf) =	vpush v0, $0x8  }
0x5f: {  	[smem:$0x39] =	sst s21;
	s22 =	spop (v2sf);
	(v2sf) =	vpush v0, $0x9  }
0x60: {  	v1 =	vld [tilespmem:$0x50];
	[smem:$0x3A] =	sst s22;
	s23 =	spop (v2sf);
	(v2sf) =	vpush v0, $0xA  }
0x61: {  	[smem:$0x3B] =	sst s23;
	s24 =	spop (v2sf);
	(v2sf) =	vpush v0, $0xB  }
0x62: {  	[smem:$0x3C] =	sst s24;
	s25 =	spop (v2sf);
	(v2sf) =	vpush v0, $0xC  }
0x63: {  	[smem:$0x3D] =	sst s25;
	s26 =	spop (v2sf);
	(v2sf) =	vpush v0, $0xD  }
0x64: {  	[smem:$0x3E] =	sst s26;
	s28 =	spop (v2sf);
	(v2sf) =	vpush v0, $0xE  }
0x65: {  	[smem:$0x3F] =	sst s28;
	s29 =	spop (v2sf);
	(v2sf) =	vpush v0, $0xF;
	v0 =	vshll.u32 v1, $0x9  }
0x66: {  	[smem:$0x40] =	sst s29;
	s30 =	spop (v2sf);
	(v2sf) =	vpush v0, $0x0  }
0x67: {  	[smem:$0x41] =	sst s30;
	s31 =	spop (v2sf);
	(v2sf) =	vpush v0, $0x1  }
0x68: {  	[smem:$0x42] =	sst s31;
	s16 =	spop (v2sf);
	(v2sf) =	vpush v0, $0x2  }
0x69: {  	[smem:$0x43] =	sst s16;
	s17 =	spop (v2sf);
	(v2sf) =	vpush v0, $0x3  }
0x6a: {  	[smem:$0x44] =	sst s17;
	s18 =	spop (v2sf);
	(v2sf) =	vpush v0, $0x4  }
0x6b: {  	[smem:$0x45] =	sst s18;
	s19 =	spop (v2sf);
	(v2sf) =	vpush v0, $0x5  }
0x6c: {  	[smem:$0x46] =	sst s19;
	s20 =	spop (v2sf);
	(v2sf) =	vpush v0, $0x6  }
0x6d: {  	[smem:$0x47] =	sst s20;
	s21 =	spop (v2sf);
	(v2sf) =	vpush v0, $0x7  }
0x6e: {  	[smem:$0x48] =	sst s21;
	s22 =	spop (v2sf);
	(v2sf) =	vpush v0, $0x8  }
0x6f: {  	[smem:$0x49] =	sst s22;
	s23 =	spop (v2sf);
	(v2sf) =	vpush v0, $0x9  }
0x70: {  	v1 =	vld [tilespmem:$0x60];
	[smem:$0x4A] =	sst s23;
	s24 =	spop (v2sf);
	(v2sf) =	vpush v0, $0xA  }
0x71: {  	[smem:$0x4B] =	sst s24;
	s25 =	spop (v2sf);
	(v2sf) =	vpush v0, $0xB  }
0x72: {  	[smem:$0x4C] =	sst s25;
	s26 =	spop (v2sf);
	(v2sf) =	vpush v0, $0xC  }
0x73: {  	[smem:$0x4D] =	sst s26;
	s28 =	spop (v2sf);
	(v2sf) =	vpush v0, $0xD  }
0x74: {  	[smem:$0x4E] =	sst s28;
	s29 =	spop (v2sf);
	(v2sf) =	vpush v0, $0xE  }
0x75: {  	[smem:$0x4F] =	sst s29;
	s30 =	spop (v2sf);
	(v2sf) =	vpush v0, $0xF;
	v0 =	vshll.u32 v1, $0x9  }
0x76: {  	[smem:$0x50] =	sst s30;
	s31 =	spop (v2sf);
	(v2sf) =	vpush v0, $0x0  }
0x77: {  	[smem:$0x51] =	sst s31;
	s16 =	spop (v2sf);
	(v2sf) =	vpush v0, $0x1  }
0x78: {  	[smem:$0x52] =	sst s16;
	s17 =	spop (v2sf);
	(v2sf) =	vpush v0, $0x2  }
0x79: {  	[smem:$0x53] =	sst s17;
	s18 =	spop (v2sf);
	(v2sf) =	vpush v0, $0x3  }
0x7a: {  	[smem:$0x54] =	sst s18;
	s19 =	spop (v2sf);
	(v2sf) =	vpush v0, $0x4  }
0x7b: {  	[smem:$0x55] =	sst s19;
	s20 =	spop (v2sf)  }
0x7c: {  	[smem:$0x56] =	sst s20;
	s21 =	spop (v2sf)  }
0x7d: {  	[smem:$0x57] =	sst s21;
	s22 =	spop (v2sf)  }
0x7e: {  	[smem:$0x58] =	sst s22;
	s23 =	spop (v2sf)  }
0x7f: {  	[smem:$0x59] =	sst s23;
	s24 =	spop (v2sf)  }
0x80: {  	[smem:$0x5A] =	sst s24;
	s25 =	spop (v2sf)  }
0x81: {  	[smem:$0x5B] =	sst s25;
	s26 =	spop (v2sf)  }
0x82: {  	[smem:$0x5C] =	sst s26;
	s28 =	spop (v2sf)  }
0x83: {  	[smem:$0x5D] =	sst s28;
	s29 =	spop (v2sf)  }
0x84: {  	[smem:$0x5E] =	sst s29;
	s30 =	spop (v2sf)  }
0x85: {  	[smem:$0x5F] =	sst s30;
	s31 =	spop (v2sf)  }
0x86: {  	[smem:$0x60] =	sst s31;
	s16 =	spop (v2sf)  }
0x87: {  	[smem:$0x61] =	sst s16;
	s17 =	spop (v2sf)  }
0x88: {  	[smem:$0x62] =	sst s17;
	s18 =	spop (v2sf)  }
0x89: {  	[smem:$0x63] =	sst s18;
	s19 =	spop (v2sf)  }
0x8a: {  	[smem:$0x64] =	sst s19  }
0x8b: {  	(v2sf) =	vpush v0, $0x5  }
0x8c: {  	(v2sf) =	vpush v0, $0x6  }
0x8d: {  	(v2sf) =	vpush v0, $0x7  }
0x8e: {  	(v2sf) =	vpush v0, $0x8  }
0x8f: {  	(v2sf) =	vpush v0, $0x9  }
0x90: {  	v1 =	vld [tilespmem:$0x70];
	(v2sf) =	vpush v0, $0xA  }
0x91: {  	(v2sf) =	vpush v0, $0xB  }
0x92: {  	(v2sf) =	vpush v0, $0xC  }
0x93: {  	(v2sf) =	vpush v0, $0xD  }
0x94: {  	(v2sf) =	vpush v0, $0xE  }
0x95: {  	(v2sf) =	vpush v0, $0xF;
	v0 =	vshll.u32 v1, $0x9  }
0x96: {  	(v2sf) =	vpush v0, $0x0  }
0x97: {  	(v2sf) =	vpush v0, $0x1  }
0x98: {  	(v2sf) =	vpush v0, $0x2  }
0x99: {  	(v2sf) =	vpush v0, $0x3  }
0x9a: {  	s15 =	spop (v2sf);
	(v2sf) =	vpush v0, $0x4  }
0x9b: {  	[smem:$0x65] =	sst s15;
	s20 =	spop (v2sf);
	(v2sf) =	vpush v0, $0x5  }
0x9c: {  	[smem:$0x66] =	sst s20;
	s21 =	spop (v2sf);
	(v2sf) =	vpush v0, $0x6  }
0x9d: {  	[smem:$0x67] =	sst s21;
	s22 =	spop (v2sf);
	(v2sf) =	vpush v0, $0x7  }
0x9e: {  	[smem:$0x68] =	sst s22;
	s23 =	spop (v2sf);
	(v2sf) =	vpush v0, $0x8  }
0x9f: {  	[smem:$0x69] =	sst s23;
	s24 =	spop (v2sf);
	(v2sf) =	vpush v0, $0x9  }
0xa0: {  	[smem:$0x6A] =	sst s24;
	s25 =	spop (v2sf);
	(v2sf) =	vpush v0, $0xA  }
0xa1: {  	[smem:$0x6B] =	sst s25;
	s26 =	spop (v2sf);
	(v2sf) =	vpush v0, $0xB  }
0xa2: {  	[smem:$0x6C] =	sst s26;
	s28 =	spop (v2sf);
	(v2sf) =	vpush v0, $0xC  }
0xa3: {  	[smem:$0x6D] =	sst s28;
	s29 =	spop (v2sf);
	(v2sf) =	vpush v0, $0xD  }
0xa4: {  	[smem:$0x6E] =	sst s29;
	s30 =	spop (v2sf);
	(v2sf) =	vpush v0, $0xE  }
0xa5: {  	[smem:$0x6F] =	sst s30;
	s31 =	spop (v2sf);
	(v2sf) =	vpush v0, $0xF  }
0xa6: {  	s16 =	spop (v2sf);
	[smem:$0x70] =	sst s31  }
0xa7: {  	s17 =	spop (v2sf);
	[smem:$0x71] =	sst s16  }
0xa8: {  	s18 =	spop (v2sf);
	[smem:$0x72] =	sst s17  }
0xa9: {  	s19 =	spop (v2sf);
	[smem:$0x73] =	sst s18  }
0xaa: {  	s20 =	spop (v2sf);
	[smem:$0x74] =	sst s19  }
0xab: {  	s21 =	spop (v2sf);
	[smem:$0x75] =	sst s20  }
0xac: {  	s22 =	spop (v2sf);
	[smem:$0x76] =	sst s21  }
0xad: {  	s23 =	spop (v2sf);
	[smem:$0x77] =	sst s22  }
0xae: {  	s24 =	spop (v2sf);
	[smem:$0x78] =	sst s23  }
0xaf: {  	s25 =	spop (v2sf);
	[smem:$0x79] =	sst s24  }
0xb0: {  	s26 =	spop (v2sf);
	[smem:$0x7A] =	sst s25  }
0xb1: {  	s28 =	spop (v2sf);
	[smem:$0x7B] =	sst s26  }
0xb2: {  	s29 =	spop (v2sf);
	[smem:$0x7C] =	sst s28  }
0xb3: {  	s30 =	spop (v2sf);
	[smem:$0x7D] =	sst s29  }
0xb4: {  	[smem:$0x7E] =	sst s30;
	s31 =	spop (v2sf)  }
0xb5: {  	[smem:$0x7F] =	sst s31  }
0xb6: {  	s24 =	sld [smem:$0x3]  }
0xb7: {  	s22 =	sld [smem:$0x1]  }
0xb8: {  	s16 =	sld [smem:$0x2]  }
0xb9: {  	s23 =	sld [smem:$0x0];
	v0 =	vld [tilespmem:s24+$0x80]  }
0xba: {  	v1 =	vld [tilespmem:s22+$0x80]  }
0xbb: {  	v2 =	vld [tilespmem:s16+$0x80];
	_ =	sdelay $0x1  }
0xbc: {  	s15 =	simm.s32 $0x1280  }
0xbd: {  	v3 =	vld [tilespmem:s23+$0x80];
	[tilespmem:s15+$0x200] =	vst v0  }
0xbe: {  	[tilespmem:s15+$0xFFFFFE00] =	vst v1;
	v0 =	vld [tilespmem:s24+$0x90]  }
0xbf: {  	v1 =	vld [tilespmem:s22+$0x90];
	[tilespmem:s15+$0x0] =	vst v2  }
0xc0: {  	v2 =	vld [tilespmem:s16+$0x90];
	_ =	sdelay $0x1  }
0xc1: {  	[tilespmem:s15+$0xFFFFFC00] =	vst v3  }
0xc2: {  	v3 =	vld [tilespmem:s23+$0x90];
	[tilespmem:s15+$0x210] =	vst v0  }
0xc3: {  	[tilespmem:s15+$0xFFFFFE10] =	vst v1;
	v0 =	vld [tilespmem:s24+$0xA0]  }
0xc4: {  	v1 =	vld [tilespmem:s22+$0xA0];
	[tilespmem:s15+$0x10] =	vst v2  }
0xc5: {  	v2 =	vld [tilespmem:s16+$0xA0];
	_ =	sdelay $0x1  }
0xc6: {  	[tilespmem:s15+$0xFFFFFC10] =	vst v3  }
0xc7: {  	v3 =	vld [tilespmem:s23+$0xA0];
	[tilespmem:s15+$0x220] =	vst v0  }
0xc8: {  	[tilespmem:s15+$0xFFFFFE20] =	vst v1;
	v0 =	vld [tilespmem:s24+$0xB0]  }
0xc9: {  	v1 =	vld [tilespmem:s22+$0xB0];
	[tilespmem:s15+$0x20] =	vst v2  }
0xca: {  	v2 =	vld [tilespmem:s16+$0xB0];
	_ =	sdelay $0x1  }
0xcb: {  	[tilespmem:s15+$0xFFFFFC20] =	vst v3  }
0xcc: {  	v3 =	vld [tilespmem:s23+$0xB0];
	[tilespmem:s15+$0x230] =	vst v0  }
0xcd: {  	[tilespmem:s15+$0xFFFFFE30] =	vst v1;
	v0 =	vld [tilespmem:s24+$0xC0]  }
0xce: {  	v1 =	vld [tilespmem:s22+$0xC0];
	[tilespmem:s15+$0x30] =	vst v2  }
0xcf: {  	v2 =	vld [tilespmem:s16+$0xC0];
	_ =	sdelay $0x1  }
0xd0: {  	[tilespmem:s15+$0xFFFFFC30] =	vst v3  }
0xd1: {  	v3 =	vld [tilespmem:s23+$0xC0];
	[tilespmem:s15+$0x240] =	vst v0  }
0xd2: {  	[tilespmem:s15+$0xFFFFFE40] =	vst v1;
	v0 =	vld [tilespmem:s24+$0xD0]  }
0xd3: {  	v1 =	vld [tilespmem:s22+$0xD0];
	[tilespmem:s15+$0x40] =	vst v2  }
0xd4: {  	v2 =	vld [tilespmem:s16+$0xD0];
	_ =	sdelay $0x1  }
0xd5: {  	[tilespmem:s15+$0xFFFFFC40] =	vst v3  }
0xd6: {  	v3 =	vld [tilespmem:s23+$0xD0];
	[tilespmem:s15+$0x250] =	vst v0  }
0xd7: {  	[tilespmem:s15+$0xFFFFFE50] =	vst v1;
	v0 =	vld [tilespmem:s24+$0xE0]  }
0xd8: {  	v1 =	vld [tilespmem:s22+$0xE0];
	[tilespmem:s15+$0x50] =	vst v2  }
0xd9: {  	v2 =	vld [tilespmem:s16+$0xE0];
	_ =	sdelay $0x1  }
0xda: {  	[tilespmem:s15+$0xFFFFFC50] =	vst v3  }
0xdb: {  	v3 =	vld [tilespmem:s23+$0xE0];
	[tilespmem:s15+$0x260] =	vst v0  }
0xdc: {  	[tilespmem:s15+$0xFFFFFE60] =	vst v1;
	v0 =	vld [tilespmem:s24+$0xF0]  }
0xdd: {  	v1 =	vld [tilespmem:s22+$0xF0];
	[tilespmem:s15+$0x60] =	vst v2  }
0xde: {  	v2 =	vld [tilespmem:s16+$0xF0];
	_ =	sdelay $0x1  }
0xdf: {  	[tilespmem:s15+$0xFFFFFC60] =	vst v3  }
0xe0: {  	v3 =	vld [tilespmem:s23+$0xF0];
	[tilespmem:s15+$0x270] =	vst v0  }
0xe1: {  	[tilespmem:s15+$0xFFFFFE70] =	vst v1;
	v0 =	vld [tilespmem:s24+$0x100]  }
0xe2: {  	v1 =	vld [tilespmem:s22+$0x100];
	[tilespmem:s15+$0x70] =	vst v2  }
0xe3: {  	v2 =	vld [tilespmem:s16+$0x100];
	_ =	sdelay $0x1  }
0xe4: {  	[tilespmem:s15+$0xFFFFFC70] =	vst v3  }
0xe5: {  	v3 =	vld [tilespmem:s23+$0x100];
	[tilespmem:s15+$0x280] =	vst v0  }
0xe6: {  	[tilespmem:s15+$0xFFFFFE80] =	vst v1;
	v0 =	vld [tilespmem:s24+$0x110]  }
0xe7: {  	v1 =	vld [tilespmem:s22+$0x110];
	[tilespmem:s15+$0x80] =	vst v2  }
0xe8: {  	v2 =	vld [tilespmem:s16+$0x110];
	_ =	sdelay $0x1  }
0xe9: {  	[tilespmem:s15+$0xFFFFFC80] =	vst v3  }
0xea: {  	v3 =	vld [tilespmem:s23+$0x110];
	[tilespmem:s15+$0x290] =	vst v0  }
0xeb: {  	[tilespmem:s15+$0xFFFFFE90] =	vst v1;
	v0 =	vld [tilespmem:s24+$0x120]  }
0xec: {  	v1 =	vld [tilespmem:s22+$0x120];
	[tilespmem:s15+$0x90] =	vst v2  }
0xed: {  	v2 =	vld [tilespmem:s16+$0x120];
	_ =	sdelay $0x1  }
0xee: {  	[tilespmem:s15+$0xFFFFFC90] =	vst v3  }
0xef: {  	v3 =	vld [tilespmem:s23+$0x120];
	[tilespmem:s15+$0x2A0] =	vst v0  }
0xf0: {  	[tilespmem:s15+$0xFFFFFEA0] =	vst v1;
	v0 =	vld [tilespmem:s24+$0x130]  }
0xf1: {  	v1 =	vld [tilespmem:s22+$0x130];
	[tilespmem:s15+$0xA0] =	vst v2  }
0xf2: {  	v2 =	vld [tilespmem:s16+$0x130];
	_ =	sdelay $0x1  }
0xf3: {  	[tilespmem:s15+$0xFFFFFCA0] =	vst v3  }
0xf4: {  	v3 =	vld [tilespmem:s23+$0x130];
	[tilespmem:s15+$0x2B0] =	vst v0  }
0xf5: {  	[tilespmem:s15+$0xFFFFFEB0] =	vst v1;
	v0 =	vld [tilespmem:s24+$0x140]  }
0xf6: {  	v1 =	vld [tilespmem:s22+$0x140];
	[tilespmem:s15+$0xB0] =	vst v2  }
0xf7: {  	v2 =	vld [tilespmem:s16+$0x140];
	_ =	sdelay $0x1  }
0xf8: {  	[tilespmem:s15+$0xFFFFFCB0] =	vst v3  }
0xf9: {  	v3 =	vld [tilespmem:s23+$0x140];
	[tilespmem:s15+$0x2C0] =	vst v0  }
0xfa: {  	[tilespmem:s15+$0xFFFFFEC0] =	vst v1;
	v0 =	vld [tilespmem:s24+$0x150]  }
0xfb: {  	v1 =	vld [tilespmem:s22+$0x150];
	[tilespmem:s15+$0xC0] =	vst v2  }
0xfc: {  	v2 =	vld [tilespmem:s16+$0x150];
	_ =	sdelay $0x1  }
0xfd: {  	[tilespmem:s15+$0xFFFFFCC0] =	vst v3  }
0xfe: {  	v3 =	vld [tilespmem:s23+$0x150];
	[tilespmem:s15+$0x2D0] =	vst v0  }
0xff: {  	[tilespmem:s15+$0xFFFFFED0] =	vst v1;
	v0 =	vld [tilespmem:s24+$0x160]  }
0x100: {  	v1 =	vld [tilespmem:s22+$0x160];
	[tilespmem:s15+$0xD0] =	vst v2  }
0x101: {  	v2 =	vld [tilespmem:s16+$0x160];
	_ =	sdelay $0x1  }
0x102: {  	[tilespmem:s15+$0xFFFFFCD0] =	vst v3  }
0x103: {  	v3 =	vld [tilespmem:s23+$0x160];
	[tilespmem:s15+$0x2E0] =	vst v0  }
0x104: {  	[tilespmem:s15+$0xFFFFFEE0] =	vst v1;
	v0 =	vld [tilespmem:s24+$0x170]  }
0x105: {  	v1 =	vld [tilespmem:s22+$0x170];
	[tilespmem:s15+$0xE0] =	vst v2  }
0x106: {  	v2 =	vld [tilespmem:s16+$0x170];
	_ =	sdelay $0x1  }
0x107: {  	[tilespmem:s15+$0xFFFFFCE0] =	vst v3  }
0x108: {  	v3 =	vld [tilespmem:s23+$0x170];
	[tilespmem:s15+$0x2F0] =	vst v0  }
0x109: {  	[tilespmem:s15+$0xFFFFFEF0] =	vst v1;
	v0 =	vld [tilespmem:s24+$0x180]  }
0x10a: {  	v1 =	vld [tilespmem:s22+$0x180];
	[tilespmem:s15+$0xF0] =	vst v2  }
0x10b: {  	v2 =	vld [tilespmem:s16+$0x180];
	_ =	sdelay $0x1  }
0x10c: {  	[tilespmem:s15+$0xFFFFFCF0] =	vst v3  }
0x10d: {  	v3 =	vld [tilespmem:s23+$0x180];
	[tilespmem:s15+$0x300] =	vst v0  }
0x10e: {  	[tilespmem:s15+$0xFFFFFF00] =	vst v1;
	v0 =	vld [tilespmem:s24+$0x190]  }
0x10f: {  	v1 =	vld [tilespmem:s22+$0x190];
	[tilespmem:s15+$0x100] =	vst v2  }
0x110: {  	v2 =	vld [tilespmem:s16+$0x190];
	_ =	sdelay $0x1  }
0x111: {  	[tilespmem:s15+$0xFFFFFD00] =	vst v3  }
0x112: {  	v3 =	vld [tilespmem:s23+$0x190];
	[tilespmem:s15+$0x310] =	vst v0  }
0x113: {  	[tilespmem:s15+$0xFFFFFF10] =	vst v1;
	v0 =	vld [tilespmem:s24+$0x1A0]  }
0x114: {  	v1 =	vld [tilespmem:s22+$0x1A0];
	[tilespmem:s15+$0x110] =	vst v2  }
0x115: {  	v2 =	vld [tilespmem:s16+$0x1A0];
	_ =	sdelay $0x1  }
0x116: {  	[tilespmem:s15+$0xFFFFFD10] =	vst v3  }
0x117: {  	v3 =	vld [tilespmem:s23+$0x1A0];
	[tilespmem:s15+$0x320] =	vst v0  }
0x118: {  	[tilespmem:s15+$0xFFFFFF20] =	vst v1;
	v0 =	vld [tilespmem:s24+$0x1B0]  }
0x119: {  	v1 =	vld [tilespmem:s22+$0x1B0];
	[tilespmem:s15+$0x120] =	vst v2  }
0x11a: {  	v2 =	vld [tilespmem:s16+$0x1B0];
	_ =	sdelay $0x1  }
0x11b: {  	[tilespmem:s15+$0xFFFFFD20] =	vst v3  }
0x11c: {  	v3 =	vld [tilespmem:s23+$0x1B0];
	[tilespmem:s15+$0x330] =	vst v0  }
0x11d: {  	[tilespmem:s15+$0xFFFFFF30] =	vst v1;
	v0 =	vld [tilespmem:s24+$0x1C0]  }
0x11e: {  	v1 =	vld [tilespmem:s22+$0x1C0];
	[tilespmem:s15+$0x130] =	vst v2  }
0x11f: {  	v2 =	vld [tilespmem:s16+$0x1C0];
	_ =	sdelay $0x1  }
0x120: {  	[tilespmem:s15+$0xFFFFFD30] =	vst v3  }
0x121: {  	v3 =	vld [tilespmem:s23+$0x1C0];
	s18 =	sld [smem:$0x7];
	[tilespmem:s15+$0x340] =	vst v0  }
0x122: {  	s17 =	sld [smem:$0x5];
	[tilespmem:s15+$0xFFFFFF40] =	vst v1;
	v0 =	vld [tilespmem:s24+$0x1D0]  }
0x123: {  	s20 =	sld [smem:$0x6];
	v1 =	vld [tilespmem:s22+$0x1D0];
	[tilespmem:s15+$0x140] =	vst v2  }
0x124: {  	s19 =	sld [smem:$0x4];
	v2 =	vld [tilespmem:s18+$0x80]  }
0x125: {  	v4 =	vld [tilespmem:s17+$0x80]  }
0x126: {  	[tilespmem:s15+$0xFFFFFD40] =	vst v3;
	v3 =	vld [tilespmem:s20+$0x80]  }
0x127: {  	v5 =	vld [tilespmem:s19+$0x80];
	[tilespmem:s15+$0x350] =	vst v0  }
0x128: {  	s21 =	simm.s32 $0x1A80;
	[tilespmem:s15+$0xFFFFFF50] =	vst v1;
	v0 =	vld [tilespmem:s24+$0x1E0]  }
0x129: {  	v1 =	vld [tilespmem:s23+$0x1D0];
	[tilespmem:s21+$0x200] =	vst v2  }
0x12a: {  	[tilespmem:s21+$0xFFFFFE00] =	vst v4;
	v2 =	vld [tilespmem:s18+$0x90]  }
0x12b: {  	v4 =	vld [tilespmem:s17+$0x90];
	[tilespmem:s21+$0x0] =	vst v3  }
0x12c: {  	[tilespmem:s21+$0xFFFFFC00] =	vst v5;
	v3 =	vld [tilespmem:s20+$0x90]  }
0x12d: {  	v5 =	vld [tilespmem:s19+$0x90];
	[tilespmem:s15+$0x360] =	vst v0  }
0x12e: {  	[tilespmem:s15+$0xFFFFFD50] =	vst v1;
	v1 =	vld [tilespmem:s16+$0x1D0]  }
0x12f: {  	v0 =	vld [tilespmem:s24+$0x1F0];
	[tilespmem:s21+$0x210] =	vst v2  }
0x130: {  	[tilespmem:s21+$0xFFFFFE10] =	vst v4;
	v2 =	vld [tilespmem:s18+$0xA0]  }
0x131: {  	v4 =	vld [tilespmem:s17+$0xA0];
	[tilespmem:s21+$0x10] =	vst v3  }
0x132: {  	[tilespmem:s21+$0xFFFFFC10] =	vst v5;
	v3 =	vld [tilespmem:s20+$0xA0]  }
0x133: {  	[tilespmem:s15+$0x150] =	vst v1;
	v5 =	vld [tilespmem:s19+$0xA0]  }
0x134: {  	v1 =	vld [tilespmem:s23+$0x1E0];
	[tilespmem:s15+$0x370] =	vst v0  }
0x135: {  	v0 =	vld [tilespmem:s24+$0x200];
	[tilespmem:s21+$0x220] =	vst v2  }
0x136: {  	[tilespmem:s21+$0xFFFFFE20] =	vst v4;
	v2 =	vld [tilespmem:s18+$0xB0]  }
0x137: {  	v4 =	vld [tilespmem:s17+$0xB0];
	[tilespmem:s21+$0x20] =	vst v3  }
0x138: {  	[tilespmem:s21+$0xFFFFFC20] =	vst v5;
	v3 =	vld [tilespmem:s20+$0xB0]  }
0x139: {  	[tilespmem:s15+$0xFFFFFD60] =	vst v1;
	v5 =	vld [tilespmem:s19+$0xB0]  }
0x13a: {  	v1 =	vld [tilespmem:s22+$0x1E0];
	[tilespmem:s15+$0x380] =	vst v0  }
0x13b: {  	v0 =	vld [tilespmem:s24+$0x210];
	[tilespmem:s21+$0x230] =	vst v2  }
0x13c: {  	[tilespmem:s21+$0xFFFFFE30] =	vst v4;
	v2 =	vld [tilespmem:s18+$0xC0]  }
0x13d: {  	v4 =	vld [tilespmem:s17+$0xC0];
	[tilespmem:s21+$0x30] =	vst v3  }
0x13e: {  	[tilespmem:s21+$0xFFFFFC30] =	vst v5;
	v3 =	vld [tilespmem:s20+$0xC0]  }
0x13f: {  	[tilespmem:s15+$0xFFFFFF60] =	vst v1;
	v5 =	vld [tilespmem:s19+$0xC0]  }
0x140: {  	v1 =	vld [tilespmem:s16+$0x1E0];
	[tilespmem:s15+$0x390] =	vst v0  }
0x141: {  	v0 =	vld [tilespmem:s24+$0x220];
	[tilespmem:s21+$0x240] =	vst v2  }
0x142: {  	[tilespmem:s21+$0xFFFFFE40] =	vst v4;
	v2 =	vld [tilespmem:s18+$0xD0]  }
0x143: {  	v4 =	vld [tilespmem:s17+$0xD0];
	[tilespmem:s21+$0x40] =	vst v3  }
0x144: {  	[tilespmem:s21+$0xFFFFFC40] =	vst v5;
	v3 =	vld [tilespmem:s20+$0xD0]  }
0x145: {  	[tilespmem:s15+$0x160] =	vst v1;
	v5 =	vld [tilespmem:s19+$0xD0]  }
0x146: {  	v1 =	vld [tilespmem:s23+$0x1F0];
	[tilespmem:s15+$0x3A0] =	vst v0  }
0x147: {  	v0 =	vld [tilespmem:s24+$0x230];
	[tilespmem:s21+$0x250] =	vst v2  }
0x148: {  	[tilespmem:s21+$0xFFFFFE50] =	vst v4;
	v2 =	vld [tilespmem:s18+$0xE0]  }
0x149: {  	v4 =	vld [tilespmem:s17+$0xE0];
	[tilespmem:s21+$0x50] =	vst v3  }
0x14a: {  	[tilespmem:s21+$0xFFFFFC50] =	vst v5;
	v3 =	vld [tilespmem:s20+$0xE0]  }
0x14b: {  	[tilespmem:s15+$0xFFFFFD70] =	vst v1;
	v5 =	vld [tilespmem:s19+$0xE0]  }
0x14c: {  	v1 =	vld [tilespmem:s22+$0x1F0];
	[tilespmem:s15+$0x3B0] =	vst v0  }
0x14d: {  	v0 =	vld [tilespmem:s24+$0x240];
	[tilespmem:s21+$0x260] =	vst v2  }
0x14e: {  	[tilespmem:s21+$0xFFFFFE60] =	vst v4;
	v2 =	vld [tilespmem:s18+$0xF0]  }
0x14f: {  	v4 =	vld [tilespmem:s17+$0xF0];
	[tilespmem:s21+$0x60] =	vst v3  }
0x150: {  	[tilespmem:s21+$0xFFFFFC60] =	vst v5;
	v3 =	vld [tilespmem:s20+$0xF0]  }
0x151: {  	[tilespmem:s15+$0xFFFFFF70] =	vst v1;
	v5 =	vld [tilespmem:s19+$0xF0]  }
0x152: {  	v1 =	vld [tilespmem:s16+$0x1F0];
	[tilespmem:s15+$0x3C0] =	vst v0  }
0x153: {  	v0 =	vld [tilespmem:s24+$0x250];
	[tilespmem:s21+$0x270] =	vst v2  }
0x154: {  	[tilespmem:s21+$0xFFFFFE70] =	vst v4;
	v2 =	vld [tilespmem:s18+$0x100]  }
0x155: {  	v4 =	vld [tilespmem:s17+$0x100];
	[tilespmem:s21+$0x70] =	vst v3  }
0x156: {  	[tilespmem:s21+$0xFFFFFC70] =	vst v5;
	v3 =	vld [tilespmem:s20+$0x100]  }
0x157: {  	[tilespmem:s15+$0x170] =	vst v1;
	v5 =	vld [tilespmem:s19+$0x100]  }
0x158: {  	v1 =	vld [tilespmem:s23+$0x200];
	[tilespmem:s15+$0x3D0] =	vst v0  }
0x159: {  	v0 =	vld [tilespmem:s24+$0x260];
	[tilespmem:s21+$0x280] =	vst v2  }
0x15a: {  	[tilespmem:s21+$0xFFFFFE80] =	vst v4;
	v2 =	vld [tilespmem:s18+$0x110]  }
0x15b: {  	v4 =	vld [tilespmem:s17+$0x110];
	[tilespmem:s21+$0x80] =	vst v3  }
0x15c: {  	[tilespmem:s21+$0xFFFFFC80] =	vst v5;
	v3 =	vld [tilespmem:s20+$0x110]  }
0x15d: {  	[tilespmem:s15+$0xFFFFFD80] =	vst v1;
	v5 =	vld [tilespmem:s19+$0x110]  }
0x15e: {  	v1 =	vld [tilespmem:s22+$0x200];
	[tilespmem:s15+$0x3E0] =	vst v0  }
0x15f: {  	v0 =	vld [tilespmem:s24+$0x270];
	[tilespmem:s21+$0x290] =	vst v2  }
0x160: {  	[tilespmem:s21+$0xFFFFFE90] =	vst v4;
	v2 =	vld [tilespmem:s18+$0x120]  }
0x161: {  	v4 =	vld [tilespmem:s17+$0x120];
	[tilespmem:s21+$0x90] =	vst v3  }
0x162: {  	[tilespmem:s21+$0xFFFFFC90] =	vst v5;
	v3 =	vld [tilespmem:s20+$0x120]  }
0x163: {  	[tilespmem:s15+$0xFFFFFF80] =	vst v1;
	v5 =	vld [tilespmem:s19+$0x120]  }
0x164: {  	v1 =	vld [tilespmem:s23+$0x210];
	[tilespmem:s15+$0x3F0] =	vst v0  }
0x165: {  	v0 =	vld [tilespmem:s16+$0x200];
	[tilespmem:s21+$0x2A0] =	vst v2  }
0x166: {  	[tilespmem:s21+$0xFFFFFEA0] =	vst v4;
	v2 =	vld [tilespmem:s18+$0x130]  }
0x167: {  	v4 =	vld [tilespmem:s17+$0x130];
	[tilespmem:s21+$0xA0] =	vst v3  }
0x168: {  	[tilespmem:s21+$0xFFFFFCA0] =	vst v5;
	v3 =	vld [tilespmem:s20+$0x130]  }
0x169: {  	[tilespmem:s15+$0xFFFFFD90] =	vst v1;
	v5 =	vld [tilespmem:s19+$0x130]  }
0x16a: {  	[tilespmem:s15+$0x180] =	vst v0;
	v0 =	vld [tilespmem:s22+$0x210]  }
0x16b: {  	v1 =	vld [tilespmem:s16+$0x210];
	[tilespmem:s21+$0x2B0] =	vst v2  }
0x16c: {  	[tilespmem:s21+$0xFFFFFEB0] =	vst v4;
	v2 =	vld [tilespmem:s18+$0x140]  }
0x16d: {  	v4 =	vld [tilespmem:s17+$0x140];
	[tilespmem:s21+$0xB0] =	vst v3  }
0x16e: {  	[tilespmem:s21+$0xFFFFFCB0] =	vst v5;
	v3 =	vld [tilespmem:s20+$0x140]  }
0x16f: {  	[tilespmem:s15+$0xFFFFFF90] =	vst v0;
	v5 =	vld [tilespmem:s19+$0x140]  }
0x170: {  	v0 =	vld [tilespmem:s23+$0x220];
	[tilespmem:s15+$0x190] =	vst v1  }
0x171: {  	v1 =	vld [tilespmem:s22+$0x220];
	[tilespmem:s21+$0x2C0] =	vst v2  }
0x172: {  	[tilespmem:s21+$0xFFFFFEC0] =	vst v4;
	v2 =	vld [tilespmem:s18+$0x150]  }
0x173: {  	v4 =	vld [tilespmem:s17+$0x150];
	[tilespmem:s21+$0xC0] =	vst v3  }
0x174: {  	[tilespmem:s21+$0xFFFFFCC0] =	vst v5;
	v3 =	vld [tilespmem:s20+$0x150]  }
0x175: {  	[tilespmem:s15+$0xFFFFFDA0] =	vst v0;
	v5 =	vld [tilespmem:s19+$0x150]  }
0x176: {  	v0 =	vld [tilespmem:s16+$0x220];
	[tilespmem:s15+$0xFFFFFFA0] =	vst v1  }
0x177: {  	v1 =	vld [tilespmem:s23+$0x230];
	[tilespmem:s21+$0x2D0] =	vst v2  }
0x178: {  	[tilespmem:s21+$0xFFFFFED0] =	vst v4;
	v2 =	vld [tilespmem:s18+$0x160]  }
0x179: {  	v4 =	vld [tilespmem:s17+$0x160];
	[tilespmem:s21+$0xD0] =	vst v3  }
0x17a: {  	[tilespmem:s21+$0xFFFFFCD0] =	vst v5;
	v3 =	vld [tilespmem:s20+$0x160]  }
0x17b: {  	[tilespmem:s15+$0x1A0] =	vst v0;
	v5 =	vld [tilespmem:s19+$0x160]  }
0x17c: {  	v0 =	vld [tilespmem:s22+$0x230];
	[tilespmem:s15+$0xFFFFFDB0] =	vst v1  }
0x17d: {  	v1 =	vld [tilespmem:s16+$0x230];
	[tilespmem:s21+$0x2E0] =	vst v2  }
0x17e: {  	[tilespmem:s21+$0xFFFFFEE0] =	vst v4;
	v2 =	vld [tilespmem:s18+$0x170]  }
0x17f: {  	v4 =	vld [tilespmem:s17+$0x170];
	[tilespmem:s21+$0xE0] =	vst v3  }
0x180: {  	[tilespmem:s21+$0xFFFFFCE0] =	vst v5;
	v3 =	vld [tilespmem:s20+$0x170]  }
0x181: {  	[tilespmem:s15+$0xFFFFFFB0] =	vst v0;
	v5 =	vld [tilespmem:s19+$0x170]  }
0x182: {  	v0 =	vld [tilespmem:s23+$0x240];
	[tilespmem:s15+$0x1B0] =	vst v1  }
0x183: {  	v1 =	vld [tilespmem:s22+$0x240];
	[tilespmem:s21+$0x2F0] =	vst v2  }
0x184: {  	[tilespmem:s21+$0xFFFFFEF0] =	vst v4;
	v2 =	vld [tilespmem:s18+$0x180]  }
0x185: {  	v4 =	vld [tilespmem:s17+$0x180];
	[tilespmem:s21+$0xF0] =	vst v3  }
0x186: {  	[tilespmem:s21+$0xFFFFFCF0] =	vst v5;
	v3 =	vld [tilespmem:s20+$0x180]  }
0x187: {  	[tilespmem:s15+$0xFFFFFDC0] =	vst v0;
	v5 =	vld [tilespmem:s19+$0x180]  }
0x188: {  	v0 =	vld [tilespmem:s16+$0x240];
	[tilespmem:s15+$0xFFFFFFC0] =	vst v1  }
0x189: {  	v1 =	vld [tilespmem:s23+$0x250];
	[tilespmem:s21+$0x300] =	vst v2  }
0x18a: {  	[tilespmem:s21+$0xFFFFFF00] =	vst v4;
	v2 =	vld [tilespmem:s18+$0x190]  }
0x18b: {  	v4 =	vld [tilespmem:s17+$0x190];
	[tilespmem:s21+$0x100] =	vst v3  }
0x18c: {  	[tilespmem:s21+$0xFFFFFD00] =	vst v5;
	v3 =	vld [tilespmem:s20+$0x190]  }
0x18d: {  	[tilespmem:s15+$0x1C0] =	vst v0;
	v5 =	vld [tilespmem:s19+$0x190]  }
0x18e: {  	v0 =	vld [tilespmem:s22+$0x250];
	[tilespmem:s15+$0xFFFFFDD0] =	vst v1  }
0x18f: {  	v1 =	vld [tilespmem:s16+$0x250];
	[tilespmem:s21+$0x310] =	vst v2  }
0x190: {  	[tilespmem:s21+$0xFFFFFF10] =	vst v4;
	v2 =	vld [tilespmem:s18+$0x1A0]  }
0x191: {  	v4 =	vld [tilespmem:s17+$0x1A0];
	[tilespmem:s21+$0x110] =	vst v3  }
0x192: {  	[tilespmem:s21+$0xFFFFFD10] =	vst v5;
	v3 =	vld [tilespmem:s20+$0x1A0]  }
0x193: {  	[tilespmem:s15+$0xFFFFFFD0] =	vst v0;
	v5 =	vld [tilespmem:s19+$0x1A0]  }
0x194: {  	v0 =	vld [tilespmem:s23+$0x260];
	[tilespmem:s15+$0x1D0] =	vst v1  }
0x195: {  	v1 =	vld [tilespmem:s22+$0x260];
	[tilespmem:s21+$0x320] =	vst v2  }
0x196: {  	[tilespmem:s21+$0xFFFFFF20] =	vst v4;
	v2 =	vld [tilespmem:s18+$0x1B0]  }
0x197: {  	v4 =	vld [tilespmem:s17+$0x1B0];
	[tilespmem:s21+$0x120] =	vst v3  }
0x198: {  	[tilespmem:s21+$0xFFFFFD20] =	vst v5;
	v3 =	vld [tilespmem:s20+$0x1B0]  }
0x199: {  	[tilespmem:s15+$0xFFFFFDE0] =	vst v0;
	v5 =	vld [tilespmem:s19+$0x1B0]  }
0x19a: {  	v6 =	vld [tilespmem:s16+$0x260];
	[tilespmem:s15+$0xFFFFFFE0] =	vst v1  }
0x19b: {  	v7 =	vld [tilespmem:s23+$0x270];
	[tilespmem:s21+$0x330] =	vst v2  }
0x19c: {  	[tilespmem:s21+$0xFFFFFF30] =	vst v4;
	v4 =	vld [tilespmem:s18+$0x1C0]  }
0x19d: {  	v2 =	vld [tilespmem:s17+$0x1C0];
	[tilespmem:s21+$0x130] =	vst v3  }
0x19e: {  	[tilespmem:s21+$0xFFFFFD30] =	vst v5;
	v1 =	vld [tilespmem:s20+$0x1C0]  }
0x19f: {  	[tilespmem:s15+$0x1E0] =	vst v6;
	v0 =	vld [tilespmem:s19+$0x1C0]  }
0x1a0: {  	s24 =	simm.s32 $0xA;
	s23 =	simm.s32 $0x4;
	[tilespmem:s15+$0xFFFFFDF0] =	vst v7;
	v3 =	vld [tilespmem:s22+$0x270]  }
.LBB2_2:
0x1a1: {  	s26 =	sld [smem:s24+$0x1];
	s23 =	sadd.s32 $0x4, s23;
	[tilespmem:s21+$0x340] =	vst v4;
	v4 =	vld [tilespmem:s16+$0x270];
	s16 =	smov.u32 s20  }
0x1a2: {  	s22 =	sld [smem:s24+$0xFFFFFFFF];
	p0 =	slt.u32 s23, $0x3C;
	[tilespmem:s21+$0xFFFFFF40] =	vst v2;
	v2 =	vld [tilespmem:s18+$0x1D0]  }
0x1a3: {  	s20 =	sld [smem:s24+$0x0];
	v5 =	vld [tilespmem:s17+$0x1D0];
	[tilespmem:s21+$0x140] =	vst v1  }
0x1a4: {  	s25 =	sld [smem:s24+$0xFFFFFFFE];
	v1 =	vld [tilespmem:s26+$0x80];
	[tilespmem:s21+$0xFFFFFD40] =	vst v0  }
0x1a5: {  	v0 =	vld [tilespmem:s22+$0x80];
	[tilespmem:s15+$0xFFFFFFF0] =	vst v3  }
0x1a6: {  	v3 =	vld [tilespmem:s20+$0x80];
	[tilespmem:s15+$0x1F0] =	vst v4;
	s15 =	smov.u32 s21  }
0x1a7: {  	v4 =	vld [tilespmem:s25+$0x80];
	[tilespmem:s21+$0x350] =	vst v2  }
0x1a8: {  	s21 =	sadd.s32 $0x800, s21;
	[tilespmem:s15+$0xFFFFFF50] =	vst v5;
	v2 =	vld [tilespmem:s18+$0x1E0]  }
0x1a9: {  	[tilespmem:s21+$0x200] =	vst v1;
	v1 =	vld [tilespmem:s19+$0x1D0]  }
0x1aa: {  	[tilespmem:s21+$0xFFFFFE00] =	vst v0;
	v0 =	vld [tilespmem:s26+$0x90]  }
0x1ab: {  	v5 =	vld [tilespmem:s22+$0x90];
	[tilespmem:s21+$0x0] =	vst v3  }
0x1ac: {  	[tilespmem:s21+$0xFFFFFC00] =	vst v4;
	v3 =	vld [tilespmem:s20+$0x90]  }
0x1ad: {  	v4 =	vld [tilespmem:s25+$0x90];
	[tilespmem:s15+$0x360] =	vst v2  }
0x1ae: {  	[tilespmem:s15+$0xFFFFFD50] =	vst v1;
	v1 =	vld [tilespmem:s18+$0x1F0]  }
0x1af: {  	[tilespmem:s21+$0x210] =	vst v0;
	v0 =	vld [tilespmem:s16+$0x1D0]  }
0x1b0: {  	[tilespmem:s21+$0xFFFFFE10] =	vst v5;
	v2 =	vld [tilespmem:s26+$0xA0]  }
0x1b1: {  	v5 =	vld [tilespmem:s22+$0xA0];
	[tilespmem:s21+$0x10] =	vst v3  }
0x1b2: {  	[tilespmem:s21+$0xFFFFFC10] =	vst v4;
	v3 =	vld [tilespmem:s20+$0xA0]  }
0x1b3: {  	v4 =	vld [tilespmem:s25+$0xA0];
	[tilespmem:s15+$0x370] =	vst v1  }
0x1b4: {  	[tilespmem:s15+$0x150] =	vst v0;
	v0 =	vld [tilespmem:s18+$0x200]  }
0x1b5: {  	[tilespmem:s21+$0x220] =	vst v2;
	v1 =	vld [tilespmem:s19+$0x1E0]  }
0x1b6: {  	[tilespmem:s21+$0xFFFFFE20] =	vst v5;
	v2 =	vld [tilespmem:s26+$0xB0]  }
0x1b7: {  	v5 =	vld [tilespmem:s22+$0xB0];
	[tilespmem:s21+$0x20] =	vst v3  }
0x1b8: {  	[tilespmem:s21+$0xFFFFFC20] =	vst v4;
	v3 =	vld [tilespmem:s20+$0xB0]  }
0x1b9: {  	v4 =	vld [tilespmem:s25+$0xB0];
	[tilespmem:s15+$0x380] =	vst v0  }
0x1ba: {  	[tilespmem:s15+$0xFFFFFD60] =	vst v1;
	v0 =	vld [tilespmem:s18+$0x210]  }
0x1bb: {  	[tilespmem:s21+$0x230] =	vst v2;
	v1 =	vld [tilespmem:s17+$0x1E0]  }
0x1bc: {  	[tilespmem:s21+$0xFFFFFE30] =	vst v5;
	v2 =	vld [tilespmem:s26+$0xC0]  }
0x1bd: {  	v5 =	vld [tilespmem:s22+$0xC0];
	[tilespmem:s21+$0x30] =	vst v3  }
0x1be: {  	[tilespmem:s21+$0xFFFFFC30] =	vst v4;
	v3 =	vld [tilespmem:s20+$0xC0]  }
0x1bf: {  	v4 =	vld [tilespmem:s25+$0xC0];
	[tilespmem:s15+$0x390] =	vst v0  }
0x1c0: {  	[tilespmem:s15+$0xFFFFFF60] =	vst v1;
	v0 =	vld [tilespmem:s18+$0x220]  }
0x1c1: {  	[tilespmem:s21+$0x240] =	vst v2;
	v1 =	vld [tilespmem:s16+$0x1E0]  }
0x1c2: {  	[tilespmem:s21+$0xFFFFFE40] =	vst v5;
	v2 =	vld [tilespmem:s26+$0xD0]  }
0x1c3: {  	v5 =	vld [tilespmem:s22+$0xD0];
	[tilespmem:s21+$0x40] =	vst v3  }
0x1c4: {  	[tilespmem:s21+$0xFFFFFC40] =	vst v4;
	v3 =	vld [tilespmem:s20+$0xD0]  }
0x1c5: {  	v4 =	vld [tilespmem:s25+$0xD0];
	[tilespmem:s15+$0x3A0] =	vst v0  }
0x1c6: {  	[tilespmem:s15+$0x160] =	vst v1;
	v0 =	vld [tilespmem:s18+$0x230]  }
0x1c7: {  	[tilespmem:s21+$0x250] =	vst v2;
	v1 =	vld [tilespmem:s19+$0x1F0]  }
0x1c8: {  	[tilespmem:s21+$0xFFFFFE50] =	vst v5;
	v2 =	vld [tilespmem:s26+$0xE0]  }
0x1c9: {  	v5 =	vld [tilespmem:s22+$0xE0];
	[tilespmem:s21+$0x50] =	vst v3  }
0x1ca: {  	[tilespmem:s21+$0xFFFFFC50] =	vst v4;
	v3 =	vld [tilespmem:s20+$0xE0]  }
0x1cb: {  	v4 =	vld [tilespmem:s25+$0xE0];
	[tilespmem:s15+$0x3B0] =	vst v0  }
0x1cc: {  	[tilespmem:s15+$0xFFFFFD70] =	vst v1;
	v0 =	vld [tilespmem:s18+$0x240]  }
0x1cd: {  	[tilespmem:s21+$0x260] =	vst v2;
	v1 =	vld [tilespmem:s17+$0x1F0]  }
0x1ce: {  	[tilespmem:s21+$0xFFFFFE60] =	vst v5;
	v2 =	vld [tilespmem:s26+$0xF0]  }
0x1cf: {  	v5 =	vld [tilespmem:s22+$0xF0];
	[tilespmem:s21+$0x60] =	vst v3  }
0x1d0: {  	[tilespmem:s21+$0xFFFFFC60] =	vst v4;
	v3 =	vld [tilespmem:s20+$0xF0]  }
0x1d1: {  	v4 =	vld [tilespmem:s25+$0xF0];
	[tilespmem:s15+$0x3C0] =	vst v0  }
0x1d2: {  	[tilespmem:s15+$0xFFFFFF70] =	vst v1;
	v0 =	vld [tilespmem:s18+$0x250]  }
0x1d3: {  	[tilespmem:s21+$0x270] =	vst v2;
	v1 =	vld [tilespmem:s16+$0x1F0]  }
0x1d4: {  	[tilespmem:s21+$0xFFFFFE70] =	vst v5;
	v2 =	vld [tilespmem:s26+$0x100]  }
0x1d5: {  	v5 =	vld [tilespmem:s22+$0x100];
	[tilespmem:s21+$0x70] =	vst v3  }
0x1d6: {  	[tilespmem:s21+$0xFFFFFC70] =	vst v4;
	v3 =	vld [tilespmem:s20+$0x100]  }
0x1d7: {  	v4 =	vld [tilespmem:s25+$0x100];
	[tilespmem:s15+$0x3D0] =	vst v0  }
0x1d8: {  	[tilespmem:s15+$0x170] =	vst v1;
	v0 =	vld [tilespmem:s18+$0x260]  }
0x1d9: {  	[tilespmem:s21+$0x280] =	vst v2;
	v1 =	vld [tilespmem:s19+$0x200]  }
0x1da: {  	[tilespmem:s21+$0xFFFFFE80] =	vst v5;
	v2 =	vld [tilespmem:s26+$0x110]  }
0x1db: {  	v5 =	vld [tilespmem:s22+$0x110];
	[tilespmem:s21+$0x80] =	vst v3  }
0x1dc: {  	[tilespmem:s21+$0xFFFFFC80] =	vst v4;
	v3 =	vld [tilespmem:s20+$0x110]  }
0x1dd: {  	v4 =	vld [tilespmem:s25+$0x110];
	[tilespmem:s15+$0x3E0] =	vst v0  }
0x1de: {  	[tilespmem:s15+$0xFFFFFD80] =	vst v1;
	v0 =	vld [tilespmem:s18+$0x270];
	s18 =	smov.u32 s26  }
0x1df: {  	[tilespmem:s21+$0x290] =	vst v2;
	v1 =	vld [tilespmem:s17+$0x200]  }
0x1e0: {  	[tilespmem:s21+$0xFFFFFE90] =	vst v5;
	v2 =	vld [tilespmem:s18+$0x120]  }
0x1e1: {  	v5 =	vld [tilespmem:s22+$0x120];
	[tilespmem:s21+$0x90] =	vst v3  }
0x1e2: {  	[tilespmem:s21+$0xFFFFFC90] =	vst v4;
	v3 =	vld [tilespmem:s20+$0x120]  }
0x1e3: {  	v4 =	vld [tilespmem:s25+$0x120];
	[tilespmem:s15+$0x3F0] =	vst v0  }
0x1e4: {  	[tilespmem:s15+$0xFFFFFF80] =	vst v1;
	v0 =	vld [tilespmem:s16+$0x200]  }
0x1e5: {  	[tilespmem:s21+$0x2A0] =	vst v2;
	v1 =	vld [tilespmem:s19+$0x210]  }
0x1e6: {  	[tilespmem:s21+$0xFFFFFEA0] =	vst v5;
	v2 =	vld [tilespmem:s18+$0x130]  }
0x1e7: {  	v5 =	vld [tilespmem:s22+$0x130];
	[tilespmem:s21+$0xA0] =	vst v3  }
0x1e8: {  	[tilespmem:s21+$0xFFFFFCA0] =	vst v4;
	v3 =	vld [tilespmem:s20+$0x130]  }
0x1e9: {  	v4 =	vld [tilespmem:s25+$0x130];
	[tilespmem:s15+$0x180] =	vst v0  }
0x1ea: {  	[tilespmem:s15+$0xFFFFFD90] =	vst v1;
	v0 =	vld [tilespmem:s17+$0x210]  }
0x1eb: {  	[tilespmem:s21+$0x2B0] =	vst v2;
	v1 =	vld [tilespmem:s16+$0x210]  }
0x1ec: {  	[tilespmem:s21+$0xFFFFFEB0] =	vst v5;
	v2 =	vld [tilespmem:s18+$0x140]  }
0x1ed: {  	v5 =	vld [tilespmem:s22+$0x140];
	[tilespmem:s21+$0xB0] =	vst v3  }
0x1ee: {  	[tilespmem:s21+$0xFFFFFCB0] =	vst v4;
	v3 =	vld [tilespmem:s20+$0x140]  }
0x1ef: {  	v4 =	vld [tilespmem:s25+$0x140];
	[tilespmem:s15+$0xFFFFFF90] =	vst v0  }
0x1f0: {  	v0 =	vld [tilespmem:s19+$0x220];
	[tilespmem:s15+$0x190] =	vst v1  }
0x1f1: {  	[tilespmem:s21+$0x2C0] =	vst v2;
	v1 =	vld [tilespmem:s17+$0x220]  }
0x1f2: {  	[tilespmem:s21+$0xFFFFFEC0] =	vst v5;
	v2 =	vld [tilespmem:s18+$0x150]  }
0x1f3: {  	v5 =	vld [tilespmem:s22+$0x150];
	[tilespmem:s21+$0xC0] =	vst v3  }
0x1f4: {  	[tilespmem:s21+$0xFFFFFCC0] =	vst v4;
	v3 =	vld [tilespmem:s20+$0x150]  }
0x1f5: {  	v4 =	vld [tilespmem:s25+$0x150];
	[tilespmem:s15+$0xFFFFFDA0] =	vst v0  }
0x1f6: {  	[tilespmem:s15+$0xFFFFFFA0] =	vst v1;
	v0 =	vld [tilespmem:s16+$0x220]  }
0x1f7: {  	[tilespmem:s21+$0x2D0] =	vst v2;
	v1 =	vld [tilespmem:s19+$0x230]  }
0x1f8: {  	[tilespmem:s21+$0xFFFFFED0] =	vst v5;
	v2 =	vld [tilespmem:s18+$0x160]  }
0x1f9: {  	v5 =	vld [tilespmem:s22+$0x160];
	[tilespmem:s21+$0xD0] =	vst v3  }
0x1fa: {  	[tilespmem:s21+$0xFFFFFCD0] =	vst v4;
	v3 =	vld [tilespmem:s20+$0x160]  }
0x1fb: {  	v4 =	vld [tilespmem:s25+$0x160];
	[tilespmem:s15+$0x1A0] =	vst v0  }
0x1fc: {  	[tilespmem:s15+$0xFFFFFDB0] =	vst v1;
	v0 =	vld [tilespmem:s17+$0x230]  }
0x1fd: {  	[tilespmem:s21+$0x2E0] =	vst v2;
	v1 =	vld [tilespmem:s16+$0x230]  }
0x1fe: {  	[tilespmem:s21+$0xFFFFFEE0] =	vst v5;
	v2 =	vld [tilespmem:s18+$0x170]  }
0x1ff: {  	v5 =	vld [tilespmem:s22+$0x170];
	[tilespmem:s21+$0xE0] =	vst v3  }
0x200: {  	[tilespmem:s21+$0xFFFFFCE0] =	vst v4;
	v3 =	vld [tilespmem:s20+$0x170]  }
0x201: {  	v4 =	vld [tilespmem:s25+$0x170];
	[tilespmem:s15+$0xFFFFFFB0] =	vst v0  }
0x202: {  	v0 =	vld [tilespmem:s19+$0x240];
	[tilespmem:s15+$0x1B0] =	vst v1  }
0x203: {  	[tilespmem:s21+$0x2F0] =	vst v2;
	v1 =	vld [tilespmem:s17+$0x240]  }
0x204: {  	[tilespmem:s21+$0xFFFFFEF0] =	vst v5;
	v2 =	vld [tilespmem:s18+$0x180]  }
0x205: {  	v5 =	vld [tilespmem:s22+$0x180];
	[tilespmem:s21+$0xF0] =	vst v3  }
0x206: {  	[tilespmem:s21+$0xFFFFFCF0] =	vst v4;
	v3 =	vld [tilespmem:s20+$0x180]  }
0x207: {  	v4 =	vld [tilespmem:s25+$0x180];
	[tilespmem:s15+$0xFFFFFDC0] =	vst v0  }
0x208: {  	[tilespmem:s15+$0xFFFFFFC0] =	vst v1;
	v0 =	vld [tilespmem:s16+$0x240]  }
0x209: {  	[tilespmem:s21+$0x300] =	vst v2;
	v1 =	vld [tilespmem:s19+$0x250]  }
0x20a: {  	[tilespmem:s21+$0xFFFFFF00] =	vst v5;
	v2 =	vld [tilespmem:s18+$0x190]  }
0x20b: {  	v5 =	vld [tilespmem:s22+$0x190];
	[tilespmem:s21+$0x100] =	vst v3  }
0x20c: {  	[tilespmem:s21+$0xFFFFFD00] =	vst v4;
	v3 =	vld [tilespmem:s20+$0x190]  }
0x20d: {  	v4 =	vld [tilespmem:s25+$0x190];
	[tilespmem:s15+$0x1C0] =	vst v0  }
0x20e: {  	[tilespmem:s15+$0xFFFFFDD0] =	vst v1;
	v0 =	vld [tilespmem:s17+$0x250]  }
0x20f: {  	[tilespmem:s21+$0x310] =	vst v2;
	v1 =	vld [tilespmem:s16+$0x250]  }
0x210: {  	[tilespmem:s21+$0xFFFFFF10] =	vst v5;
	v2 =	vld [tilespmem:s18+$0x1A0]  }
0x211: {  	v5 =	vld [tilespmem:s22+$0x1A0];
	[tilespmem:s21+$0x110] =	vst v3  }
0x212: {  	[tilespmem:s21+$0xFFFFFD10] =	vst v4;
	v3 =	vld [tilespmem:s20+$0x1A0]  }
0x213: {  	v4 =	vld [tilespmem:s25+$0x1A0];
	[tilespmem:s15+$0xFFFFFFD0] =	vst v0  }
0x214: {  	v0 =	vld [tilespmem:s19+$0x260];
	[tilespmem:s15+$0x1D0] =	vst v1  }
0x215: {  	[tilespmem:s21+$0x320] =	vst v2;
	v1 =	vld [tilespmem:s17+$0x260]  }
0x216: {  	[tilespmem:s21+$0xFFFFFF20] =	vst v5;
	v2 =	vld [tilespmem:s18+$0x1B0]  }
0x217: {  	v5 =	vld [tilespmem:s22+$0x1B0];
	[tilespmem:s21+$0x120] =	vst v3  }
0x218: {  	[tilespmem:s21+$0xFFFFFD20] =	vst v4;
	v3 =	vld [tilespmem:s20+$0x1B0]  }
0x219: {  	v6 =	vld [tilespmem:s25+$0x1B0];
	[tilespmem:s15+$0xFFFFFDE0] =	vst v0  }
0x21a: {  	[tilespmem:s15+$0xFFFFFFE0] =	vst v1;
	v7 =	vld [tilespmem:s16+$0x260]  }
0x21b: {  	[tilespmem:s21+$0x330] =	vst v2;
	v8 =	vld [tilespmem:s19+$0x270];
	s19 =	smov.u32 s25  }
.Ltmp0:
0x21c: {  	[tilespmem:s21+$0xFFFFFF30] =	vst v5;
	v4 =	vld [tilespmem:s18+$0x1C0];
	(pc) =	sbr.rel @p0 .LBB2_2-.Ltmp0, $4  }
0x21d: {  	v2 =	vld [tilespmem:s22+$0x1C0];
	[tilespmem:s21+$0x130] =	vst v3  }
0x21e: {  	[tilespmem:s21+$0xFFFFFD30] =	vst v6;
	v1 =	vld [tilespmem:s20+$0x1C0]  }
0x21f: {  	v0 =	vld [tilespmem:s19+$0x1C0];
	[tilespmem:s15+$0x1E0] =	vst v7  }
0x220: {  	s24 =	sadd.s32 $0x4, s24;
	[tilespmem:s15+$0xFFFFFDF0] =	vst v8;
	v3 =	vld [tilespmem:s17+$0x270];
	s17 =	smov.u32 s22  }
0x221: {  	[tilespmem:s21+$0x340] =	vst v4  }
0x222: {  	v4 =	vld [tilespmem:s18+$0x1D0];
	_ =	sdelay $0x3  }
0x223: {  	v5 =	vld [tilespmem:s16+$0x270];
	[tilespmem:s21+$0xFFFFFF40] =	vst v2  }
0x224: {  	v2 =	vld [tilespmem:s17+$0x1D0];
	[tilespmem:s21+$0x350] =	vst v4  }
0x225: {  	[tilespmem:s21+$0x140] =	vst v1;
	v1 =	vld [tilespmem:s18+$0x1E0]  }
0x226: {  	[tilespmem:s21+$0xFFFFFD40] =	vst v0  }
0x227: {  	[tilespmem:s15+$0xFFFFFFF0] =	vst v3  }
0x228: {  	[tilespmem:s15+$0x1F0] =	vst v5  }
0x229: {  	v0 =	vld [tilespmem:s19+$0x1D0];
	[tilespmem:s21+$0xFFFFFF50] =	vst v2  }
0x22a: {  	[tilespmem:s21+$0x360] =	vst v1  }
0x22b: {  	v1 =	vld [tilespmem:s20+$0x1D0];
	_ =	sdelay $0x2  }
0x22c: {  	[tilespmem:s21+$0xFFFFFD50] =	vst v0  }
0x22d: {  	v0 =	vld [tilespmem:s19+$0x1E0]  }
0x22e: {  	[tilespmem:s21+$0x150] =	vst v1;
	v1 =	vld [tilespmem:s17+$0x1E0]  }
0x22f: {  	v2 =	vld [tilespmem:s20+$0x1E0];
	_ =	sdelay $0x2  }
0x230: {  	v3 =	vld [tilespmem:s18+$0x1F0];
	[tilespmem:s21+$0xFFFFFD60] =	vst v0  }
0x231: {  	v0 =	vld [tilespmem:s19+$0x1F0];
	[tilespmem:s21+$0xFFFFFF60] =	vst v1  }
0x232: {  	[tilespmem:s21+$0x160] =	vst v2;
	v1 =	vld [tilespmem:s17+$0x1F0]  }
0x233: {  	v2 =	vld [tilespmem:s20+$0x1F0];
	_ =	sdelay $0x1  }
0x234: {  	[tilespmem:s21+$0x370] =	vst v3  }
0x235: {  	v3 =	vld [tilespmem:s18+$0x200];
	[tilespmem:s21+$0xFFFFFD70] =	vst v0  }
0x236: {  	v0 =	vld [tilespmem:s19+$0x200];
	[tilespmem:s21+$0xFFFFFF70] =	vst v1  }
0x237: {  	[tilespmem:s21+$0x170] =	vst v2;
	v1 =	vld [tilespmem:s17+$0x200]  }
0x238: {  	v2 =	vld [tilespmem:s20+$0x200];
	_ =	sdelay $0x1  }
0x239: {  	[tilespmem:s21+$0x380] =	vst v3  }
0x23a: {  	v3 =	vld [tilespmem:s18+$0x210];
	[tilespmem:s21+$0xFFFFFD80] =	vst v0  }
0x23b: {  	v0 =	vld [tilespmem:s19+$0x210];
	[tilespmem:s21+$0xFFFFFF80] =	vst v1  }
0x23c: {  	[tilespmem:s21+$0x180] =	vst v2;
	v1 =	vld [tilespmem:s17+$0x210]  }
0x23d: {  	v2 =	vld [tilespmem:s20+$0x210];
	_ =	sdelay $0x1  }
0x23e: {  	[tilespmem:s21+$0x390] =	vst v3  }
0x23f: {  	v3 =	vld [tilespmem:s18+$0x220];
	[tilespmem:s21+$0xFFFFFD90] =	vst v0  }
0x240: {  	v0 =	vld [tilespmem:s19+$0x220];
	[tilespmem:s21+$0xFFFFFF90] =	vst v1  }
0x241: {  	[tilespmem:s21+$0x190] =	vst v2;
	v1 =	vld [tilespmem:s17+$0x220]  }
0x242: {  	v2 =	vld [tilespmem:s20+$0x220];
	_ =	sdelay $0x1  }
0x243: {  	[tilespmem:s21+$0x3A0] =	vst v3  }
0x244: {  	v3 =	vld [tilespmem:s18+$0x230];
	[tilespmem:s21+$0xFFFFFDA0] =	vst v0  }
0x245: {  	v0 =	vld [tilespmem:s19+$0x230];
	[tilespmem:s21+$0xFFFFFFA0] =	vst v1  }
0x246: {  	[tilespmem:s21+$0x1A0] =	vst v2;
	v1 =	vld [tilespmem:s17+$0x230]  }
0x247: {  	v2 =	vld [tilespmem:s20+$0x230];
	_ =	sdelay $0x1  }
0x248: {  	[tilespmem:s21+$0x3B0] =	vst v3  }
0x249: {  	v3 =	vld [tilespmem:s18+$0x240];
	[tilespmem:s21+$0xFFFFFDB0] =	vst v0  }
0x24a: {  	v0 =	vld [tilespmem:s19+$0x240];
	[tilespmem:s21+$0xFFFFFFB0] =	vst v1  }
0x24b: {  	[tilespmem:s21+$0x1B0] =	vst v2;
	v1 =	vld [tilespmem:s17+$0x240]  }
0x24c: {  	v2 =	vld [tilespmem:s20+$0x240];
	_ =	sdelay $0x1  }
0x24d: {  	[tilespmem:s21+$0x3C0] =	vst v3  }
0x24e: {  	v3 =	vld [tilespmem:s18+$0x250];
	[tilespmem:s21+$0xFFFFFDC0] =	vst v0  }
0x24f: {  	v0 =	vld [tilespmem:s19+$0x250];
	[tilespmem:s21+$0xFFFFFFC0] =	vst v1  }
0x250: {  	[tilespmem:s21+$0x1C0] =	vst v2;
	v1 =	vld [tilespmem:s17+$0x250]  }
0x251: {  	v2 =	vld [tilespmem:s20+$0x250];
	_ =	sdelay $0x1  }
0x252: {  	[tilespmem:s21+$0x3D0] =	vst v3  }
0x253: {  	v3 =	vld [tilespmem:s18+$0x260];
	[tilespmem:s21+$0xFFFFFDD0] =	vst v0  }
0x254: {  	v0 =	vld [tilespmem:s19+$0x260];
	[tilespmem:s21+$0xFFFFFFD0] =	vst v1  }
0x255: {  	[tilespmem:s21+$0x1D0] =	vst v2;
	v1 =	vld [tilespmem:s17+$0x260]  }
0x256: {  	v2 =	vld [tilespmem:s20+$0x260];
	_ =	sdelay $0x1  }
0x257: {  	[tilespmem:s21+$0x3E0] =	vst v3  }
0x258: {  	v3 =	vld [tilespmem:s18+$0x270];
	[tilespmem:s21+$0xFFFFFDE0] =	vst v0  }
0x259: {  	v0 =	vld [tilespmem:s19+$0x270];
	[tilespmem:s21+$0xFFFFFFE0] =	vst v1  }
0x25a: {  	[tilespmem:s21+$0x1E0] =	vst v2;
	v1 =	vld [tilespmem:s17+$0x270]  }
0x25b: {  	v2 =	vld [tilespmem:s20+$0x270];
	_ =	sdelay $0x1  }
0x25c: {  	[tilespmem:s21+$0x3F0] =	vst v3  }
0x25d: {  	[tilespmem:s21+$0xFFFFFDF0] =	vst v0  }
0x25e: {  	[tilespmem:s21+$0xFFFFFFF0] =	vst v1  }
0x25f: {  	[tilespmem:s21+$0x1F0] =	vst v2  }
0x260: {  	[hbm4b:s5+s2] =	stream.linear.scatter [tilespmem:s10], [sflag:$0x1], $0x8000, $0x38;
	[tilespmem:$0x10E80] =	vst v63  }
0x261: {  	s24 =	sld [smem:$0x43]  }
0x262: {  	s22 =	sld [smem:$0x41]  }
0x263: {  	s16 =	sld [smem:$0x42]  }
0x264: {  	s23 =	sld [smem:$0x40];
	v0 =	vld [tilespmem:s24+$0x80]  }
0x265: {  	v1 =	vld [tilespmem:s22+$0x80]  }
0x266: {  	v2 =	vld [tilespmem:s16+$0x80];
	_ =	sdelay $0x1  }
0x267: {  	s15 =	simm.s32 $0x9280  }
0x268: {  	v3 =	vld [tilespmem:s23+$0x80];
	[tilespmem:s15+$0x200] =	vst v0  }
0x269: {  	[tilespmem:s15+$0xFFFFFE00] =	vst v1;
	v0 =	vld [tilespmem:s24+$0x90]  }
0x26a: {  	v1 =	vld [tilespmem:s22+$0x90];
	[tilespmem:s15+$0x0] =	vst v2  }
0x26b: {  	v2 =	vld [tilespmem:s16+$0x90];
	_ =	sdelay $0x1  }
0x26c: {  	[tilespmem:s15+$0xFFFFFC00] =	vst v3  }
0x26d: {  	v3 =	vld [tilespmem:s23+$0x90];
	[tilespmem:s15+$0x210] =	vst v0  }
0x26e: {  	[tilespmem:s15+$0xFFFFFE10] =	vst v1;
	v0 =	vld [tilespmem:s24+$0xA0]  }
0x26f: {  	v1 =	vld [tilespmem:s22+$0xA0];
	[tilespmem:s15+$0x10] =	vst v2  }
0x270: {  	v2 =	vld [tilespmem:s16+$0xA0];
	_ =	sdelay $0x1  }
0x271: {  	[tilespmem:s15+$0xFFFFFC10] =	vst v3  }
0x272: {  	v3 =	vld [tilespmem:s23+$0xA0];
	[tilespmem:s15+$0x220] =	vst v0  }
0x273: {  	[tilespmem:s15+$0xFFFFFE20] =	vst v1;
	v0 =	vld [tilespmem:s24+$0xB0]  }
0x274: {  	v1 =	vld [tilespmem:s22+$0xB0];
	[tilespmem:s15+$0x20] =	vst v2  }
0x275: {  	v2 =	vld [tilespmem:s16+$0xB0];
	_ =	sdelay $0x1  }
0x276: {  	[tilespmem:s15+$0xFFFFFC20] =	vst v3  }
0x277: {  	v3 =	vld [tilespmem:s23+$0xB0];
	[tilespmem:s15+$0x230] =	vst v0  }
0x278: {  	[tilespmem:s15+$0xFFFFFE30] =	vst v1;
	v0 =	vld [tilespmem:s24+$0xC0]  }
0x279: {  	v1 =	vld [tilespmem:s22+$0xC0];
	[tilespmem:s15+$0x30] =	vst v2  }
0x27a: {  	v2 =	vld [tilespmem:s16+$0xC0];
	_ =	sdelay $0x1  }
0x27b: {  	[tilespmem:s15+$0xFFFFFC30] =	vst v3  }
0x27c: {  	v3 =	vld [tilespmem:s23+$0xC0];
	[tilespmem:s15+$0x240] =	vst v0  }
0x27d: {  	[tilespmem:s15+$0xFFFFFE40] =	vst v1;
	v0 =	vld [tilespmem:s24+$0xD0]  }
0x27e: {  	v1 =	vld [tilespmem:s22+$0xD0];
	[tilespmem:s15+$0x40] =	vst v2  }
0x27f: {  	v2 =	vld [tilespmem:s16+$0xD0];
	_ =	sdelay $0x1  }
0x280: {  	[tilespmem:s15+$0xFFFFFC40] =	vst v3  }
0x281: {  	v3 =	vld [tilespmem:s23+$0xD0];
	[tilespmem:s15+$0x250] =	vst v0  }
0x282: {  	[tilespmem:s15+$0xFFFFFE50] =	vst v1;
	v0 =	vld [tilespmem:s24+$0xE0]  }
0x283: {  	v1 =	vld [tilespmem:s22+$0xE0];
	[tilespmem:s15+$0x50] =	vst v2  }
0x284: {  	v2 =	vld [tilespmem:s16+$0xE0];
	_ =	sdelay $0x1  }
0x285: {  	[tilespmem:s15+$0xFFFFFC50] =	vst v3  }
0x286: {  	v3 =	vld [tilespmem:s23+$0xE0];
	[tilespmem:s15+$0x260] =	vst v0  }
0x287: {  	[tilespmem:s15+$0xFFFFFE60] =	vst v1;
	v0 =	vld [tilespmem:s24+$0xF0]  }
0x288: {  	v1 =	vld [tilespmem:s22+$0xF0];
	[tilespmem:s15+$0x60] =	vst v2  }
0x289: {  	v2 =	vld [tilespmem:s16+$0xF0];
	_ =	sdelay $0x1  }
0x28a: {  	[tilespmem:s15+$0xFFFFFC60] =	vst v3  }
0x28b: {  	v3 =	vld [tilespmem:s23+$0xF0];
	[tilespmem:s15+$0x270] =	vst v0  }
0x28c: {  	[tilespmem:s15+$0xFFFFFE70] =	vst v1;
	v0 =	vld [tilespmem:s24+$0x100]  }
0x28d: {  	v1 =	vld [tilespmem:s22+$0x100];
	[tilespmem:s15+$0x70] =	vst v2  }
0x28e: {  	v2 =	vld [tilespmem:s16+$0x100];
	_ =	sdelay $0x1  }
0x28f: {  	[tilespmem:s15+$0xFFFFFC70] =	vst v3  }
0x290: {  	v3 =	vld [tilespmem:s23+$0x100];
	[tilespmem:s15+$0x280] =	vst v0  }
0x291: {  	[tilespmem:s15+$0xFFFFFE80] =	vst v1;
	v0 =	vld [tilespmem:s24+$0x110]  }
0x292: {  	v1 =	vld [tilespmem:s22+$0x110];
	[tilespmem:s15+$0x80] =	vst v2  }
0x293: {  	v2 =	vld [tilespmem:s16+$0x110];
	_ =	sdelay $0x1  }
0x294: {  	[tilespmem:s15+$0xFFFFFC80] =	vst v3  }
0x295: {  	v3 =	vld [tilespmem:s23+$0x110];
	[tilespmem:s15+$0x290] =	vst v0  }
0x296: {  	[tilespmem:s15+$0xFFFFFE90] =	vst v1;
	v0 =	vld [tilespmem:s24+$0x120]  }
0x297: {  	v1 =	vld [tilespmem:s22+$0x120];
	[tilespmem:s15+$0x90] =	vst v2  }
0x298: {  	v2 =	vld [tilespmem:s16+$0x120];
	_ =	sdelay $0x1  }
0x299: {  	[tilespmem:s15+$0xFFFFFC90] =	vst v3  }
0x29a: {  	v3 =	vld [tilespmem:s23+$0x120];
	[tilespmem:s15+$0x2A0] =	vst v0  }
0x29b: {  	[tilespmem:s15+$0xFFFFFEA0] =	vst v1;
	v0 =	vld [tilespmem:s24+$0x130]  }
0x29c: {  	v1 =	vld [tilespmem:s22+$0x130];
	[tilespmem:s15+$0xA0] =	vst v2  }
0x29d: {  	v2 =	vld [tilespmem:s16+$0x130];
	_ =	sdelay $0x1  }
0x29e: {  	[tilespmem:s15+$0xFFFFFCA0] =	vst v3  }
0x29f: {  	v3 =	vld [tilespmem:s23+$0x130];
	[tilespmem:s15+$0x2B0] =	vst v0  }
0x2a0: {  	[tilespmem:s15+$0xFFFFFEB0] =	vst v1;
	v0 =	vld [tilespmem:s24+$0x140]  }
0x2a1: {  	v1 =	vld [tilespmem:s22+$0x140];
	[tilespmem:s15+$0xB0] =	vst v2  }
0x2a2: {  	v2 =	vld [tilespmem:s16+$0x140];
	_ =	sdelay $0x1  }
0x2a3: {  	[tilespmem:s15+$0xFFFFFCB0] =	vst v3  }
0x2a4: {  	v3 =	vld [tilespmem:s23+$0x140];
	[tilespmem:s15+$0x2C0] =	vst v0  }
0x2a5: {  	[tilespmem:s15+$0xFFFFFEC0] =	vst v1;
	v0 =	vld [tilespmem:s24+$0x150]  }
0x2a6: {  	v1 =	vld [tilespmem:s22+$0x150];
	[tilespmem:s15+$0xC0] =	vst v2  }
0x2a7: {  	v2 =	vld [tilespmem:s16+$0x150];
	_ =	sdelay $0x1  }
0x2a8: {  	[tilespmem:s15+$0xFFFFFCC0] =	vst v3  }
0x2a9: {  	v3 =	vld [tilespmem:s23+$0x150];
	[tilespmem:s15+$0x2D0] =	vst v0  }
0x2aa: {  	[tilespmem:s15+$0xFFFFFED0] =	vst v1;
	v0 =	vld [tilespmem:s24+$0x160]  }
0x2ab: {  	v1 =	vld [tilespmem:s22+$0x160];
	[tilespmem:s15+$0xD0] =	vst v2  }
0x2ac: {  	v2 =	vld [tilespmem:s16+$0x160];
	_ =	sdelay $0x1  }
0x2ad: {  	[tilespmem:s15+$0xFFFFFCD0] =	vst v3  }
0x2ae: {  	v3 =	vld [tilespmem:s23+$0x160];
	[tilespmem:s15+$0x2E0] =	vst v0  }
0x2af: {  	[tilespmem:s15+$0xFFFFFEE0] =	vst v1;
	v0 =	vld [tilespmem:s24+$0x170]  }
0x2b0: {  	v1 =	vld [tilespmem:s22+$0x170];
	[tilespmem:s15+$0xE0] =	vst v2  }
0x2b1: {  	v2 =	vld [tilespmem:s16+$0x170];
	_ =	sdelay $0x1  }
0x2b2: {  	[tilespmem:s15+$0xFFFFFCE0] =	vst v3  }
0x2b3: {  	v3 =	vld [tilespmem:s23+$0x170];
	[tilespmem:s15+$0x2F0] =	vst v0  }
0x2b4: {  	[tilespmem:s15+$0xFFFFFEF0] =	vst v1;
	v0 =	vld [tilespmem:s24+$0x180]  }
0x2b5: {  	v1 =	vld [tilespmem:s22+$0x180];
	[tilespmem:s15+$0xF0] =	vst v2  }
0x2b6: {  	v2 =	vld [tilespmem:s16+$0x180];
	_ =	sdelay $0x1  }
0x2b7: {  	[tilespmem:s15+$0xFFFFFCF0] =	vst v3  }
0x2b8: {  	v3 =	vld [tilespmem:s23+$0x180];
	[tilespmem:s15+$0x300] =	vst v0  }
0x2b9: {  	[tilespmem:s15+$0xFFFFFF00] =	vst v1;
	v0 =	vld [tilespmem:s24+$0x190]  }
0x2ba: {  	v1 =	vld [tilespmem:s22+$0x190];
	[tilespmem:s15+$0x100] =	vst v2  }
0x2bb: {  	v2 =	vld [tilespmem:s16+$0x190];
	_ =	sdelay $0x1  }
0x2bc: {  	[tilespmem:s15+$0xFFFFFD00] =	vst v3  }
0x2bd: {  	v3 =	vld [tilespmem:s23+$0x190];
	[tilespmem:s15+$0x310] =	vst v0  }
0x2be: {  	[tilespmem:s15+$0xFFFFFF10] =	vst v1;
	v0 =	vld [tilespmem:s24+$0x1A0]  }
0x2bf: {  	v1 =	vld [tilespmem:s22+$0x1A0];
	[tilespmem:s15+$0x110] =	vst v2  }
0x2c0: {  	v2 =	vld [tilespmem:s16+$0x1A0];
	_ =	sdelay $0x1  }
0x2c1: {  	[tilespmem:s15+$0xFFFFFD10] =	vst v3  }
0x2c2: {  	v3 =	vld [tilespmem:s23+$0x1A0];
	[tilespmem:s15+$0x320] =	vst v0  }
0x2c3: {  	[tilespmem:s15+$0xFFFFFF20] =	vst v1;
	v0 =	vld [tilespmem:s24+$0x1B0]  }
0x2c4: {  	v1 =	vld [tilespmem:s22+$0x1B0];
	[tilespmem:s15+$0x120] =	vst v2  }
0x2c5: {  	v2 =	vld [tilespmem:s16+$0x1B0];
	_ =	sdelay $0x1  }
0x2c6: {  	[tilespmem:s15+$0xFFFFFD20] =	vst v3  }
0x2c7: {  	v3 =	vld [tilespmem:s23+$0x1B0];
	[tilespmem:s15+$0x330] =	vst v0  }
0x2c8: {  	[tilespmem:s15+$0xFFFFFF30] =	vst v1;
	v0 =	vld [tilespmem:s24+$0x1C0]  }
0x2c9: {  	v1 =	vld [tilespmem:s22+$0x1C0];
	[tilespmem:s15+$0x130] =	vst v2  }
0x2ca: {  	v2 =	vld [tilespmem:s16+$0x1C0];
	_ =	sdelay $0x1  }
0x2cb: {  	[tilespmem:s15+$0xFFFFFD30] =	vst v3  }
0x2cc: {  	v3 =	vld [tilespmem:s23+$0x1C0];
	s18 =	sld [smem:$0x47];
	[tilespmem:s15+$0x340] =	vst v0  }
0x2cd: {  	s17 =	sld [smem:$0x45];
	[tilespmem:s15+$0xFFFFFF40] =	vst v1;
	v0 =	vld [tilespmem:s24+$0x1D0]  }
0x2ce: {  	s20 =	sld [smem:$0x46];
	v1 =	vld [tilespmem:s22+$0x1D0];
	[tilespmem:s15+$0x140] =	vst v2  }
0x2cf: {  	s21 =	sld [smem:$0x44];
	v2 =	vld [tilespmem:s18+$0x80]  }
0x2d0: {  	v4 =	vld [tilespmem:s17+$0x80]  }
0x2d1: {  	[tilespmem:s15+$0xFFFFFD40] =	vst v3;
	v3 =	vld [tilespmem:s20+$0x80]  }
0x2d2: {  	v5 =	vld [tilespmem:s21+$0x80];
	[tilespmem:s15+$0x350] =	vst v0  }
0x2d3: {  	s19 =	simm.s32 $0x9A80;
	[tilespmem:s15+$0xFFFFFF50] =	vst v1;
	v0 =	vld [tilespmem:s24+$0x1E0]  }
0x2d4: {  	v1 =	vld [tilespmem:s23+$0x1D0];
	[tilespmem:s19+$0x200] =	vst v2  }
0x2d5: {  	[tilespmem:s19+$0xFFFFFE00] =	vst v4;
	v2 =	vld [tilespmem:s18+$0x90]  }
0x2d6: {  	v4 =	vld [tilespmem:s17+$0x90];
	[tilespmem:s19+$0x0] =	vst v3  }
0x2d7: {  	[tilespmem:s19+$0xFFFFFC00] =	vst v5;
	v3 =	vld [tilespmem:s20+$0x90]  }
0x2d8: {  	v5 =	vld [tilespmem:s21+$0x90];
	[tilespmem:s15+$0x360] =	vst v0  }
0x2d9: {  	[tilespmem:s15+$0xFFFFFD50] =	vst v1;
	v1 =	vld [tilespmem:s16+$0x1D0]  }
0x2da: {  	v0 =	vld [tilespmem:s24+$0x1F0];
	[tilespmem:s19+$0x210] =	vst v2  }
0x2db: {  	[tilespmem:s19+$0xFFFFFE10] =	vst v4;
	v2 =	vld [tilespmem:s18+$0xA0]  }
0x2dc: {  	v4 =	vld [tilespmem:s17+$0xA0];
	[tilespmem:s19+$0x10] =	vst v3  }
0x2dd: {  	[tilespmem:s19+$0xFFFFFC10] =	vst v5;
	v3 =	vld [tilespmem:s20+$0xA0]  }
0x2de: {  	[tilespmem:s15+$0x150] =	vst v1;
	v5 =	vld [tilespmem:s21+$0xA0]  }
0x2df: {  	v1 =	vld [tilespmem:s23+$0x1E0];
	[tilespmem:s15+$0x370] =	vst v0  }
0x2e0: {  	v0 =	vld [tilespmem:s24+$0x200];
	[tilespmem:s19+$0x220] =	vst v2  }
0x2e1: {  	[tilespmem:s19+$0xFFFFFE20] =	vst v4;
	v2 =	vld [tilespmem:s18+$0xB0]  }
0x2e2: {  	v4 =	vld [tilespmem:s17+$0xB0];
	[tilespmem:s19+$0x20] =	vst v3  }
0x2e3: {  	[tilespmem:s19+$0xFFFFFC20] =	vst v5;
	v3 =	vld [tilespmem:s20+$0xB0]  }
0x2e4: {  	[tilespmem:s15+$0xFFFFFD60] =	vst v1;
	v5 =	vld [tilespmem:s21+$0xB0]  }
0x2e5: {  	v1 =	vld [tilespmem:s22+$0x1E0];
	[tilespmem:s15+$0x380] =	vst v0  }
0x2e6: {  	v0 =	vld [tilespmem:s24+$0x210];
	[tilespmem:s19+$0x230] =	vst v2  }
0x2e7: {  	[tilespmem:s19+$0xFFFFFE30] =	vst v4;
	v2 =	vld [tilespmem:s18+$0xC0]  }
0x2e8: {  	v4 =	vld [tilespmem:s17+$0xC0];
	[tilespmem:s19+$0x30] =	vst v3  }
0x2e9: {  	[tilespmem:s19+$0xFFFFFC30] =	vst v5;
	v3 =	vld [tilespmem:s20+$0xC0]  }
0x2ea: {  	[tilespmem:s15+$0xFFFFFF60] =	vst v1;
	v5 =	vld [tilespmem:s21+$0xC0]  }
0x2eb: {  	v1 =	vld [tilespmem:s16+$0x1E0];
	[tilespmem:s15+$0x390] =	vst v0  }
0x2ec: {  	v0 =	vld [tilespmem:s24+$0x220];
	[tilespmem:s19+$0x240] =	vst v2  }
0x2ed: {  	[tilespmem:s19+$0xFFFFFE40] =	vst v4;
	v2 =	vld [tilespmem:s18+$0xD0]  }
0x2ee: {  	v4 =	vld [tilespmem:s17+$0xD0];
	[tilespmem:s19+$0x40] =	vst v3  }
0x2ef: {  	[tilespmem:s19+$0xFFFFFC40] =	vst v5;
	v3 =	vld [tilespmem:s20+$0xD0]  }
0x2f0: {  	[tilespmem:s15+$0x160] =	vst v1;
	v5 =	vld [tilespmem:s21+$0xD0]  }
0x2f1: {  	v1 =	vld [tilespmem:s23+$0x1F0];
	[tilespmem:s15+$0x3A0] =	vst v0  }
0x2f2: {  	v0 =	vld [tilespmem:s24+$0x230];
	[tilespmem:s19+$0x250] =	vst v2  }
0x2f3: {  	[tilespmem:s19+$0xFFFFFE50] =	vst v4;
	v2 =	vld [tilespmem:s18+$0xE0]  }
0x2f4: {  	v4 =	vld [tilespmem:s17+$0xE0];
	[tilespmem:s19+$0x50] =	vst v3  }
0x2f5: {  	[tilespmem:s19+$0xFFFFFC50] =	vst v5;
	v3 =	vld [tilespmem:s20+$0xE0]  }
0x2f6: {  	[tilespmem:s15+$0xFFFFFD70] =	vst v1;
	v5 =	vld [tilespmem:s21+$0xE0]  }
0x2f7: {  	v1 =	vld [tilespmem:s22+$0x1F0];
	[tilespmem:s15+$0x3B0] =	vst v0  }
0x2f8: {  	v0 =	vld [tilespmem:s24+$0x240];
	[tilespmem:s19+$0x260] =	vst v2  }
0x2f9: {  	[tilespmem:s19+$0xFFFFFE60] =	vst v4;
	v2 =	vld [tilespmem:s18+$0xF0]  }
0x2fa: {  	v4 =	vld [tilespmem:s17+$0xF0];
	[tilespmem:s19+$0x60] =	vst v3  }
0x2fb: {  	[tilespmem:s19+$0xFFFFFC60] =	vst v5;
	v3 =	vld [tilespmem:s20+$0xF0]  }
0x2fc: {  	[tilespmem:s15+$0xFFFFFF70] =	vst v1;
	v5 =	vld [tilespmem:s21+$0xF0]  }
0x2fd: {  	v1 =	vld [tilespmem:s16+$0x1F0];
	[tilespmem:s15+$0x3C0] =	vst v0  }
0x2fe: {  	v0 =	vld [tilespmem:s24+$0x250];
	[tilespmem:s19+$0x270] =	vst v2  }
0x2ff: {  	[tilespmem:s19+$0xFFFFFE70] =	vst v4;
	v2 =	vld [tilespmem:s18+$0x100]  }
0x300: {  	v4 =	vld [tilespmem:s17+$0x100];
	[tilespmem:s19+$0x70] =	vst v3  }
0x301: {  	[tilespmem:s19+$0xFFFFFC70] =	vst v5;
	v3 =	vld [tilespmem:s20+$0x100]  }
0x302: {  	[tilespmem:s15+$0x170] =	vst v1;
	v5 =	vld [tilespmem:s21+$0x100]  }
0x303: {  	v1 =	vld [tilespmem:s23+$0x200];
	[tilespmem:s15+$0x3D0] =	vst v0  }
0x304: {  	v0 =	vld [tilespmem:s24+$0x260];
	[tilespmem:s19+$0x280] =	vst v2  }
0x305: {  	[tilespmem:s19+$0xFFFFFE80] =	vst v4;
	v2 =	vld [tilespmem:s18+$0x110]  }
0x306: {  	v4 =	vld [tilespmem:s17+$0x110];
	[tilespmem:s19+$0x80] =	vst v3  }
0x307: {  	[tilespmem:s19+$0xFFFFFC80] =	vst v5;
	v3 =	vld [tilespmem:s20+$0x110]  }
0x308: {  	[tilespmem:s15+$0xFFFFFD80] =	vst v1;
	v5 =	vld [tilespmem:s21+$0x110]  }
0x309: {  	v1 =	vld [tilespmem:s22+$0x200];
	[tilespmem:s15+$0x3E0] =	vst v0  }
0x30a: {  	v0 =	vld [tilespmem:s24+$0x270];
	[tilespmem:s19+$0x290] =	vst v2  }
0x30b: {  	[tilespmem:s19+$0xFFFFFE90] =	vst v4;
	v2 =	vld [tilespmem:s18+$0x120]  }
0x30c: {  	v4 =	vld [tilespmem:s17+$0x120];
	[tilespmem:s19+$0x90] =	vst v3  }
0x30d: {  	[tilespmem:s19+$0xFFFFFC90] =	vst v5;
	v3 =	vld [tilespmem:s20+$0x120]  }
0x30e: {  	[tilespmem:s15+$0xFFFFFF80] =	vst v1;
	v5 =	vld [tilespmem:s21+$0x120]  }
0x30f: {  	v1 =	vld [tilespmem:s23+$0x210];
	[tilespmem:s15+$0x3F0] =	vst v0  }
0x310: {  	v0 =	vld [tilespmem:s16+$0x200];
	[tilespmem:s19+$0x2A0] =	vst v2  }
0x311: {  	[tilespmem:s19+$0xFFFFFEA0] =	vst v4;
	v2 =	vld [tilespmem:s18+$0x130]  }
0x312: {  	v4 =	vld [tilespmem:s17+$0x130];
	[tilespmem:s19+$0xA0] =	vst v3  }
0x313: {  	[tilespmem:s19+$0xFFFFFCA0] =	vst v5;
	v3 =	vld [tilespmem:s20+$0x130]  }
0x314: {  	[tilespmem:s15+$0xFFFFFD90] =	vst v1;
	v5 =	vld [tilespmem:s21+$0x130]  }
0x315: {  	[tilespmem:s15+$0x180] =	vst v0;
	v0 =	vld [tilespmem:s22+$0x210]  }
0x316: {  	v1 =	vld [tilespmem:s16+$0x210];
	[tilespmem:s19+$0x2B0] =	vst v2  }
0x317: {  	[tilespmem:s19+$0xFFFFFEB0] =	vst v4;
	v2 =	vld [tilespmem:s18+$0x140]  }
0x318: {  	v4 =	vld [tilespmem:s17+$0x140];
	[tilespmem:s19+$0xB0] =	vst v3  }
0x319: {  	[tilespmem:s19+$0xFFFFFCB0] =	vst v5;
	v3 =	vld [tilespmem:s20+$0x140]  }
0x31a: {  	[tilespmem:s15+$0xFFFFFF90] =	vst v0;
	v5 =	vld [tilespmem:s21+$0x140]  }
0x31b: {  	v0 =	vld [tilespmem:s23+$0x220];
	[tilespmem:s15+$0x190] =	vst v1  }
0x31c: {  	v1 =	vld [tilespmem:s22+$0x220];
	[tilespmem:s19+$0x2C0] =	vst v2  }
0x31d: {  	[tilespmem:s19+$0xFFFFFEC0] =	vst v4;
	v2 =	vld [tilespmem:s18+$0x150]  }
0x31e: {  	v4 =	vld [tilespmem:s17+$0x150];
	[tilespmem:s19+$0xC0] =	vst v3  }
0x31f: {  	[tilespmem:s19+$0xFFFFFCC0] =	vst v5;
	v3 =	vld [tilespmem:s20+$0x150]  }
0x320: {  	[tilespmem:s15+$0xFFFFFDA0] =	vst v0;
	v5 =	vld [tilespmem:s21+$0x150]  }
0x321: {  	v0 =	vld [tilespmem:s16+$0x220];
	[tilespmem:s15+$0xFFFFFFA0] =	vst v1  }
0x322: {  	v1 =	vld [tilespmem:s23+$0x230];
	[tilespmem:s19+$0x2D0] =	vst v2  }
0x323: {  	[tilespmem:s19+$0xFFFFFED0] =	vst v4;
	v2 =	vld [tilespmem:s18+$0x160]  }
0x324: {  	v4 =	vld [tilespmem:s17+$0x160];
	[tilespmem:s19+$0xD0] =	vst v3  }
0x325: {  	[tilespmem:s19+$0xFFFFFCD0] =	vst v5;
	v3 =	vld [tilespmem:s20+$0x160]  }
0x326: {  	[tilespmem:s15+$0x1A0] =	vst v0;
	v5 =	vld [tilespmem:s21+$0x160]  }
0x327: {  	v0 =	vld [tilespmem:s22+$0x230];
	[tilespmem:s15+$0xFFFFFDB0] =	vst v1  }
0x328: {  	v1 =	vld [tilespmem:s16+$0x230];
	[tilespmem:s19+$0x2E0] =	vst v2  }
0x329: {  	[tilespmem:s19+$0xFFFFFEE0] =	vst v4;
	v2 =	vld [tilespmem:s18+$0x170]  }
0x32a: {  	v4 =	vld [tilespmem:s17+$0x170];
	[tilespmem:s19+$0xE0] =	vst v3  }
0x32b: {  	[tilespmem:s19+$0xFFFFFCE0] =	vst v5;
	v3 =	vld [tilespmem:s20+$0x170]  }
0x32c: {  	[tilespmem:s15+$0xFFFFFFB0] =	vst v0;
	v5 =	vld [tilespmem:s21+$0x170]  }
0x32d: {  	v0 =	vld [tilespmem:s23+$0x240];
	[tilespmem:s15+$0x1B0] =	vst v1  }
0x32e: {  	v1 =	vld [tilespmem:s22+$0x240];
	[tilespmem:s19+$0x2F0] =	vst v2  }
0x32f: {  	[tilespmem:s19+$0xFFFFFEF0] =	vst v4;
	v2 =	vld [tilespmem:s18+$0x180]  }
0x330: {  	v4 =	vld [tilespmem:s17+$0x180];
	[tilespmem:s19+$0xF0] =	vst v3  }
0x331: {  	[tilespmem:s19+$0xFFFFFCF0] =	vst v5;
	v3 =	vld [tilespmem:s20+$0x180]  }
0x332: {  	[tilespmem:s15+$0xFFFFFDC0] =	vst v0;
	v5 =	vld [tilespmem:s21+$0x180]  }
0x333: {  	v0 =	vld [tilespmem:s16+$0x240];
	[tilespmem:s15+$0xFFFFFFC0] =	vst v1  }
0x334: {  	v1 =	vld [tilespmem:s23+$0x250];
	[tilespmem:s19+$0x300] =	vst v2  }
0x335: {  	[tilespmem:s19+$0xFFFFFF00] =	vst v4;
	v2 =	vld [tilespmem:s18+$0x190]  }
0x336: {  	v4 =	vld [tilespmem:s17+$0x190];
	[tilespmem:s19+$0x100] =	vst v3  }
0x337: {  	[tilespmem:s19+$0xFFFFFD00] =	vst v5;
	v3 =	vld [tilespmem:s20+$0x190]  }
0x338: {  	[tilespmem:s15+$0x1C0] =	vst v0;
	v5 =	vld [tilespmem:s21+$0x190]  }
0x339: {  	v0 =	vld [tilespmem:s22+$0x250];
	[tilespmem:s15+$0xFFFFFDD0] =	vst v1  }
0x33a: {  	v1 =	vld [tilespmem:s16+$0x250];
	[tilespmem:s19+$0x310] =	vst v2  }
0x33b: {  	[tilespmem:s19+$0xFFFFFF10] =	vst v4;
	v2 =	vld [tilespmem:s18+$0x1A0]  }
0x33c: {  	v4 =	vld [tilespmem:s17+$0x1A0];
	[tilespmem:s19+$0x110] =	vst v3  }
0x33d: {  	[tilespmem:s19+$0xFFFFFD10] =	vst v5;
	v3 =	vld [tilespmem:s20+$0x1A0]  }
0x33e: {  	[tilespmem:s15+$0xFFFFFFD0] =	vst v0;
	v5 =	vld [tilespmem:s21+$0x1A0]  }
0x33f: {  	v0 =	vld [tilespmem:s23+$0x260];
	[tilespmem:s15+$0x1D0] =	vst v1  }
0x340: {  	v1 =	vld [tilespmem:s22+$0x260];
	[tilespmem:s19+$0x320] =	vst v2  }
0x341: {  	[tilespmem:s19+$0xFFFFFF20] =	vst v4;
	v2 =	vld [tilespmem:s18+$0x1B0]  }
0x342: {  	v4 =	vld [tilespmem:s17+$0x1B0];
	[tilespmem:s19+$0x120] =	vst v3  }
0x343: {  	[tilespmem:s19+$0xFFFFFD20] =	vst v5;
	v3 =	vld [tilespmem:s20+$0x1B0]  }
0x344: {  	[tilespmem:s15+$0xFFFFFDE0] =	vst v0;
	v5 =	vld [tilespmem:s21+$0x1B0]  }
0x345: {  	v0 =	vld [tilespmem:s16+$0x260];
	[tilespmem:s15+$0xFFFFFFE0] =	vst v1  }
0x346: {  	v6 =	vld [tilespmem:s23+$0x270];
	[tilespmem:s19+$0x330] =	vst v2  }
0x347: {  	[tilespmem:s19+$0xFFFFFF30] =	vst v4;
	v4 =	vld [tilespmem:s18+$0x1C0]  }
0x348: {  	v2 =	vld [tilespmem:s17+$0x1C0];
	[tilespmem:s19+$0x130] =	vst v3  }
0x349: {  	[tilespmem:s19+$0xFFFFFD30] =	vst v5;
	v1 =	vld [tilespmem:s20+$0x1C0]  }
0x34a: {  	[tilespmem:s15+$0x1E0] =	vst v0;
	v3 =	vld [tilespmem:s21+$0x1C0]  }
0x34b: {  	s24 =	simm.s32 $0x4B;
	s23 =	simm.s32 $0x4;
	v0 =	vld [tilespmem:s22+$0x270];
	[tilespmem:s15+$0xFFFFFDF0] =	vst v6  }
.LBB2_4:
0x34c: {  	s26 =	sld [smem:s24+$0x0];
	s23 =	sadd.s32 $0x4, s23;
	[tilespmem:s19+$0x340] =	vst v4;
	v4 =	vld [tilespmem:s16+$0x270];
	s16 =	smov.u32 s20  }
0x34d: {  	s22 =	sld [smem:s24+$0xFFFFFFFE];
	p0 =	slt.u32 s23, $0x3C;
	[tilespmem:s19+$0xFFFFFF40] =	vst v2;
	v2 =	vld [tilespmem:s18+$0x1D0]  }
0x34e: {  	s20 =	sld [smem:s24+$0xFFFFFFFF];
	v5 =	vld [tilespmem:s17+$0x1D0];
	[tilespmem:s19+$0x140] =	vst v1  }
0x34f: {  	s25 =	sld [smem:s24+$0xFFFFFFFD];
	v1 =	vld [tilespmem:s26+$0x80];
	[tilespmem:s19+$0xFFFFFD40] =	vst v3  }
0x350: {  	v3 =	vld [tilespmem:s22+$0x80];
	[tilespmem:s15+$0xFFFFFFF0] =	vst v0  }
0x351: {  	v0 =	vld [tilespmem:s20+$0x80];
	[tilespmem:s15+$0x1F0] =	vst v4;
	s15 =	smov.u32 s19  }
0x352: {  	v4 =	vld [tilespmem:s25+$0x80];
	[tilespmem:s19+$0x350] =	vst v2  }
0x353: {  	s19 =	sadd.s32 $0x800, s19;
	[tilespmem:s15+$0xFFFFFF50] =	vst v5;
	v2 =	vld [tilespmem:s18+$0x1E0]  }
0x354: {  	[tilespmem:s19+$0x200] =	vst v1;
	v1 =	vld [tilespmem:s21+$0x1D0]  }
0x355: {  	[tilespmem:s19+$0xFFFFFE00] =	vst v3;
	v3 =	vld [tilespmem:s26+$0x90]  }
0x356: {  	v5 =	vld [tilespmem:s22+$0x90];
	[tilespmem:s19+$0x0] =	vst v0  }
0x357: {  	[tilespmem:s19+$0xFFFFFC00] =	vst v4;
	v0 =	vld [tilespmem:s20+$0x90]  }
0x358: {  	v4 =	vld [tilespmem:s25+$0x90];
	[tilespmem:s15+$0x360] =	vst v2  }
0x359: {  	[tilespmem:s15+$0xFFFFFD50] =	vst v1;
	v1 =	vld [tilespmem:s18+$0x1F0]  }
0x35a: {  	[tilespmem:s19+$0x210] =	vst v3;
	v2 =	vld [tilespmem:s16+$0x1D0]  }
0x35b: {  	[tilespmem:s19+$0xFFFFFE10] =	vst v5;
	v3 =	vld [tilespmem:s26+$0xA0]  }
0x35c: {  	v5 =	vld [tilespmem:s22+$0xA0];
	[tilespmem:s19+$0x10] =	vst v0  }
0x35d: {  	[tilespmem:s19+$0xFFFFFC10] =	vst v4;
	v0 =	vld [tilespmem:s20+$0xA0]  }
0x35e: {  	v4 =	vld [tilespmem:s25+$0xA0];
	[tilespmem:s15+$0x370] =	vst v1  }
0x35f: {  	[tilespmem:s15+$0x150] =	vst v2;
	v1 =	vld [tilespmem:s18+$0x200]  }
0x360: {  	[tilespmem:s19+$0x220] =	vst v3;
	v2 =	vld [tilespmem:s21+$0x1E0]  }
0x361: {  	[tilespmem:s19+$0xFFFFFE20] =	vst v5;
	v3 =	vld [tilespmem:s26+$0xB0]  }
0x362: {  	v5 =	vld [tilespmem:s22+$0xB0];
	[tilespmem:s19+$0x20] =	vst v0  }
0x363: {  	[tilespmem:s19+$0xFFFFFC20] =	vst v4;
	v0 =	vld [tilespmem:s20+$0xB0]  }
0x364: {  	v4 =	vld [tilespmem:s25+$0xB0];
	[tilespmem:s15+$0x380] =	vst v1  }
0x365: {  	[tilespmem:s15+$0xFFFFFD60] =	vst v2;
	v1 =	vld [tilespmem:s18+$0x210]  }
0x366: {  	[tilespmem:s19+$0x230] =	vst v3;
	v2 =	vld [tilespmem:s17+$0x1E0]  }
0x367: {  	[tilespmem:s19+$0xFFFFFE30] =	vst v5;
	v3 =	vld [tilespmem:s26+$0xC0]  }
0x368: {  	v5 =	vld [tilespmem:s22+$0xC0];
	[tilespmem:s19+$0x30] =	vst v0  }
0x369: {  	[tilespmem:s19+$0xFFFFFC30] =	vst v4;
	v0 =	vld [tilespmem:s20+$0xC0]  }
0x36a: {  	v4 =	vld [tilespmem:s25+$0xC0];
	[tilespmem:s15+$0x390] =	vst v1  }
0x36b: {  	[tilespmem:s15+$0xFFFFFF60] =	vst v2;
	v1 =	vld [tilespmem:s18+$0x220]  }
0x36c: {  	[tilespmem:s19+$0x240] =	vst v3;
	v2 =	vld [tilespmem:s16+$0x1E0]  }
0x36d: {  	[tilespmem:s19+$0xFFFFFE40] =	vst v5;
	v3 =	vld [tilespmem:s26+$0xD0]  }
0x36e: {  	v5 =	vld [tilespmem:s22+$0xD0];
	[tilespmem:s19+$0x40] =	vst v0  }
0x36f: {  	[tilespmem:s19+$0xFFFFFC40] =	vst v4;
	v0 =	vld [tilespmem:s20+$0xD0]  }
0x370: {  	v4 =	vld [tilespmem:s25+$0xD0];
	[tilespmem:s15+$0x3A0] =	vst v1  }
0x371: {  	[tilespmem:s15+$0x160] =	vst v2;
	v1 =	vld [tilespmem:s18+$0x230]  }
0x372: {  	[tilespmem:s19+$0x250] =	vst v3;
	v2 =	vld [tilespmem:s21+$0x1F0]  }
0x373: {  	[tilespmem:s19+$0xFFFFFE50] =	vst v5;
	v3 =	vld [tilespmem:s26+$0xE0]  }
0x374: {  	v5 =	vld [tilespmem:s22+$0xE0];
	[tilespmem:s19+$0x50] =	vst v0  }
0x375: {  	[tilespmem:s19+$0xFFFFFC50] =	vst v4;
	v0 =	vld [tilespmem:s20+$0xE0]  }
0x376: {  	v4 =	vld [tilespmem:s25+$0xE0];
	[tilespmem:s15+$0x3B0] =	vst v1  }
0x377: {  	[tilespmem:s15+$0xFFFFFD70] =	vst v2;
	v1 =	vld [tilespmem:s18+$0x240]  }
0x378: {  	[tilespmem:s19+$0x260] =	vst v3;
	v2 =	vld [tilespmem:s17+$0x1F0]  }
0x379: {  	[tilespmem:s19+$0xFFFFFE60] =	vst v5;
	v3 =	vld [tilespmem:s26+$0xF0]  }
0x37a: {  	v5 =	vld [tilespmem:s22+$0xF0];
	[tilespmem:s19+$0x60] =	vst v0  }
0x37b: {  	[tilespmem:s19+$0xFFFFFC60] =	vst v4;
	v0 =	vld [tilespmem:s20+$0xF0]  }
0x37c: {  	v4 =	vld [tilespmem:s25+$0xF0];
	[tilespmem:s15+$0x3C0] =	vst v1  }
0x37d: {  	[tilespmem:s15+$0xFFFFFF70] =	vst v2;
	v1 =	vld [tilespmem:s18+$0x250]  }
0x37e: {  	[tilespmem:s19+$0x270] =	vst v3;
	v2 =	vld [tilespmem:s16+$0x1F0]  }
0x37f: {  	[tilespmem:s19+$0xFFFFFE70] =	vst v5;
	v3 =	vld [tilespmem:s26+$0x100]  }
0x380: {  	v5 =	vld [tilespmem:s22+$0x100];
	[tilespmem:s19+$0x70] =	vst v0  }
0x381: {  	[tilespmem:s19+$0xFFFFFC70] =	vst v4;
	v0 =	vld [tilespmem:s20+$0x100]  }
0x382: {  	v4 =	vld [tilespmem:s25+$0x100];
	[tilespmem:s15+$0x3D0] =	vst v1  }
0x383: {  	[tilespmem:s15+$0x170] =	vst v2;
	v1 =	vld [tilespmem:s18+$0x260]  }
0x384: {  	[tilespmem:s19+$0x280] =	vst v3;
	v2 =	vld [tilespmem:s21+$0x200]  }
0x385: {  	[tilespmem:s19+$0xFFFFFE80] =	vst v5;
	v3 =	vld [tilespmem:s26+$0x110]  }
0x386: {  	v5 =	vld [tilespmem:s22+$0x110];
	[tilespmem:s19+$0x80] =	vst v0  }
0x387: {  	[tilespmem:s19+$0xFFFFFC80] =	vst v4;
	v0 =	vld [tilespmem:s20+$0x110]  }
0x388: {  	v4 =	vld [tilespmem:s25+$0x110];
	[tilespmem:s15+$0x3E0] =	vst v1  }
0x389: {  	[tilespmem:s15+$0xFFFFFD80] =	vst v2;
	v1 =	vld [tilespmem:s18+$0x270];
	s18 =	smov.u32 s26  }
0x38a: {  	[tilespmem:s19+$0x290] =	vst v3;
	v2 =	vld [tilespmem:s17+$0x200]  }
0x38b: {  	[tilespmem:s19+$0xFFFFFE90] =	vst v5;
	v3 =	vld [tilespmem:s18+$0x120]  }
0x38c: {  	v5 =	vld [tilespmem:s22+$0x120];
	[tilespmem:s19+$0x90] =	vst v0  }
0x38d: {  	[tilespmem:s19+$0xFFFFFC90] =	vst v4;
	v0 =	vld [tilespmem:s20+$0x120]  }
0x38e: {  	v4 =	vld [tilespmem:s25+$0x120];
	[tilespmem:s15+$0x3F0] =	vst v1  }
0x38f: {  	[tilespmem:s15+$0xFFFFFF80] =	vst v2;
	v1 =	vld [tilespmem:s16+$0x200]  }
0x390: {  	[tilespmem:s19+$0x2A0] =	vst v3;
	v2 =	vld [tilespmem:s21+$0x210]  }
0x391: {  	[tilespmem:s19+$0xFFFFFEA0] =	vst v5;
	v3 =	vld [tilespmem:s18+$0x130]  }
0x392: {  	v5 =	vld [tilespmem:s22+$0x130];
	[tilespmem:s19+$0xA0] =	vst v0  }
0x393: {  	[tilespmem:s19+$0xFFFFFCA0] =	vst v4;
	v0 =	vld [tilespmem:s20+$0x130]  }
0x394: {  	v4 =	vld [tilespmem:s25+$0x130];
	[tilespmem:s15+$0x180] =	vst v1  }
0x395: {  	[tilespmem:s15+$0xFFFFFD90] =	vst v2;
	v1 =	vld [tilespmem:s17+$0x210]  }
0x396: {  	[tilespmem:s19+$0x2B0] =	vst v3;
	v2 =	vld [tilespmem:s16+$0x210]  }
0x397: {  	[tilespmem:s19+$0xFFFFFEB0] =	vst v5;
	v3 =	vld [tilespmem:s18+$0x140]  }
0x398: {  	v5 =	vld [tilespmem:s22+$0x140];
	[tilespmem:s19+$0xB0] =	vst v0  }
0x399: {  	[tilespmem:s19+$0xFFFFFCB0] =	vst v4;
	v0 =	vld [tilespmem:s20+$0x140]  }
0x39a: {  	v4 =	vld [tilespmem:s25+$0x140];
	[tilespmem:s15+$0xFFFFFF90] =	vst v1  }
0x39b: {  	v1 =	vld [tilespmem:s21+$0x220];
	[tilespmem:s15+$0x190] =	vst v2  }
0x39c: {  	[tilespmem:s19+$0x2C0] =	vst v3;
	v2 =	vld [tilespmem:s17+$0x220]  }
0x39d: {  	[tilespmem:s19+$0xFFFFFEC0] =	vst v5;
	v3 =	vld [tilespmem:s18+$0x150]  }
0x39e: {  	v5 =	vld [tilespmem:s22+$0x150];
	[tilespmem:s19+$0xC0] =	vst v0  }
0x39f: {  	[tilespmem:s19+$0xFFFFFCC0] =	vst v4;
	v0 =	vld [tilespmem:s20+$0x150]  }
0x3a0: {  	v4 =	vld [tilespmem:s25+$0x150];
	[tilespmem:s15+$0xFFFFFDA0] =	vst v1  }
0x3a1: {  	[tilespmem:s15+$0xFFFFFFA0] =	vst v2;
	v1 =	vld [tilespmem:s16+$0x220]  }
0x3a2: {  	[tilespmem:s19+$0x2D0] =	vst v3;
	v2 =	vld [tilespmem:s21+$0x230]  }
0x3a3: {  	[tilespmem:s19+$0xFFFFFED0] =	vst v5;
	v3 =	vld [tilespmem:s18+$0x160]  }
0x3a4: {  	v5 =	vld [tilespmem:s22+$0x160];
	[tilespmem:s19+$0xD0] =	vst v0  }
0x3a5: {  	[tilespmem:s19+$0xFFFFFCD0] =	vst v4;
	v0 =	vld [tilespmem:s20+$0x160]  }
0x3a6: {  	v4 =	vld [tilespmem:s25+$0x160];
	[tilespmem:s15+$0x1A0] =	vst v1  }
0x3a7: {  	[tilespmem:s15+$0xFFFFFDB0] =	vst v2;
	v1 =	vld [tilespmem:s17+$0x230]  }
0x3a8: {  	[tilespmem:s19+$0x2E0] =	vst v3;
	v2 =	vld [tilespmem:s16+$0x230]  }
0x3a9: {  	[tilespmem:s19+$0xFFFFFEE0] =	vst v5;
	v3 =	vld [tilespmem:s18+$0x170]  }
0x3aa: {  	v5 =	vld [tilespmem:s22+$0x170];
	[tilespmem:s19+$0xE0] =	vst v0  }
0x3ab: {  	[tilespmem:s19+$0xFFFFFCE0] =	vst v4;
	v0 =	vld [tilespmem:s20+$0x170]  }
0x3ac: {  	v4 =	vld [tilespmem:s25+$0x170];
	[tilespmem:s15+$0xFFFFFFB0] =	vst v1  }
0x3ad: {  	v1 =	vld [tilespmem:s21+$0x240];
	[tilespmem:s15+$0x1B0] =	vst v2  }
0x3ae: {  	[tilespmem:s19+$0x2F0] =	vst v3;
	v2 =	vld [tilespmem:s17+$0x240]  }
0x3af: {  	[tilespmem:s19+$0xFFFFFEF0] =	vst v5;
	v3 =	vld [tilespmem:s18+$0x180]  }
0x3b0: {  	v5 =	vld [tilespmem:s22+$0x180];
	[tilespmem:s19+$0xF0] =	vst v0  }
0x3b1: {  	[tilespmem:s19+$0xFFFFFCF0] =	vst v4;
	v0 =	vld [tilespmem:s20+$0x180]  }
0x3b2: {  	v4 =	vld [tilespmem:s25+$0x180];
	[tilespmem:s15+$0xFFFFFDC0] =	vst v1  }
0x3b3: {  	[tilespmem:s15+$0xFFFFFFC0] =	vst v2;
	v1 =	vld [tilespmem:s16+$0x240]  }
0x3b4: {  	[tilespmem:s19+$0x300] =	vst v3;
	v2 =	vld [tilespmem:s21+$0x250]  }
0x3b5: {  	[tilespmem:s19+$0xFFFFFF00] =	vst v5;
	v3 =	vld [tilespmem:s18+$0x190]  }
0x3b6: {  	v5 =	vld [tilespmem:s22+$0x190];
	[tilespmem:s19+$0x100] =	vst v0  }
0x3b7: {  	[tilespmem:s19+$0xFFFFFD00] =	vst v4;
	v0 =	vld [tilespmem:s20+$0x190]  }
0x3b8: {  	v4 =	vld [tilespmem:s25+$0x190];
	[tilespmem:s15+$0x1C0] =	vst v1  }
0x3b9: {  	[tilespmem:s15+$0xFFFFFDD0] =	vst v2;
	v1 =	vld [tilespmem:s17+$0x250]  }
0x3ba: {  	[tilespmem:s19+$0x310] =	vst v3;
	v2 =	vld [tilespmem:s16+$0x250]  }
0x3bb: {  	[tilespmem:s19+$0xFFFFFF10] =	vst v5;
	v3 =	vld [tilespmem:s18+$0x1A0]  }
0x3bc: {  	v5 =	vld [tilespmem:s22+$0x1A0];
	[tilespmem:s19+$0x110] =	vst v0  }
0x3bd: {  	[tilespmem:s19+$0xFFFFFD10] =	vst v4;
	v0 =	vld [tilespmem:s20+$0x1A0]  }
0x3be: {  	v4 =	vld [tilespmem:s25+$0x1A0];
	[tilespmem:s15+$0xFFFFFFD0] =	vst v1  }
0x3bf: {  	v1 =	vld [tilespmem:s21+$0x260];
	[tilespmem:s15+$0x1D0] =	vst v2  }
0x3c0: {  	[tilespmem:s19+$0x320] =	vst v3;
	v2 =	vld [tilespmem:s17+$0x260]  }
0x3c1: {  	[tilespmem:s19+$0xFFFFFF20] =	vst v5;
	v3 =	vld [tilespmem:s18+$0x1B0]  }
0x3c2: {  	v5 =	vld [tilespmem:s22+$0x1B0];
	[tilespmem:s19+$0x120] =	vst v0  }
0x3c3: {  	[tilespmem:s19+$0xFFFFFD20] =	vst v4;
	v0 =	vld [tilespmem:s20+$0x1B0]  }
0x3c4: {  	v6 =	vld [tilespmem:s25+$0x1B0];
	[tilespmem:s15+$0xFFFFFDE0] =	vst v1  }
0x3c5: {  	[tilespmem:s15+$0xFFFFFFE0] =	vst v2;
	v7 =	vld [tilespmem:s16+$0x260]  }
0x3c6: {  	[tilespmem:s19+$0x330] =	vst v3;
	v8 =	vld [tilespmem:s21+$0x270];
	s21 =	smov.u32 s25  }
.Ltmp1:
0x3c7: {  	[tilespmem:s19+$0xFFFFFF30] =	vst v5;
	v4 =	vld [tilespmem:s18+$0x1C0];
	(pc) =	sbr.rel @p0 .LBB2_4-.Ltmp1, $4  }
0x3c8: {  	v2 =	vld [tilespmem:s22+$0x1C0];
	[tilespmem:s19+$0x130] =	vst v0  }
0x3c9: {  	[tilespmem:s19+$0xFFFFFD30] =	vst v6;
	v1 =	vld [tilespmem:s20+$0x1C0]  }
0x3ca: {  	v3 =	vld [tilespmem:s21+$0x1C0];
	[tilespmem:s15+$0x1E0] =	vst v7  }
0x3cb: {  	s24 =	sadd.s32 $0x4, s24;
	[tilespmem:s15+$0xFFFFFDF0] =	vst v8;
	v0 =	vld [tilespmem:s17+$0x270];
	s17 =	smov.u32 s22  }
0x3cc: {  	[tilespmem:s19+$0x340] =	vst v4  }
0x3cd: {  	v4 =	vld [tilespmem:s18+$0x1D0];
	[tilespmem:s19+$0xFFFFFF40] =	vst v2  }
0x3ce: {  	v58 =	vld [tilespmem:s17+$0x1D0];
	[tilespmem:s19+$0x140] =	vst v1  }
0x3cf: {  	[tilespmem:s19+$0xFFFFFD40] =	vst v3;
	v1 =	vld [tilespmem:s20+$0x1D0]  }
0x3d0: {  	v57 =	vld [tilespmem:s21+$0x1D0];
	_ =	sdelay $0x1  }
0x3d1: {  	[tilespmem:s19+$0x350] =	vst v4  }
0x3d2: {  	v4 =	vld [tilespmem:s18+$0x1E0];
	[tilespmem:s19+$0xFFFFFF50] =	vst v58  }
0x3d3: {  	[tilespmem:s19+$0x150] =	vst v1;
	v59 =	vld [tilespmem:s17+$0x1E0]  }
0x3d4: {  	[tilespmem:s19+$0xFFFFFD50] =	vst v57;
	v60 =	vld [tilespmem:s20+$0x1E0]  }
0x3d5: {  	v2 =	vld [tilespmem:s21+$0x1E0];
	_ =	sdelay $0x1  }
0x3d6: {  	[tilespmem:s19+$0x360] =	vst v4  }
0x3d7: {  	v4 =	vld [tilespmem:s18+$0x1F0];
	[tilespmem:s19+$0xFFFFFF60] =	vst v59  }
0x3d8: {  	[tilespmem:s19+$0x160] =	vst v60;
	v62 =	vld [tilespmem:s17+$0x1F0]  }
0x3d9: {  	[tilespmem:s19+$0xFFFFFD60] =	vst v2;
	v3 =	vld [tilespmem:s20+$0x1F0]  }
0x3da: {  	v61 =	vld [tilespmem:s21+$0x1F0];
	_ =	sdelay $0x1  }
0x3db: {  	[tilespmem:s19+$0x370] =	vst v4  }
0x3dc: {  	v4 =	vld [tilespmem:s18+$0x200];
	[tilespmem:s19+$0xFFFFFF70] =	vst v62  }
0x3dd: {  	[tilespmem:s19+$0x170] =	vst v3;
	v2 =	vld [tilespmem:s17+$0x200]  }
0x3de: {  	[tilespmem:s19+$0xFFFFFD70] =	vst v61;
	v3 =	vld [tilespmem:s20+$0x200]  }
0x3df: {  	v1 =	vld [tilespmem:s21+$0x200];
	_ =	sdelay $0x1  }
0x3e0: {  	[tilespmem:s19+$0x380] =	vst v4  }
0x3e1: {  	v4 =	vld [tilespmem:s18+$0x210];
	[tilespmem:s19+$0xFFFFFF80] =	vst v2  }
0x3e2: {  	[tilespmem:s19+$0x180] =	vst v3;
	v2 =	vld [tilespmem:s17+$0x210]  }
0x3e3: {  	[tilespmem:s19+$0xFFFFFD80] =	vst v1;
	v3 =	vld [tilespmem:s20+$0x210]  }
0x3e4: {  	v1 =	vld [tilespmem:s21+$0x210];
	_ =	sdelay $0x1  }
0x3e5: {  	[tilespmem:s19+$0x390] =	vst v4  }
0x3e6: {  	v4 =	vld [tilespmem:s18+$0x220];
	[tilespmem:s19+$0xFFFFFF90] =	vst v2  }
0x3e7: {  	[tilespmem:s19+$0x190] =	vst v3;
	v2 =	vld [tilespmem:s17+$0x220]  }
0x3e8: {  	[tilespmem:s19+$0xFFFFFD90] =	vst v1;
	v3 =	vld [tilespmem:s20+$0x220]  }
0x3e9: {  	v1 =	vld [tilespmem:s21+$0x220];
	_ =	sdelay $0x1  }
0x3ea: {  	[tilespmem:s19+$0x3A0] =	vst v4  }
0x3eb: {  	v4 =	vld [tilespmem:s18+$0x230];
	[tilespmem:s19+$0xFFFFFFA0] =	vst v2  }
0x3ec: {  	[tilespmem:s19+$0x1A0] =	vst v3;
	v2 =	vld [tilespmem:s17+$0x230]  }
0x3ed: {  	[tilespmem:s19+$0xFFFFFDA0] =	vst v1;
	v3 =	vld [tilespmem:s20+$0x230]  }
0x3ee: {  	v1 =	vld [tilespmem:s21+$0x230];
	_ =	sdelay $0x1  }
0x3ef: {  	[tilespmem:s19+$0x3B0] =	vst v4  }
0x3f0: {  	v4 =	vld [tilespmem:s18+$0x240];
	[tilespmem:s19+$0xFFFFFFB0] =	vst v2  }
0x3f1: {  	[tilespmem:s19+$0x1B0] =	vst v3;
	v2 =	vld [tilespmem:s17+$0x240]  }
0x3f2: {  	[tilespmem:s19+$0xFFFFFDB0] =	vst v1;
	v3 =	vld [tilespmem:s20+$0x240]  }
0x3f3: {  	v1 =	vld [tilespmem:s21+$0x240];
	_ =	sdelay $0x1  }
0x3f4: {  	[tilespmem:s19+$0x3C0] =	vst v4  }
0x3f5: {  	v4 =	vld [tilespmem:s18+$0x250];
	[tilespmem:s19+$0xFFFFFFC0] =	vst v2  }
0x3f6: {  	[tilespmem:s19+$0x1C0] =	vst v3;
	v2 =	vld [tilespmem:s17+$0x250]  }
0x3f7: {  	[tilespmem:s19+$0xFFFFFDC0] =	vst v1;
	v3 =	vld [tilespmem:s20+$0x250]  }
0x3f8: {  	v1 =	vld [tilespmem:s21+$0x250];
	_ =	sdelay $0x1  }
0x3f9: {  	[tilespmem:s19+$0x3D0] =	vst v4  }
0x3fa: {  	v4 =	vld [tilespmem:s18+$0x260];
	[tilespmem:s19+$0xFFFFFFD0] =	vst v2  }
0x3fb: {  	[tilespmem:s19+$0x1D0] =	vst v3;
	v2 =	vld [tilespmem:s17+$0x260]  }
0x3fc: {  	[tilespmem:s19+$0xFFFFFDD0] =	vst v1;
	v3 =	vld [tilespmem:s20+$0x260]  }
0x3fd: {  	v1 =	vld [tilespmem:s21+$0x260];
	_ =	sdelay $0x1  }
0x3fe: {  	v5 =	vld [tilespmem:s16+$0x270];
	[tilespmem:s19+$0x3E0] =	vst v4  }
0x3ff: {  	v4 =	vld [tilespmem:s18+$0x270];
	[tilespmem:s19+$0xFFFFFFE0] =	vst v2  }
0x400: {  	[tilespmem:s19+$0x1E0] =	vst v3;
	v2 =	vld [tilespmem:s17+$0x270]  }
0x401: {  	[tilespmem:s19+$0xFFFFFDE0] =	vst v1;
	v63 =	vld [tilespmem:s20+$0x270]  }
0x402: {  	[tilespmem:s15+$0xFFFFFFF0] =	vst v0;
	v1 =	vld [tilespmem:s21+$0x270]  }
0x403: {  	[tilespmem:s15+$0x1F0] =	vst v5  }
0x404: {  	[tilespmem:s19+$0x3F0] =	vst v4  }
0x405: {  	[tilespmem:s19+$0xFFFFFFF0] =	vst v2  }
0x406: {  	[tilespmem:s19+$0x1F0] =	vst v63  }
0x407: {  	s14 =	sadd.s32 $0x1, s14;
	[tilespmem:s19+$0xFFFFFDF0] =	vst v1  }
0x408: {  	[hbm4b:s6+s2] =	stream.linear.scatter [tilespmem:s11], [sflag:$0x2], $0x8000, $0x38;
	[tilespmem:$0x10E80] =	vst v63  }
0x409: {  	p0 =	sne.s32 s14, s7;
	_ =	swait.ge [sflag:s12], $0x8000  }
.Ltmp2:
0x40a: {  	[sflag:s12] =	ssyncset.done $0x0;
	(pc) =	sbr.rel @p0 .LBB2_1-.Ltmp2, $4  }
0x40b: {  	[sflag:s12] =	ssyncadd.s32 $0xFFFF8000  }
0x40c: {  	_ =	swait.ge [sflag:s13], $0x8000  }
0x40d: {  	[sflag:s13] =	ssyncset.done $0x0  }
0x40e: {  	[sflag:s13] =	ssyncadd.s32 $0xFFFF8000  }
0x40f: {  	_ =	sfence.sel $0x180000  }
0x410: {  	[bflag:$0x0] =	sbarrier.arrive $0xFFFF  }
0x411: {  	p0 =	sne.s32 s1, $0x0;
	_ =	strace $0x90000047  }
0x412: {  	s0 =	sadd.s32 @!p0 $0x100000, s0;
	[bflag:$0x2] =	sbarrier.arrive $0xFFFF  }
0x413: {  	[sflag:s0] =	ssyncadd.tile.s32 @!p0 $0x1;
	_ =	shalt  }
.Lfunc_end2:
_tile_overlayer_lowered:
.L_overlay_start_2:
0x414: {  	(tag) =	ssettag $0x2  }
0x415: {  	s0 =	rddreg [dreg:$0x0];
	s2 =	stileid.u32  }
0x416: {  	s1 =	rddreg [dreg:$0x1];
	p0 =	sne.s32 s2, $0x0  }
0x417: {  	s3 =	rddreg [dreg:$0x2];
	[bflag:$0x3] =	sbarrier.arrive $0xFFFF;
	s2 =	simm.s32 @!p0 $0x1C03  }
0x418: {  	[timem:s3], [sflag:s2] =	dma.local @!p0 [hbm:s0], s1  }
0x419: {  	s0 =	simm.s32 @!p0 $0x3  }
0x41a: {  	_ =	swait.ge @!p0 [sflag:s0], s1  }
0x41b: {  	s1 =	ssub.s32 @!p0 $0x0, s1;
	[sflag:s0] =	ssyncset.done @!p0 $0x0  }
0x41c: {  	[sflag:s0] =	ssyncadd.s32 @!p0 s1  }
0x41d: {  	[bflag:$0x3] =	sbarrier.arrive $0xFFFF  }
0x41e: {  	_ =	shalt  }

</sc_bundles>
